<compile_context>
chip_gen: v7x
topology: tpu7x:2x2x1
jax: 0.10.2.dev20260603
libtpu: 0.0.44.dev20260713+nightly
codegen_flags: <defaults>
</compile_context>

<pallas_src>
import functools
import jax
import jax.numpy as jnp
from jax import lax
from jax.experimental import pallas as pl
from jax.experimental.pallas import tpu as pltpu
from jax.experimental.pallas import tpu_sc as plsc

_NC = 2
_NS = 16
_NW = _NC * _NS
_L = 16
_NBUF = 3


def kernel(x, pos_embed_weight):
    S, B, D = x.shape
    pe = pos_embed_weight[:S]
    rows_per_w = S // _NW
    CS = 8
    n_chunks = rows_per_w // CS
    nvec = D // _L

    mesh = plsc.VectorSubcoreMesh(core_axis_name="c", subcore_axis_name="s")

    scratch = (
        [pltpu.VMEM((CS, B, D), jnp.float32) for _ in range(_NBUF)]
        + [pltpu.VMEM((CS, D), jnp.float32) for _ in range(_NBUF)]
        + [pltpu.SemaphoreType.DMA for _ in range(3 * _NBUF)]
    )

    @functools.partial(
        pl.kernel,
        mesh=mesh,
        out_type=jax.ShapeDtypeStruct((S, B, D), jnp.float32),
        scratch_types=scratch,
    )
    def k(x_hbm, pe_hbm, out_hbm, *bufs):
        xbufs = bufs[0:_NBUF]
        pbufs = bufs[_NBUF:2 * _NBUF]
        six = bufs[2 * _NBUF:3 * _NBUF]
        sip = bufs[3 * _NBUF:4 * _NBUF]
        so = bufs[4 * _NBUF:5 * _NBUF]
        wid = lax.axis_index("s") * _NC + lax.axis_index("c")
        base = wid * rows_per_w

        def issue_in(ci):
            p = ci % _NBUF
            r0 = base + ci * CS
            hx = pltpu.async_copy(x_hbm.at[pl.ds(r0, CS)], xbufs[p], six[p])
            hp = pltpu.async_copy(pe_hbm.at[pl.ds(r0, CS)], pbufs[p], sip[p])
            return hx, hp

        def compute(p):
            xb_ = xbufs[p]
            pb_ = pbufs[p]

            def row_body(r, _):
                @plsc.parallel_loop(0, nvec, unroll=8)
                def vec_body(j):
                    sl = pl.ds(j * _L, _L)
                    pev = pb_[r, sl]
                    for b in range(B):
                        xb_[r, b, sl] = xb_[r, b, sl] + pev

                return 0

            lax.fori_loop(0, CS, row_body, 0)

        hin = {}
        hout = {}
        for ci in range(min(_NBUF - 1, n_chunks)):
            hin[ci] = issue_in(ci)
        for ci in range(n_chunks):
            p = ci % _NBUF
            hx, hp = hin[ci]
            hx.wait()
            hp.wait()
            compute(p)
            r0 = base + ci * CS
            hout[ci] = pltpu.async_copy(xbufs[p], out_hbm.at[pl.ds(r0, CS)], so[p])
            nxt = ci + _NBUF - 1
            if nxt < n_chunks:
                if nxt - _NBUF >= 0:
                    hout[nxt - _NBUF].wait()
                hin[nxt] = issue_in(nxt)
        for ci in range(max(0, n_chunks - _NBUF), n_chunks):
            hout[ci].wait()

    return k(x, pe)

# --- scband reference (transcript-rebuilt; emitter-appended) ---
"""Pipeline reference for scband-positional-encoding-lut-23837068492908 (READ-ONLY COPY).

The authoritative reference and input builder live on the scoring server;
editing this copy changes nothing except your own understanding.
"""

import jax, jax.numpy as jnp
import numpy as np

D_MODEL = 1024
MAX_LEN = 2048
SEQ = 2048
BATCH = 4

def setup_inputs(seed: int = 0) -> dict:
    key = jax.random.key(seed)
    k_x, k_w = jax.random.split(key)
    x = jax.random.normal(k_x, (SEQ, BATCH, D_MODEL), dtype=jnp.float32)
    # kaiming_normal_ fan_in on [max_len, d_model]: std = sqrt(2 / fan_in) with fan_in = d_model
    std = float(np.sqrt(2.0 / D_MODEL))
    pos_embed_weight = jax.random.normal(k_w, (MAX_LEN, D_MODEL), dtype=jnp.float32) * std
    return {"x": x, "pos_embed_weight": pos_embed_weight}

def reference(x, pos_embed_weight):
    # pos = position[:x.size(0)] -> [S, 1]; embedding lookup -> [S, 1, d_model]
    S = x.shape[0]
    pos = jnp.arange(S, dtype=jnp.int32)
    pe = jnp.take(pos_embed_weight, pos, axis=0)[:, None, :]  # [S, 1, D]
    out = x + pe  # broadcast over batch dim
    # dropout p=0.0 -> identity
    return out

if __name__ == "__main__":
    import jax
    _d = setup_inputs()
    print(jax.jit(kernel)(*tuple(_d.values())))

</pallas_src>

<mosaic_0001>
#map = affine_map<(d0, d1) -> (0, 0, 0)>
#map1 = affine_map<(d0, d1) -> (0, 0)>
module attributes {stable_mosaic.version = 14 : i64} {
  func.func @k(%arg0: i32, %arg1: i32, %arg2: memref<2048x4x1024xf32, #tpu.memory_space<hbm>>, %arg3: memref<2048x1024xf32, #tpu.memory_space<hbm>>, %arg4: memref<2048x4x1024xf32, #tpu.memory_space<hbm>>, %arg5: memref<8x4x1024xf32, #tpu.memory_space<vmem>>, %arg6: memref<8x4x1024xf32, #tpu.memory_space<vmem>>, %arg7: memref<8x4x1024xf32, #tpu.memory_space<vmem>>, %arg8: memref<8x1024xf32, #tpu.memory_space<vmem>>, %arg9: memref<8x1024xf32, #tpu.memory_space<vmem>>, %arg10: memref<8x1024xf32, #tpu.memory_space<vmem>>, %arg11: memref<!tpu.dma_semaphore, #tpu.memory_space<semaphore_mem>>, %arg12: memref<!tpu.dma_semaphore, #tpu.memory_space<semaphore_mem>>, %arg13: memref<!tpu.dma_semaphore, #tpu.memory_space<semaphore_mem>>, %arg14: memref<!tpu.dma_semaphore, #tpu.memory_space<semaphore_mem>>, %arg15: memref<!tpu.dma_semaphore, #tpu.memory_space<semaphore_mem>>, %arg16: memref<!tpu.dma_semaphore, #tpu.memory_space<semaphore_mem>>, %arg17: memref<!tpu.dma_semaphore, #tpu.memory_space<semaphore_mem>>, %arg18: memref<!tpu.dma_semaphore, #tpu.memory_space<semaphore_mem>>, %arg19: memref<!tpu.dma_semaphore, #tpu.memory_space<semaphore_mem>>) attributes {dimension_semantics = [#tpu.dimension_semantics<core_parallel>, #tpu.dimension_semantics<subcore_parallel>], iteration_bounds = array<i64: 2, 16>, scalar_prefetch = 0 : i64, scratch_operands = 15 : i64, tpu.core_type = #tpu.core_type<sc_vector_subcore>, window_params = [{transform_indices = #map}, {transform_indices = #map1}, {transform_indices = #map}]} {
    %mul3A = arith.constant 2 : i32
    %mul3A_0 = arith.muli %arg1, %mul3A : i32
    %add3A = arith.addi %mul3A_0, %arg0 : i32
    %mul3A_1 = arith.constant 64 : i32
    %mul3A_2 = arith.muli %add3A, %mul3A_1 : i32
    %add3A_3 = arith.constant 0 : i32
    %add3A_4 = arith.addi %mul3A_2, %add3A_3 : i32
    %dma_start3A = arith.constant 0 : i32
    %dma_start3A_5 = arith.constant 0 : i32
    %dma_start3A_6 = tpu.memref_slice %arg2[%add3A_4, %dma_start3A, %dma_start3A_5] : memref<2048x4x1024xf32, #tpu.memory_space<hbm>> -> memref<8x4x1024xf32, #tpu.memory_space<hbm>>
    %dma_start3A_7 = arith.constant 0 : i32
    %dma_start3A_8 = arith.constant 0 : i32
    %dma_start3A_9 = tpu.memref_slice %arg2[%add3A_4, %dma_start3A_7, %dma_start3A_8] : memref<2048x4x1024xf32, #tpu.memory_space<hbm>> -> memref<8x4x1024xf32, #tpu.memory_space<hbm>>
    tpu.enqueue_dma source(%dma_start3A_9 : memref<8x4x1024xf32, #tpu.memory_space<hbm>>) target(%arg5 : memref<8x4x1024xf32, #tpu.memory_space<vmem>>) target_semaphore(%arg11 : memref<!tpu.dma_semaphore, #tpu.memory_space<semaphore_mem>>)
    %dma_start3A_10 = arith.constant 0 : i32
    %dma_start3A_11 = tpu.memref_slice %arg3[%add3A_4, %dma_start3A_10] : memref<2048x1024xf32, #tpu.memory_space<hbm>> -> memref<8x1024xf32, #tpu.memory_space<hbm>>
    %dma_start3A_12 = arith.constant 0 : i32
    %dma_start3A_13 = tpu.memref_slice %arg3[%add3A_4, %dma_start3A_12] : memref<2048x1024xf32, #tpu.memory_space<hbm>> -> memref<8x1024xf32, #tpu.memory_space<hbm>>
    tpu.enqueue_dma source(%dma_start3A_13 : memref<8x1024xf32, #tpu.memory_space<hbm>>) target(%arg8 : memref<8x1024xf32, #tpu.memory_space<vmem>>) target_semaphore(%arg14 : memref<!tpu.dma_semaphore, #tpu.memory_space<semaphore_mem>>)
    %add3A_14 = arith.constant 8 : i32
    %add3A_15 = arith.addi %mul3A_2, %add3A_14 : i32
    %dma_start3A_16 = arith.constant 0 : i32
    %dma_start3A_17 = arith.constant 0 : i32
    %dma_start3A_18 = tpu.memref_slice %arg2[%add3A_15, %dma_start3A_16, %dma_start3A_17] : memref<2048x4x1024xf32, #tpu.memory_space<hbm>> -> memref<8x4x1024xf32, #tpu.memory_space<hbm>>
    %dma_start3A_19 = arith.constant 0 : i32
    %dma_start3A_20 = arith.constant 0 : i32
    %dma_start3A_21 = tpu.memref_slice %arg2[%add3A_15, %dma_start3A_19, %dma_start3A_20] : memref<2048x4x1024xf32, #tpu.memory_space<hbm>> -> memref<8x4x1024xf32, #tpu.memory_space<hbm>>
    tpu.enqueue_dma source(%dma_start3A_21 : memref<8x4x1024xf32, #tpu.memory_space<hbm>>) target(%arg6 : memref<8x4x1024xf32, #tpu.memory_space<vmem>>) target_semaphore(%arg12 : memref<!tpu.dma_semaphore, #tpu.memory_space<semaphore_mem>>)
    %dma_start3A_22 = arith.constant 0 : i32
    %dma_start3A_23 = tpu.memref_slice %arg3[%add3A_15, %dma_start3A_22] : memref<2048x1024xf32, #tpu.memory_space<hbm>> -> memref<8x1024xf32, #tpu.memory_space<hbm>>
    %dma_start3A_24 = arith.constant 0 : i32
    %dma_start3A_25 = tpu.memref_slice %arg3[%add3A_15, %dma_start3A_24] : memref<2048x1024xf32, #tpu.memory_space<hbm>> -> memref<8x1024xf32, #tpu.memory_space<hbm>>
    tpu.enqueue_dma source(%dma_start3A_25 : memref<8x1024xf32, #tpu.memory_space<hbm>>) target(%arg9 : memref<8x1024xf32, #tpu.memory_space<vmem>>) target_semaphore(%arg15 : memref<!tpu.dma_semaphore, #tpu.memory_space<semaphore_mem>>)
    %dma_wait3A = arith.constant 0 : i32
    %dma_wait3A_26 = arith.constant 0 : i32
    %dma_wait3A_27 = tpu.memref_slice %arg2[%add3A_4, %dma_wait3A, %dma_wait3A_26] : memref<2048x4x1024xf32, #tpu.memory_space<hbm>> -> memref<8x4x1024xf32, #tpu.memory_space<hbm>>
    %dma_wait3A_28 = arith.constant 0 : i32
    %dma_wait3A_29 = arith.constant 0 : i32
    %dma_wait3A_30 = tpu.memref_slice %arg2[%add3A_4, %dma_wait3A_28, %dma_wait3A_29] : memref<2048x4x1024xf32, #tpu.memory_space<hbm>> -> memref<8x4x1024xf32, #tpu.memory_space<hbm>>
    tpu.wait_dma2 semaphore(%arg11 : memref<!tpu.dma_semaphore, #tpu.memory_space<semaphore_mem>>) src(%dma_wait3A_30 : memref<8x4x1024xf32, #tpu.memory_space<hbm>>) dst(%arg5 : memref<8x4x1024xf32, #tpu.memory_space<vmem>>)
    %dma_wait3A_31 = arith.constant 0 : i32
    %dma_wait3A_32 = tpu.memref_slice %arg3[%add3A_4, %dma_wait3A_31] : memref<2048x1024xf32, #tpu.memory_space<hbm>> -> memref<8x1024xf32, #tpu.memory_space<hbm>>
    %dma_wait3A_33 = arith.constant 0 : i32
    %dma_wait3A_34 = tpu.memref_slice %arg3[%add3A_4, %dma_wait3A_33] : memref<2048x1024xf32, #tpu.memory_space<hbm>> -> memref<8x1024xf32, #tpu.memory_space<hbm>>
    tpu.wait_dma2 semaphore(%arg14 : memref<!tpu.dma_semaphore, #tpu.memory_space<semaphore_mem>>) src(%dma_wait3A_34 : memref<8x1024xf32, #tpu.memory_space<hbm>>) dst(%arg8 : memref<8x1024xf32, #tpu.memory_space<vmem>>)
    %scan3A = arith.constant 0 : i32
    %scan3A_35 = arith.constant 0 : i32
    %scan3A_36 = arith.constant 8 : i32
    %scan3A_37 = arith.addi %scan3A_35, %scan3A_36 : i32
    %scan3A_38 = arith.constant 1 : i32
    %scan3A_39 = scf.for %scan3A_344 = %scan3A_35 to %scan3A_37 step %scan3A_38 iter_args(%scan3A_345 = %scan3A) -> (i32)  : i32 {
      %parallel_loop3A = arith.constant 0 : i32
      %parallel_loop3A_346 = arith.constant 64 : i32
      %parallel_loop3A_347 = arith.constant 1 : i32
      scf.for %parallel_loop3A_349 = %parallel_loop3A to %parallel_loop3A_346 step %parallel_loop3A_347  : i32 {
        %parallel_loop3A_350 = arith.constant 16 : i32
        %parallel_loop3A_351 = arith.muli %parallel_loop3A_349, %parallel_loop3A_350 : i32
        %parallel_loop3A_352 = arith.index_cast %scan3A_344 : i32 to index
        %parallel_loop3A_353 = arith.index_cast %parallel_loop3A_351 : i32 to index
        %parallel_loop3A_354 = tpu.vector_load %arg8[%parallel_loop3A_352, %parallel_loop3A_353] {strides = array<i32>} : memref<8x1024xf32, #tpu.memory_space<vmem>>, vector<1x16xf32>,
        %parallel_loop3A_355 = vector.shape_cast %parallel_loop3A_354 : vector<1x16xf32> to vector<16xf32>
        %parallel_loop3A_356 = arith.constant 0 : i32
        %parallel_loop3A_357 = arith.index_cast %scan3A_344 : i32 to index
        %parallel_loop3A_358 = arith.index_cast %parallel_loop3A_356 : i32 to index
        %parallel_loop3A_359 = arith.index_cast %parallel_loop3A_351 : i32 to index
        %parallel_loop3A_360 = tpu.vector_load %arg5[%parallel_loop3A_357, %parallel_loop3A_358, %parallel_loop3A_359] {strides = array<i32>} : memref<8x4x1024xf32, #tpu.memory_space<vmem>>, vector<1x1x16xf32>,
        %parallel_loop3A_361 = vector.shape_cast %parallel_loop3A_360 : vector<1x1x16xf32> to vector<16xf32>
        %parallel_loop3A_362 = arith.addf %parallel_loop3A_361, %parallel_loop3A_355 : vector<16xf32>
        %parallel_loop3A_363 = arith.constant 0 : i32
        %parallel_loop3A_364 = arith.index_cast %scan3A_344 : i32 to index
        %parallel_loop3A_365 = arith.index_cast %parallel_loop3A_363 : i32 to index
        %parallel_loop3A_366 = arith.index_cast %parallel_loop3A_351 : i32 to index
        %parallel_loop3A_367 = tpu.vector_load %arg5[%parallel_loop3A_364, %parallel_loop3A_365, %parallel_loop3A_366] {strides = array<i32>} : memref<8x4x1024xf32, #tpu.memory_space<vmem>>, vector<1x1x16xf32>,
        %parallel_loop3A_368 = vector.shape_cast %parallel_loop3A_367 : vector<1x1x16xf32> to vector<16xf32>
        %parallel_loop3A_369 = vector.shape_cast %parallel_loop3A_362 : vector<16xf32> to vector<1x1x16xf32>
        tpu.vector_store %arg5[%parallel_loop3A_364, %parallel_loop3A_365, %parallel_loop3A_366], %parallel_loop3A_369 {strides = array<i32>} : memref<8x4x1024xf32, #tpu.memory_space<vmem>>, vector<1x1x16xf32>,
        %parallel_loop3A_370 = arith.constant 1 : i32
        %parallel_loop3A_371 = arith.index_cast %scan3A_344 : i32 to index
        %parallel_loop3A_372 = arith.index_cast %parallel_loop3A_370 : i32 to index
        %parallel_loop3A_373 = arith.index_cast %parallel_loop3A_351 : i32 to index
        %parallel_loop3A_374 = tpu.vector_load %arg5[%parallel_loop3A_371, %parallel_loop3A_372, %parallel_loop3A_373] {strides = array<i32>} : memref<8x4x1024xf32, #tpu.memory_space<vmem>>, vector<1x1x16xf32>,
        %parallel_loop3A_375 = vector.shape_cast %parallel_loop3A_374 : vector<1x1x16xf32> to vector<16xf32>
        %parallel_loop3A_376 = arith.addf %parallel_loop3A_375, %parallel_loop3A_355 : vector<16xf32>
        %parallel_loop3A_377 = arith.constant 1 : i32
        %parallel_loop3A_378 = arith.index_cast %scan3A_344 : i32 to index
        %parallel_loop3A_379 = arith.index_cast %parallel_loop3A_377 : i32 to index
        %parallel_loop3A_380 = arith.index_cast %parallel_loop3A_351 : i32 to index
        %parallel_loop3A_381 = tpu.vector_load %arg5[%parallel_loop3A_378, %parallel_loop3A_379, %parallel_loop3A_380] {strides = array<i32>} : memref<8x4x1024xf32, #tpu.memory_space<vmem>>, vector<1x1x16xf32>,
        %parallel_loop3A_382 = vector.shape_cast %parallel_loop3A_381 : vector<1x1x16xf32> to vector<16xf32>
        %parallel_loop3A_383 = vector.shape_cast %parallel_loop3A_376 : vector<16xf32> to vector<1x1x16xf32>
        tpu.vector_store %arg5[%parallel_loop3A_378, %parallel_loop3A_379, %parallel_loop3A_380], %parallel_loop3A_383 {strides = array<i32>} : memref<8x4x1024xf32, #tpu.memory_space<vmem>>, vector<1x1x16xf32>,
        %parallel_loop3A_384 = arith.constant 2 : i32
        %parallel_loop3A_385 = arith.index_cast %scan3A_344 : i32 to index
        %parallel_loop3A_386 = arith.index_cast %parallel_loop3A_384 : i32 to index
        %parallel_loop3A_387 = arith.index_cast %parallel_loop3A_351 : i32 to index
        %parallel_loop3A_388 = tpu.vector_load %arg5[%parallel_loop3A_385, %parallel_loop3A_386, %parallel_loop3A_387] {strides = array<i32>} : memref<8x4x1024xf32, #tpu.memory_space<vmem>>, vector<1x1x16xf32>,
        %parallel_loop3A_389 = vector.shape_cast %parallel_loop3A_388 : vector<1x1x16xf32> to vector<16xf32>
        %parallel_loop3A_390 = arith.addf %parallel_loop3A_389, %parallel_loop3A_355 : vector<16xf32>
        %parallel_loop3A_391 = arith.constant 2 : i32
        %parallel_loop3A_392 = arith.index_cast %scan3A_344 : i32 to index
        %parallel_loop3A_393 = arith.index_cast %parallel_loop3A_391 : i32 to index
        %parallel_loop3A_394 = arith.index_cast %parallel_loop3A_351 : i32 to index
        %parallel_loop3A_395 = tpu.vector_load %arg5[%parallel_loop3A_392, %parallel_loop3A_393, %parallel_loop3A_394] {strides = array<i32>} : memref<8x4x1024xf32, #tpu.memory_space<vmem>>, vector<1x1x16xf32>,
        %parallel_loop3A_396 = vector.shape_cast %parallel_loop3A_395 : vector<1x1x16xf32> to vector<16xf32>
        %parallel_loop3A_397 = vector.shape_cast %parallel_loop3A_390 : vector<16xf32> to vector<1x1x16xf32>
        tpu.vector_store %arg5[%parallel_loop3A_392, %parallel_loop3A_393, %parallel_loop3A_394], %parallel_loop3A_397 {strides = array<i32>} : memref<8x4x1024xf32, #tpu.memory_space<vmem>>, vector<1x1x16xf32>,
        %parallel_loop3A_398 = arith.constant 3 : i32
        %parallel_loop3A_399 = arith.index_cast %scan3A_344 : i32 to index
        %parallel_loop3A_400 = arith.index_cast %parallel_loop3A_398 : i32 to index
        %parallel_loop3A_401 = arith.index_cast %parallel_loop3A_351 : i32 to index
        %parallel_loop3A_402 = tpu.vector_load %arg5[%parallel_loop3A_399, %parallel_loop3A_400, %parallel_loop3A_401] {strides = array<i32>} : memref<8x4x1024xf32, #tpu.memory_space<vmem>>, vector<1x1x16xf32>,
        %parallel_loop3A_403 = vector.shape_cast %parallel_loop3A_402 : vector<1x1x16xf32> to vector<16xf32>
        %parallel_loop3A_404 = arith.addf %parallel_loop3A_403, %parallel_loop3A_355 : vector<16xf32>
        %parallel_loop3A_405 = arith.constant 3 : i32
        %parallel_loop3A_406 = arith.index_cast %scan3A_344 : i32 to index
        %parallel_loop3A_407 = arith.index_cast %parallel_loop3A_405 : i32 to index
        %parallel_loop3A_408 = arith.index_cast %parallel_loop3A_351 : i32 to index
        %parallel_loop3A_409 = tpu.vector_load %arg5[%parallel_loop3A_406, %parallel_loop3A_407, %parallel_loop3A_408] {strides = array<i32>} : memref<8x4x1024xf32, #tpu.memory_space<vmem>>, vector<1x1x16xf32>,
        %parallel_loop3A_410 = vector.shape_cast %parallel_loop3A_409 : vector<1x1x16xf32> to vector<16xf32>
        %parallel_loop3A_411 = vector.shape_cast %parallel_loop3A_404 : vector<16xf32> to vector<1x1x16xf32>
        tpu.vector_store %arg5[%parallel_loop3A_406, %parallel_loop3A_407, %parallel_loop3A_408], %parallel_loop3A_411 {strides = array<i32>} : memref<8x4x1024xf32, #tpu.memory_space<vmem>>, vector<1x1x16xf32>,
      } {sc.loop_unroll_factor = 8 : i64, sc.parallel_access}
      %scan3A_348 = arith.constant 0 : i32
      scf.yield %scan3A_348 : i32
    }
    %scan3A_40 = arith.constant 8 : i32
    %add3A_41 = arith.constant 0 : i32
    %add3A_42 = arith.addi %mul3A_2, %add3A_41 : i32
    %dma_start3A_43 = arith.constant 0 : i32
    %dma_start3A_44 = arith.constant 0 : i32
    %dma_start3A_45 = tpu.memref_slice %arg4[%add3A_42, %dma_start3A_43, %dma_start3A_44] : memref<2048x4x1024xf32, #tpu.memory_space<hbm>> -> memref<8x4x1024xf32, #tpu.memory_space<hbm>>
    %dma_start3A_46 = arith.constant 0 : i32
    %dma_start3A_47 = arith.constant 0 : i32
    %dma_start3A_48 = tpu.memref_slice %arg4[%add3A_42, %dma_start3A_46, %dma_start3A_47] : memref<2048x4x1024xf32, #tpu.memory_space<hbm>> -> memref<8x4x1024xf32, #tpu.memory_space<hbm>>
    tpu.enqueue_dma source(%arg5 : memref<8x4x1024xf32, #tpu.memory_space<vmem>>) target(%dma_start3A_48 : memref<8x4x1024xf32, #tpu.memory_space<hbm>>) target_semaphore(%arg17 : memref<!tpu.dma_semaphore, #tpu.memory_space<semaphore_mem>>)
    %add3A_49 = arith.constant 16 : i32
    %add3A_50 = arith.addi %mul3A_2, %add3A_49 : i32
    %dma_start3A_51 = arith.constant 0 : i32
    %dma_start3A_52 = arith.constant 0 : i32
    %dma_start3A_53 = tpu.memref_slice %arg2[%add3A_50, %dma_start3A_51, %dma_start3A_52] : memref<2048x4x1024xf32, #tpu.memory_space<hbm>> -> memref<8x4x1024xf32, #tpu.memory_space<hbm>>
    %dma_start3A_54 = arith.constant 0 : i32
    %dma_start3A_55 = arith.constant 0 : i32
    %dma_start3A_56 = tpu.memref_slice %arg2[%add3A_50, %dma_start3A_54, %dma_start3A_55] : memref<2048x4x1024xf32, #tpu.memory_space<hbm>> -> memref<8x4x1024xf32, #tpu.memory_space<hbm>>
    tpu.enqueue_dma source(%dma_start3A_56 : memref<8x4x1024xf32, #tpu.memory_space<hbm>>) target(%arg7 : memref<8x4x1024xf32, #tpu.memory_space<vmem>>) target_semaphore(%arg13 : memref<!tpu.dma_semaphore, #tpu.memory_space<semaphore_mem>>)
    %dma_start3A_57 = arith.constant 0 : i32
    %dma_start3A_58 = tpu.memref_slice %arg3[%add3A_50, %dma_start3A_57] : memref<2048x1024xf32, #tpu.memory_space<hbm>> -> memref<8x1024xf32, #tpu.memory_space<hbm>>
    %dma_start3A_59 = arith.constant 0 : i32
    %dma_start3A_60 = tpu.memref_slice %arg3[%add3A_50, %dma_start3A_59] : memref<2048x1024xf32, #tpu.memory_space<hbm>> -> memref<8x1024xf32, #tpu.memory_space<hbm>>
    tpu.enqueue_dma source(%dma_start3A_60 : memref<8x1024xf32, #tpu.memory_space<hbm>>) target(%arg10 : memref<8x1024xf32, #tpu.memory_space<vmem>>) target_semaphore(%arg16 : memref<!tpu.dma_semaphore, #tpu.memory_space<semaphore_mem>>)
    %dma_wait3A_61 = arith.constant 0 : i32
    %dma_wait3A_62 = arith.constant 0 : i32
    %dma_wait3A_63 = tpu.memref_slice %arg2[%add3A_15, %dma_wait3A_61, %dma_wait3A_62] : memref<2048x4x1024xf32, #tpu.memory_space<hbm>> -> memref<8x4x1024xf32, #tpu.memory_space<hbm>>
    %dma_wait3A_64 = arith.constant 0 : i32
    %dma_wait3A_65 = arith.constant 0 : i32
    %dma_wait3A_66 = tpu.memref_slice %arg2[%add3A_15, %dma_wait3A_64, %dma_wait3A_65] : memref<2048x4x1024xf32, #tpu.memory_space<hbm>> -> memref<8x4x1024xf32, #tpu.memory_space<hbm>>
    tpu.wait_dma2 semaphore(%arg12 : memref<!tpu.dma_semaphore, #tpu.memory_space<semaphore_mem>>) src(%dma_wait3A_66 : memref<8x4x1024xf32, #tpu.memory_space<hbm>>) dst(%arg6 : memref<8x4x1024xf32, #tpu.memory_space<vmem>>)
    %dma_wait3A_67 = arith.constant 0 : i32
    %dma_wait3A_68 = tpu.memref_slice %arg3[%add3A_15, %dma_wait3A_67] : memref<2048x1024xf32, #tpu.memory_space<hbm>> -> memref<8x1024xf32, #tpu.memory_space<hbm>>
    %dma_wait3A_69 = arith.constant 0 : i32
    %dma_wait3A_70 = tpu.memref_slice %arg3[%add3A_15, %dma_wait3A_69] : memref<2048x1024xf32, #tpu.memory_space<hbm>> -> memref<8x1024xf32, #tpu.memory_space<hbm>>
    tpu.wait_dma2 semaphore(%arg15 : memref<!tpu.dma_semaphore, #tpu.memory_space<semaphore_mem>>) src(%dma_wait3A_70 : memref<8x1024xf32, #tpu.memory_space<hbm>>) dst(%arg9 : memref<8x1024xf32, #tpu.memory_space<vmem>>)
    %scan3A_71 = arith.constant 0 : i32
    %scan3A_72 = arith.constant 0 : i32
    %scan3A_73 = arith.constant 8 : i32
    %scan3A_74 = arith.addi %scan3A_72, %scan3A_73 : i32
    %scan3A_75 = arith.constant 1 : i32
    %scan3A_76 = scf.for %scan3A_344 = %scan3A_72 to %scan3A_74 step %scan3A_75 iter_args(%scan3A_345 = %scan3A_71) -> (i32)  : i32 {
      %parallel_loop3A = arith.constant 0 : i32
      %parallel_loop3A_346 = arith.constant 64 : i32
      %parallel_loop3A_347 = arith.constant 1 : i32
      scf.for %parallel_loop3A_349 = %parallel_loop3A to %parallel_loop3A_346 step %parallel_loop3A_347  : i32 {
        %parallel_loop3A_350 = arith.constant 16 : i32
        %parallel_loop3A_351 = arith.muli %parallel_loop3A_349, %parallel_loop3A_350 : i32
        %parallel_loop3A_352 = arith.index_cast %scan3A_344 : i32 to index
        %parallel_loop3A_353 = arith.index_cast %parallel_loop3A_351 : i32 to index
        %parallel_loop3A_354 = tpu.vector_load %arg9[%parallel_loop3A_352, %parallel_loop3A_353] {strides = array<i32>} : memref<8x1024xf32, #tpu.memory_space<vmem>>, vector<1x16xf32>,
        %parallel_loop3A_355 = vector.shape_cast %parallel_loop3A_354 : vector<1x16xf32> to vector<16xf32>
        %parallel_loop3A_356 = arith.constant 0 : i32
        %parallel_loop3A_357 = arith.index_cast %scan3A_344 : i32 to index
        %parallel_loop3A_358 = arith.index_cast %parallel_loop3A_356 : i32 to index
        %parallel_loop3A_359 = arith.index_cast %parallel_loop3A_351 : i32 to index
        %parallel_loop3A_360 = tpu.vector_load %arg6[%parallel_loop3A_357, %parallel_loop3A_358, %parallel_loop3A_359] {strides = array<i32>} : memref<8x4x1024xf32, #tpu.memory_space<vmem>>, vector<1x1x16xf32>,
        %parallel_loop3A_361 = vector.shape_cast %parallel_loop3A_360 : vector<1x1x16xf32> to vector<16xf32>
        %parallel_loop3A_362 = arith.addf %parallel_loop3A_361, %parallel_loop3A_355 : vector<16xf32>
        %parallel_loop3A_363 = arith.constant 0 : i32
        %parallel_loop3A_364 = arith.index_cast %scan3A_344 : i32 to index
        %parallel_loop3A_365 = arith.index_cast %parallel_loop3A_363 : i32 to index
        %parallel_loop3A_366 = arith.index_cast %parallel_loop3A_351 : i32 to index
        %parallel_loop3A_367 = tpu.vector_load %arg6[%parallel_loop3A_364, %parallel_loop3A_365, %parallel_loop3A_366] {strides = array<i32>} : memref<8x4x1024xf32, #tpu.memory_space<vmem>>, vector<1x1x16xf32>,
        %parallel_loop3A_368 = vector.shape_cast %parallel_loop3A_367 : vector<1x1x16xf32> to vector<16xf32>
        %parallel_loop3A_369 = vector.shape_cast %parallel_loop3A_362 : vector<16xf32> to vector<1x1x16xf32>
        tpu.vector_store %arg6[%parallel_loop3A_364, %parallel_loop3A_365, %parallel_loop3A_366], %parallel_loop3A_369 {strides = array<i32>} : memref<8x4x1024xf32, #tpu.memory_space<vmem>>, vector<1x1x16xf32>,
        %parallel_loop3A_370 = arith.constant 1 : i32
        %parallel_loop3A_371 = arith.index_cast %scan3A_344 : i32 to index
        %parallel_loop3A_372 = arith.index_cast %parallel_loop3A_370 : i32 to index
        %parallel_loop3A_373 = arith.index_cast %parallel_loop3A_351 : i32 to index
        %parallel_loop3A_374 = tpu.vector_load %arg6[%parallel_loop3A_371, %parallel_loop3A_372, %parallel_loop3A_373] {strides = array<i32>} : memref<8x4x1024xf32, #tpu.memory_space<vmem>>, vector<1x1x16xf32>,
        %parallel_loop3A_375 = vector.shape_cast %parallel_loop3A_374 : vector<1x1x16xf32> to vector<16xf32>
        %parallel_loop3A_376 = arith.addf %parallel_loop3A_375, %parallel_loop3A_355 : vector<16xf32>
        %parallel_loop3A_377 = arith.constant 1 : i32
        %parallel_loop3A_378 = arith.index_cast %scan3A_344 : i32 to index
        %parallel_loop3A_379 = arith.index_cast %parallel_loop3A_377 : i32 to index
        %parallel_loop3A_380 = arith.index_cast %parallel_loop3A_351 : i32 to index
        %parallel_loop3A_381 = tpu.vector_load %arg6[%parallel_loop3A_378, %parallel_loop3A_379, %parallel_loop3A_380] {strides = array<i32>} : memref<8x4x1024xf32, #tpu.memory_space<vmem>>, vector<1x1x16xf32>,
        %parallel_loop3A_382 = vector.shape_cast %parallel_loop3A_381 : vector<1x1x16xf32> to vector<16xf32>
        %parallel_loop3A_383 = vector.shape_cast %parallel_loop3A_376 : vector<16xf32> to vector<1x1x16xf32>
        tpu.vector_store %arg6[%parallel_loop3A_378, %parallel_loop3A_379, %parallel_loop3A_380], %parallel_loop3A_383 {strides = array<i32>} : memref<8x4x1024xf32, #tpu.memory_space<vmem>>, vector<1x1x16xf32>,
        %parallel_loop3A_384 = arith.constant 2 : i32
        %parallel_loop3A_385 = arith.index_cast %scan3A_344 : i32 to index
        %parallel_loop3A_386 = arith.index_cast %parallel_loop3A_384 : i32 to index
        %parallel_loop3A_387 = arith.index_cast %parallel_loop3A_351 : i32 to index
        %parallel_loop3A_388 = tpu.vector_load %arg6[%parallel_loop3A_385, %parallel_loop3A_386, %parallel_loop3A_387] {strides = array<i32>} : memref<8x4x1024xf32, #tpu.memory_space<vmem>>, vector<1x1x16xf32>,
        %parallel_loop3A_389 = vector.shape_cast %parallel_loop3A_388 : vector<1x1x16xf32> to vector<16xf32>
        %parallel_loop3A_390 = arith.addf %parallel_loop3A_389, %parallel_loop3A_355 : vector<16xf32>
        %parallel_loop3A_391 = arith.constant 2 : i32
        %parallel_loop3A_392 = arith.index_cast %scan3A_344 : i32 to index
        %parallel_loop3A_393 = arith.index_cast %parallel_loop3A_391 : i32 to index
        %parallel_loop3A_394 = arith.index_cast %parallel_loop3A_351 : i32 to index
        %parallel_loop3A_395 = tpu.vector_load %arg6[%parallel_loop3A_392, %parallel_loop3A_393, %parallel_loop3A_394] {strides = array<i32>} : memref<8x4x1024xf32, #tpu.memory_space<vmem>>, vector<1x1x16xf32>,
        %parallel_loop3A_396 = vector.shape_cast %parallel_loop3A_395 : vector<1x1x16xf32> to vector<16xf32>
        %parallel_loop3A_397 = vector.shape_cast %parallel_loop3A_390 : vector<16xf32> to vector<1x1x16xf32>
        tpu.vector_store %arg6[%parallel_loop3A_392, %parallel_loop3A_393, %parallel_loop3A_394], %parallel_loop3A_397 {strides = array<i32>} : memref<8x4x1024xf32, #tpu.memory_space<vmem>>, vector<1x1x16xf32>,
        %parallel_loop3A_398 = arith.constant 3 : i32
        %parallel_loop3A_399 = arith.index_cast %scan3A_344 : i32 to index
        %parallel_loop3A_400 = arith.index_cast %parallel_loop3A_398 : i32 to index
        %parallel_loop3A_401 = arith.index_cast %parallel_loop3A_351 : i32 to index
        %parallel_loop3A_402 = tpu.vector_load %arg6[%parallel_loop3A_399, %parallel_loop3A_400, %parallel_loop3A_401] {strides = array<i32>} : memref<8x4x1024xf32, #tpu.memory_space<vmem>>, vector<1x1x16xf32>,
        %parallel_loop3A_403 = vector.shape_cast %parallel_loop3A_402 : vector<1x1x16xf32> to vector<16xf32>
        %parallel_loop3A_404 = arith.addf %parallel_loop3A_403, %parallel_loop3A_355 : vector<16xf32>
        %parallel_loop3A_405 = arith.constant 3 : i32
        %parallel_loop3A_406 = arith.index_cast %scan3A_344 : i32 to index
        %parallel_loop3A_407 = arith.index_cast %parallel_loop3A_405 : i32 to index
        %parallel_loop3A_408 = arith.index_cast %parallel_loop3A_351 : i32 to index
        %parallel_loop3A_409 = tpu.vector_load %arg6[%parallel_loop3A_406, %parallel_loop3A_407, %parallel_loop3A_408] {strides = array<i32>} : memref<8x4x1024xf32, #tpu.memory_space<vmem>>, vector<1x1x16xf32>,
        %parallel_loop3A_410 = vector.shape_cast %parallel_loop3A_409 : vector<1x1x16xf32> to vector<16xf32>
        %parallel_loop3A_411 = vector.shape_cast %parallel_loop3A_404 : vector<16xf32> to vector<1x1x16xf32>
        tpu.vector_store %arg6[%parallel_loop3A_406, %parallel_loop3A_407, %parallel_loop3A_408], %parallel_loop3A_411 {strides = array<i32>} : memref<8x4x1024xf32, #tpu.memory_space<vmem>>, vector<1x1x16xf32>,
      } {sc.loop_unroll_factor = 8 : i64, sc.parallel_access}
      %scan3A_348 = arith.constant 0 : i32
      scf.yield %scan3A_348 : i32
    }
    %scan3A_77 = arith.constant 8 : i32
    %add3A_78 = arith.constant 8 : i32
    %add3A_79 = arith.addi %mul3A_2, %add3A_78 : i32
    %dma_start3A_80 = arith.constant 0 : i32
    %dma_start3A_81 = arith.constant 0 : i32
    %dma_start3A_82 = tpu.memref_slice %arg4[%add3A_79, %dma_start3A_80, %dma_start3A_81] : memref<2048x4x1024xf32, #tpu.memory_space<hbm>> -> memref<8x4x1024xf32, #tpu.memory_space<hbm>>
    %dma_start3A_83 = arith.constant 0 : i32
    %dma_start3A_84 = arith.constant 0 : i32
    %dma_start3A_85 = tpu.memref_slice %arg4[%add3A_79, %dma_start3A_83, %dma_start3A_84] : memref<2048x4x1024xf32, #tpu.memory_space<hbm>> -> memref<8x4x1024xf32, #tpu.memory_space<hbm>>
    tpu.enqueue_dma source(%arg6 : memref<8x4x1024xf32, #tpu.memory_space<vmem>>) target(%dma_start3A_85 : memref<8x4x1024xf32, #tpu.memory_space<hbm>>) target_semaphore(%arg18 : memref<!tpu.dma_semaphore, #tpu.memory_space<semaphore_mem>>)
    %dma_wait3A_86 = arith.constant 0 : i32
    %dma_wait3A_87 = arith.constant 0 : i32
    %dma_wait3A_88 = tpu.memref_slice %arg4[%add3A_42, %dma_wait3A_86, %dma_wait3A_87] : memref<2048x4x1024xf32, #tpu.memory_space<hbm>> -> memref<8x4x1024xf32, #tpu.memory_space<hbm>>
    %dma_wait3A_89 = arith.constant 0 : i32
    %dma_wait3A_90 = arith.constant 0 : i32
    %dma_wait3A_91 = tpu.memref_slice %arg4[%add3A_42, %dma_wait3A_89, %dma_wait3A_90] : memref<2048x4x1024xf32, #tpu.memory_space<hbm>> -> memref<8x4x1024xf32, #tpu.memory_space<hbm>>
    tpu.wait_dma2 semaphore(%arg17 : memref<!tpu.dma_semaphore, #tpu.memory_space<semaphore_mem>>) src(%arg5 : memref<8x4x1024xf32, #tpu.memory_space<vmem>>) dst(%dma_wait3A_91 : memref<8x4x1024xf32, #tpu.memory_space<hbm>>)
    %add3A_92 = arith.constant 24 : i32
    %add3A_93 = arith.addi %mul3A_2, %add3A_92 : i32
    %dma_start3A_94 = arith.constant 0 : i32
    %dma_start3A_95 = arith.constant 0 : i32
    %dma_start3A_96 = tpu.memref_slice %arg2[%add3A_93, %dma_start3A_94, %dma_start3A_95] : memref<2048x4x1024xf32, #tpu.memory_space<hbm>> -> memref<8x4x1024xf32, #tpu.memory_space<hbm>>
    %dma_start3A_97 = arith.constant 0 : i32
    %dma_start3A_98 = arith.constant 0 : i32
    %dma_start3A_99 = tpu.memref_slice %arg2[%add3A_93, %dma_start3A_97, %dma_start3A_98] : memref<2048x4x1024xf32, #tpu.memory_space<hbm>> -> memref<8x4x1024xf32, #tpu.memory_space<hbm>>
    tpu.enqueue_dma source(%dma_start3A_99 : memref<8x4x1024xf32, #tpu.memory_space<hbm>>) target(%arg5 : memref<8x4x1024xf32, #tpu.memory_space<vmem>>) target_semaphore(%arg11 : memref<!tpu.dma_semaphore, #tpu.memory_space<semaphore_mem>>)
    %dma_start3A_100 = arith.constant 0 : i32
    %dma_start3A_101 = tpu.memref_slice %arg3[%add3A_93, %dma_start3A_100] : memref<2048x1024xf32, #tpu.memory_space<hbm>> -> memref<8x1024xf32, #tpu.memory_space<hbm>>
    %dma_start3A_102 = arith.constant 0 : i32
    %dma_start3A_103 = tpu.memref_slice %arg3[%add3A_93, %dma_start3A_102] : memref<2048x1024xf32, #tpu.memory_space<hbm>> -> memref<8x1024xf32, #tpu.memory_space<hbm>>
    tpu.enqueue_dma source(%dma_start3A_103 : memref<8x1024xf32, #tpu.memory_space<hbm>>) target(%arg8 : memref<8x1024xf32, #tpu.memory_space<vmem>>) target_semaphore(%arg14 : memref<!tpu.dma_semaphore, #tpu.memory_space<semaphore_mem>>)
    %dma_wait3A_104 = arith.constant 0 : i32
    %dma_wait3A_105 = arith.constant 0 : i32
    %dma_wait3A_106 = tpu.memref_slice %arg2[%add3A_50, %dma_wait3A_104, %dma_wait3A_105] : memref<2048x4x1024xf32, #tpu.memory_space<hbm>> -> memref<8x4x1024xf32, #tpu.memory_space<hbm>>
    %dma_wait3A_107 = arith.constant 0 : i32
    %dma_wait3A_108 = arith.constant 0 : i32
    %dma_wait3A_109 = tpu.memref_slice %arg2[%add3A_50, %dma_wait3A_107, %dma_wait3A_108] : memref<2048x4x1024xf32, #tpu.memory_space<hbm>> -> memref<8x4x1024xf32, #tpu.memory_space<hbm>>
    tpu.wait_dma2 semaphore(%arg13 : memref<!tpu.dma_semaphore, #tpu.memory_space<semaphore_mem>>) src(%dma_wait3A_109 : memref<8x4x1024xf32, #tpu.memory_space<hbm>>) dst(%arg7 : memref<8x4x1024xf32, #tpu.memory_space<vmem>>)
    %dma_wait3A_110 = arith.constant 0 : i32
    %dma_wait3A_111 = tpu.memref_slice %arg3[%add3A_50, %dma_wait3A_110] : memref<2048x1024xf32, #tpu.memory_space<hbm>> -> memref<8x1024xf32, #tpu.memory_space<hbm>>
    %dma_wait3A_112 = arith.constant 0 : i32
    %dma_wait3A_113 = tpu.memref_slice %arg3[%add3A_50, %dma_wait3A_112] : memref<2048x1024xf32, #tpu.memory_space<hbm>> -> memref<8x1024xf32, #tpu.memory_space<hbm>>
    tpu.wait_dma2 semaphore(%arg16 : memref<!tpu.dma_semaphore, #tpu.memory_space<semaphore_mem>>) src(%dma_wait3A_113 : memref<8x1024xf32, #tpu.memory_space<hbm>>) dst(%arg10 : memref<8x1024xf32, #tpu.memory_space<vmem>>)
    %scan3A_114 = arith.constant 0 : i32
    %scan3A_115 = arith.constant 0 : i32
    %scan3A_116 = arith.constant 8 : i32
    %scan3A_117 = arith.addi %scan3A_115, %scan3A_116 : i32
    %scan3A_118 = arith.constant 1 : i32
    %scan3A_119 = scf.for %scan3A_344 = %scan3A_115 to %scan3A_117 step %scan3A_118 iter_args(%scan3A_345 = %scan3A_114) -> (i32)  : i32 {
      %parallel_loop3A = arith.constant 0 : i32
      %parallel_loop3A_346 = arith.constant 64 : i32
      %parallel_loop3A_347 = arith.constant 1 : i32
      scf.for %parallel_loop3A_349 = %parallel_loop3A to %parallel_loop3A_346 step %parallel_loop3A_347  : i32 {
        %parallel_loop3A_350 = arith.constant 16 : i32
        %parallel_loop3A_351 = arith.muli %parallel_loop3A_349, %parallel_loop3A_350 : i32
        %parallel_loop3A_352 = arith.index_cast %scan3A_344 : i32 to index
        %parallel_loop3A_353 = arith.index_cast %parallel_loop3A_351 : i32 to index
        %parallel_loop3A_354 = tpu.vector_load %arg10[%parallel_loop3A_352, %parallel_loop3A_353] {strides = array<i32>} : memref<8x1024xf32, #tpu.memory_space<vmem>>, vector<1x16xf32>,
        %parallel_loop3A_355 = vector.shape_cast %parallel_loop3A_354 : vector<1x16xf32> to vector<16xf32>
        %parallel_loop3A_356 = arith.constant 0 : i32
        %parallel_loop3A_357 = arith.index_cast %scan3A_344 : i32 to index
        %parallel_loop3A_358 = arith.index_cast %parallel_loop3A_356 : i32 to index
        %parallel_loop3A_359 = arith.index_cast %parallel_loop3A_351 : i32 to index
        %parallel_loop3A_360 = tpu.vector_load %arg7[%parallel_loop3A_357, %parallel_loop3A_358, %parallel_loop3A_359] {strides = array<i32>} : memref<8x4x1024xf32, #tpu.memory_space<vmem>>, vector<1x1x16xf32>,
        %parallel_loop3A_361 = vector.shape_cast %parallel_loop3A_360 : vector<1x1x16xf32> to vector<16xf32>
        %parallel_loop3A_362 = arith.addf %parallel_loop3A_361, %parallel_loop3A_355 : vector<16xf32>
        %parallel_loop3A_363 = arith.constant 0 : i32
        %parallel_loop3A_364 = arith.index_cast %scan3A_344 : i32 to index
        %parallel_loop3A_365 = arith.index_cast %parallel_loop3A_363 : i32 to index
        %parallel_loop3A_366 = arith.index_cast %parallel_loop3A_351 : i32 to index
        %parallel_loop3A_367 = tpu.vector_load %arg7[%parallel_loop3A_364, %parallel_loop3A_365, %parallel_loop3A_366] {strides = array<i32>} : memref<8x4x1024xf32, #tpu.memory_space<vmem>>, vector<1x1x16xf32>,
        %parallel_loop3A_368 = vector.shape_cast %parallel_loop3A_367 : vector<1x1x16xf32> to vector<16xf32>
        %parallel_loop3A_369 = vector.shape_cast %parallel_loop3A_362 : vector<16xf32> to vector<1x1x16xf32>
        tpu.vector_store %arg7[%parallel_loop3A_364, %parallel_loop3A_365, %parallel_loop3A_366], %parallel_loop3A_369 {strides = array<i32>} : memref<8x4x1024xf32, #tpu.memory_space<vmem>>, vector<1x1x16xf32>,
        %parallel_loop3A_370 = arith.constant 1 : i32
        %parallel_loop3A_371 = arith.index_cast %scan3A_344 : i32 to index
        %parallel_loop3A_372 = arith.index_cast %parallel_loop3A_370 : i32 to index
        %parallel_loop3A_373 = arith.index_cast %parallel_loop3A_351 : i32 to index
        %parallel_loop3A_374 = tpu.vector_load %arg7[%parallel_loop3A_371, %parallel_loop3A_372, %parallel_loop3A_373] {strides = array<i32>} : memref<8x4x1024xf32, #tpu.memory_space<vmem>>, vector<1x1x16xf32>,
        %parallel_loop3A_375 = vector.shape_cast %parallel_loop3A_374 : vector<1x1x16xf32> to vector<16xf32>
        %parallel_loop3A_376 = arith.addf %parallel_loop3A_375, %parallel_loop3A_355 : vector<16xf32>
        %parallel_loop3A_377 = arith.constant 1 : i32
        %parallel_loop3A_378 = arith.index_cast %scan3A_344 : i32 to index
        %parallel_loop3A_379 = arith.index_cast %parallel_loop3A_377 : i32 to index
        %parallel_loop3A_380 = arith.index_cast %parallel_loop3A_351 : i32 to index
        %parallel_loop3A_381 = tpu.vector_load %arg7[%parallel_loop3A_378, %parallel_loop3A_379, %parallel_loop3A_380] {strides = array<i32>} : memref<8x4x1024xf32, #tpu.memory_space<vmem>>, vector<1x1x16xf32>,
        %parallel_loop3A_382 = vector.shape_cast %parallel_loop3A_381 : vector<1x1x16xf32> to vector<16xf32>
        %parallel_loop3A_383 = vector.shape_cast %parallel_loop3A_376 : vector<16xf32> to vector<1x1x16xf32>
        tpu.vector_store %arg7[%parallel_loop3A_378, %parallel_loop3A_379, %parallel_loop3A_380], %parallel_loop3A_383 {strides = array<i32>} : memref<8x4x1024xf32, #tpu.memory_space<vmem>>, vector<1x1x16xf32>,
        %parallel_loop3A_384 = arith.constant 2 : i32
        %parallel_loop3A_385 = arith.index_cast %scan3A_344 : i32 to index
        %parallel_loop3A_386 = arith.index_cast %parallel_loop3A_384 : i32 to index
        %parallel_loop3A_387 = arith.index_cast %parallel_loop3A_351 : i32 to index
        %parallel_loop3A_388 = tpu.vector_load %arg7[%parallel_loop3A_385, %parallel_loop3A_386, %parallel_loop3A_387] {strides = array<i32>} : memref<8x4x1024xf32, #tpu.memory_space<vmem>>, vector<1x1x16xf32>,
        %parallel_loop3A_389 = vector.shape_cast %parallel_loop3A_388 : vector<1x1x16xf32> to vector<16xf32>
        %parallel_loop3A_390 = arith.addf %parallel_loop3A_389, %parallel_loop3A_355 : vector<16xf32>
        %parallel_loop3A_391 = arith.constant 2 : i32
        %parallel_loop3A_392 = arith.index_cast %scan3A_344 : i32 to index
        %parallel_loop3A_393 = arith.index_cast %parallel_loop3A_391 : i32 to index
        %parallel_loop3A_394 = arith.index_cast %parallel_loop3A_351 : i32 to index
        %parallel_loop3A_395 = tpu.vector_load %arg7[%parallel_loop3A_392, %parallel_loop3A_393, %parallel_loop3A_394] {strides = array<i32>} : memref<8x4x1024xf32, #tpu.memory_space<vmem>>, vector<1x1x16xf32>,
        %parallel_loop3A_396 = vector.shape_cast %parallel_loop3A_395 : vector<1x1x16xf32> to vector<16xf32>
        %parallel_loop3A_397 = vector.shape_cast %parallel_loop3A_390 : vector<16xf32> to vector<1x1x16xf32>
        tpu.vector_store %arg7[%parallel_loop3A_392, %parallel_loop3A_393, %parallel_loop3A_394], %parallel_loop3A_397 {strides = array<i32>} : memref<8x4x1024xf32, #tpu.memory_space<vmem>>, vector<1x1x16xf32>,
        %parallel_loop3A_398 = arith.constant 3 : i32
        %parallel_loop3A_399 = arith.index_cast %scan3A_344 : i32 to index
        %parallel_loop3A_400 = arith.index_cast %parallel_loop3A_398 : i32 to index
        %parallel_loop3A_401 = arith.index_cast %parallel_loop3A_351 : i32 to index
        %parallel_loop3A_402 = tpu.vector_load %arg7[%parallel_loop3A_399, %parallel_loop3A_400, %parallel_loop3A_401] {strides = array<i32>} : memref<8x4x1024xf32, #tpu.memory_space<vmem>>, vector<1x1x16xf32>,
        %parallel_loop3A_403 = vector.shape_cast %parallel_loop3A_402 : vector<1x1x16xf32> to vector<16xf32>
        %parallel_loop3A_404 = arith.addf %parallel_loop3A_403, %parallel_loop3A_355 : vector<16xf32>
        %parallel_loop3A_405 = arith.constant 3 : i32
        %parallel_loop3A_406 = arith.index_cast %scan3A_344 : i32 to index
        %parallel_loop3A_407 = arith.index_cast %parallel_loop3A_405 : i32 to index
        %parallel_loop3A_408 = arith.index_cast %parallel_loop3A_351 : i32 to index
        %parallel_loop3A_409 = tpu.vector_load %arg7[%parallel_loop3A_406, %parallel_loop3A_407, %parallel_loop3A_408] {strides = array<i32>} : memref<8x4x1024xf32, #tpu.memory_space<vmem>>, vector<1x1x16xf32>,
        %parallel_loop3A_410 = vector.shape_cast %parallel_loop3A_409 : vector<1x1x16xf32> to vector<16xf32>
        %parallel_loop3A_411 = vector.shape_cast %parallel_loop3A_404 : vector<16xf32> to vector<1x1x16xf32>
        tpu.vector_store %arg7[%parallel_loop3A_406, %parallel_loop3A_407, %parallel_loop3A_408], %parallel_loop3A_411 {strides = array<i32>} : memref<8x4x1024xf32, #tpu.memory_space<vmem>>, vector<1x1x16xf32>,
      } {sc.loop_unroll_factor = 8 : i64, sc.parallel_access}
      %scan3A_348 = arith.constant 0 : i32
      scf.yield %scan3A_348 : i32
    }
    %scan3A_120 = arith.constant 8 : i32
    %add3A_121 = arith.constant 16 : i32
    %add3A_122 = arith.addi %mul3A_2, %add3A_121 : i32
    %dma_start3A_123 = arith.constant 0 : i32
    %dma_start3A_124 = arith.constant 0 : i32
    %dma_start3A_125 = tpu.memref_slice %arg4[%add3A_122, %dma_start3A_123, %dma_start3A_124] : memref<2048x4x1024xf32, #tpu.memory_space<hbm>> -> memref<8x4x1024xf32, #tpu.memory_space<hbm>>
    %dma_start3A_126 = arith.constant 0 : i32
    %dma_start3A_127 = arith.constant 0 : i32
    %dma_start3A_128 = tpu.memref_slice %arg4[%add3A_122, %dma_start3A_126, %dma_start3A_127] : memref<2048x4x1024xf32, #tpu.memory_space<hbm>> -> memref<8x4x1024xf32, #tpu.memory_space<hbm>>
    tpu.enqueue_dma source(%arg7 : memref<8x4x1024xf32, #tpu.memory_space<vmem>>) target(%dma_start3A_128 : memref<8x4x1024xf32, #tpu.memory_space<hbm>>) target_semaphore(%arg19 : memref<!tpu.dma_semaphore, #tpu.memory_space<semaphore_mem>>)
    %dma_wait3A_129 = arith.constant 0 : i32
    %dma_wait3A_130 = arith.constant 0 : i32
    %dma_wait3A_131 = tpu.memref_slice %arg4[%add3A_79, %dma_wait3A_129, %dma_wait3A_130] : memref<2048x4x1024xf32, #tpu.memory_space<hbm>> -> memref<8x4x1024xf32, #tpu.memory_space<hbm>>
    %dma_wait3A_132 = arith.constant 0 : i32
    %dma_wait3A_133 = arith.constant 0 : i32
    %dma_wait3A_134 = tpu.memref_slice %arg4[%add3A_79, %dma_wait3A_132, %dma_wait3A_133] : memref<2048x4x1024xf32, #tpu.memory_space<hbm>> -> memref<8x4x1024xf32, #tpu.memory_space<hbm>>
    tpu.wait_dma2 semaphore(%arg18 : memref<!tpu.dma_semaphore, #tpu.memory_space<semaphore_mem>>) src(%arg6 : memref<8x4x1024xf32, #tpu.memory_space<vmem>>) dst(%dma_wait3A_134 : memref<8x4x1024xf32, #tpu.memory_space<hbm>>)
    %add3A_135 = arith.constant 32 : i32
    %add3A_136 = arith.addi %mul3A_2, %add3A_135 : i32
    %dma_start3A_137 = arith.constant 0 : i32
    %dma_start3A_138 = arith.constant 0 : i32
    %dma_start3A_139 = tpu.memref_slice %arg2[%add3A_136, %dma_start3A_137, %dma_start3A_138] : memref<2048x4x1024xf32, #tpu.memory_space<hbm>> -> memref<8x4x1024xf32, #tpu.memory_space<hbm>>
    %dma_start3A_140 = arith.constant 0 : i32
    %dma_start3A_141 = arith.constant 0 : i32
    %dma_start3A_142 = tpu.memref_slice %arg2[%add3A_136, %dma_start3A_140, %dma_start3A_141] : memref<2048x4x1024xf32, #tpu.memory_space<hbm>> -> memref<8x4x1024xf32, #tpu.memory_space<hbm>>
    tpu.enqueue_dma source(%dma_start3A_142 : memref<8x4x1024xf32, #tpu.memory_space<hbm>>) target(%arg6 : memref<8x4x1024xf32, #tpu.memory_space<vmem>>) target_semaphore(%arg12 : memref<!tpu.dma_semaphore, #tpu.memory_space<semaphore_mem>>)
    %dma_start3A_143 = arith.constant 0 : i32
    %dma_start3A_144 = tpu.memref_slice %arg3[%add3A_136, %dma_start3A_143] : memref<2048x1024xf32, #tpu.memory_space<hbm>> -> memref<8x1024xf32, #tpu.memory_space<hbm>>
    %dma_start3A_145 = arith.constant 0 : i32
    %dma_start3A_146 = tpu.memref_slice %arg3[%add3A_136, %dma_start3A_145] : memref<2048x1024xf32, #tpu.memory_space<hbm>> -> memref<8x1024xf32, #tpu.memory_space<hbm>>
    tpu.enqueue_dma source(%dma_start3A_146 : memref<8x1024xf32, #tpu.memory_space<hbm>>) target(%arg9 : memref<8x1024xf32, #tpu.memory_space<vmem>>) target_semaphore(%arg15 : memref<!tpu.dma_semaphore, #tpu.memory_space<semaphore_mem>>)
    %dma_wait3A_147 = arith.constant 0 : i32
    %dma_wait3A_148 = arith.constant 0 : i32
    %dma_wait3A_149 = tpu.memref_slice %arg2[%add3A_93, %dma_wait3A_147, %dma_wait3A_148] : memref<2048x4x1024xf32, #tpu.memory_space<hbm>> -> memref<8x4x1024xf32, #tpu.memory_space<hbm>>
    %dma_wait3A_150 = arith.constant 0 : i32
    %dma_wait3A_151 = arith.constant 0 : i32
    %dma_wait3A_152 = tpu.memref_slice %arg2[%add3A_93, %dma_wait3A_150, %dma_wait3A_151] : memref<2048x4x1024xf32, #tpu.memory_space<hbm>> -> memref<8x4x1024xf32, #tpu.memory_space<hbm>>
    tpu.wait_dma2 semaphore(%arg11 : memref<!tpu.dma_semaphore, #tpu.memory_space<semaphore_mem>>) src(%dma_wait3A_152 : memref<8x4x1024xf32, #tpu.memory_space<hbm>>) dst(%arg5 : memref<8x4x1024xf32, #tpu.memory_space<vmem>>)
    %dma_wait3A_153 = arith.constant 0 : i32
    %dma_wait3A_154 = tpu.memref_slice %arg3[%add3A_93, %dma_wait3A_153] : memref<2048x1024xf32, #tpu.memory_space<hbm>> -> memref<8x1024xf32, #tpu.memory_space<hbm>>
    %dma_wait3A_155 = arith.constant 0 : i32
    %dma_wait3A_156 = tpu.memref_slice %arg3[%add3A_93, %dma_wait3A_155] : memref<2048x1024xf32, #tpu.memory_space<hbm>> -> memref<8x1024xf32, #tpu.memory_space<hbm>>
    tpu.wait_dma2 semaphore(%arg14 : memref<!tpu.dma_semaphore, #tpu.memory_space<semaphore_mem>>) src(%dma_wait3A_156 : memref<8x1024xf32, #tpu.memory_space<hbm>>) dst(%arg8 : memref<8x1024xf32, #tpu.memory_space<vmem>>)
    %scan3A_157 = arith.constant 0 : i32
    %scan3A_158 = arith.constant 0 : i32
    %scan3A_159 = arith.constant 8 : i32
    %scan3A_160 = arith.addi %scan3A_158, %scan3A_159 : i32
    %scan3A_161 = arith.constant 1 : i32
    %scan3A_162 = scf.for %scan3A_344 = %scan3A_158 to %scan3A_160 step %scan3A_161 iter_args(%scan3A_345 = %scan3A_157) -> (i32)  : i32 {
      %parallel_loop3A = arith.constant 0 : i32
      %parallel_loop3A_346 = arith.constant 64 : i32
      %parallel_loop3A_347 = arith.constant 1 : i32
      scf.for %parallel_loop3A_349 = %parallel_loop3A to %parallel_loop3A_346 step %parallel_loop3A_347  : i32 {
        %parallel_loop3A_350 = arith.constant 16 : i32
        %parallel_loop3A_351 = arith.muli %parallel_loop3A_349, %parallel_loop3A_350 : i32
        %parallel_loop3A_352 = arith.index_cast %scan3A_344 : i32 to index
        %parallel_loop3A_353 = arith.index_cast %parallel_loop3A_351 : i32 to index
        %parallel_loop3A_354 = tpu.vector_load %arg8[%parallel_loop3A_352, %parallel_loop3A_353] {strides = array<i32>} : memref<8x1024xf32, #tpu.memory_space<vmem>>, vector<1x16xf32>,
        %parallel_loop3A_355 = vector.shape_cast %parallel_loop3A_354 : vector<1x16xf32> to vector<16xf32>
        %parallel_loop3A_356 = arith.constant 0 : i32
        %parallel_loop3A_357 = arith.index_cast %scan3A_344 : i32 to index
        %parallel_loop3A_358 = arith.index_cast %parallel_loop3A_356 : i32 to index
        %parallel_loop3A_359 = arith.index_cast %parallel_loop3A_351 : i32 to index
        %parallel_loop3A_360 = tpu.vector_load %arg5[%parallel_loop3A_357, %parallel_loop3A_358, %parallel_loop3A_359] {strides = array<i32>} : memref<8x4x1024xf32, #tpu.memory_space<vmem>>, vector<1x1x16xf32>,
        %parallel_loop3A_361 = vector.shape_cast %parallel_loop3A_360 : vector<1x1x16xf32> to vector<16xf32>
        %parallel_loop3A_362 = arith.addf %parallel_loop3A_361, %parallel_loop3A_355 : vector<16xf32>
        %parallel_loop3A_363 = arith.constant 0 : i32
        %parallel_loop3A_364 = arith.index_cast %scan3A_344 : i32 to index
        %parallel_loop3A_365 = arith.index_cast %parallel_loop3A_363 : i32 to index
        %parallel_loop3A_366 = arith.index_cast %parallel_loop3A_351 : i32 to index
        %parallel_loop3A_367 = tpu.vector_load %arg5[%parallel_loop3A_364, %parallel_loop3A_365, %parallel_loop3A_366] {strides = array<i32>} : memref<8x4x1024xf32, #tpu.memory_space<vmem>>, vector<1x1x16xf32>,
        %parallel_loop3A_368 = vector.shape_cast %parallel_loop3A_367 : vector<1x1x16xf32> to vector<16xf32>
        %parallel_loop3A_369 = vector.shape_cast %parallel_loop3A_362 : vector<16xf32> to vector<1x1x16xf32>
        tpu.vector_store %arg5[%parallel_loop3A_364, %parallel_loop3A_365, %parallel_loop3A_366], %parallel_loop3A_369 {strides = array<i32>} : memref<8x4x1024xf32, #tpu.memory_space<vmem>>, vector<1x1x16xf32>,
        %parallel_loop3A_370 = arith.constant 1 : i32
        %parallel_loop3A_371 = arith.index_cast %scan3A_344 : i32 to index
        %parallel_loop3A_372 = arith.index_cast %parallel_loop3A_370 : i32 to index
        %parallel_loop3A_373 = arith.index_cast %parallel_loop3A_351 : i32 to index
        %parallel_loop3A_374 = tpu.vector_load %arg5[%parallel_loop3A_371, %parallel_loop3A_372, %parallel_loop3A_373] {strides = array<i32>} : memref<8x4x1024xf32, #tpu.memory_space<vmem>>, vector<1x1x16xf32>,
        %parallel_loop3A_375 = vector.shape_cast %parallel_loop3A_374 : vector<1x1x16xf32> to vector<16xf32>
        %parallel_loop3A_376 = arith.addf %parallel_loop3A_375, %parallel_loop3A_355 : vector<16xf32>
        %parallel_loop3A_377 = arith.constant 1 : i32
        %parallel_loop3A_378 = arith.index_cast %scan3A_344 : i32 to index
        %parallel_loop3A_379 = arith.index_cast %parallel_loop3A_377 : i32 to index
        %parallel_loop3A_380 = arith.index_cast %parallel_loop3A_351 : i32 to index
        %parallel_loop3A_381 = tpu.vector_load %arg5[%parallel_loop3A_378, %parallel_loop3A_379, %parallel_loop3A_380] {strides = array<i32>} : memref<8x4x1024xf32, #tpu.memory_space<vmem>>, vector<1x1x16xf32>,
        %parallel_loop3A_382 = vector.shape_cast %parallel_loop3A_381 : vector<1x1x16xf32> to vector<16xf32>
        %parallel_loop3A_383 = vector.shape_cast %parallel_loop3A_376 : vector<16xf32> to vector<1x1x16xf32>
        tpu.vector_store %arg5[%parallel_loop3A_378, %parallel_loop3A_379, %parallel_loop3A_380], %parallel_loop3A_383 {strides = array<i32>} : memref<8x4x1024xf32, #tpu.memory_space<vmem>>, vector<1x1x16xf32>,
        %parallel_loop3A_384 = arith.constant 2 : i32
        %parallel_loop3A_385 = arith.index_cast %scan3A_344 : i32 to index
        %parallel_loop3A_386 = arith.index_cast %parallel_loop3A_384 : i32 to index
        %parallel_loop3A_387 = arith.index_cast %parallel_loop3A_351 : i32 to index
        %parallel_loop3A_388 = tpu.vector_load %arg5[%parallel_loop3A_385, %parallel_loop3A_386, %parallel_loop3A_387] {strides = array<i32>} : memref<8x4x1024xf32, #tpu.memory_space<vmem>>, vector<1x1x16xf32>,
        %parallel_loop3A_389 = vector.shape_cast %parallel_loop3A_388 : vector<1x1x16xf32> to vector<16xf32>
        %parallel_loop3A_390 = arith.addf %parallel_loop3A_389, %parallel_loop3A_355 : vector<16xf32>
        %parallel_loop3A_391 = arith.constant 2 : i32
        %parallel_loop3A_392 = arith.index_cast %scan3A_344 : i32 to index
        %parallel_loop3A_393 = arith.index_cast %parallel_loop3A_391 : i32 to index
        %parallel_loop3A_394 = arith.index_cast %parallel_loop3A_351 : i32 to index
        %parallel_loop3A_395 = tpu.vector_load %arg5[%parallel_loop3A_392, %parallel_loop3A_393, %parallel_loop3A_394] {strides = array<i32>} : memref<8x4x1024xf32, #tpu.memory_space<vmem>>, vector<1x1x16xf32>,
        %parallel_loop3A_396 = vector.shape_cast %parallel_loop3A_395 : vector<1x1x16xf32> to vector<16xf32>
        %parallel_loop3A_397 = vector.shape_cast %parallel_loop3A_390 : vector<16xf32> to vector<1x1x16xf32>
        tpu.vector_store %arg5[%parallel_loop3A_392, %parallel_loop3A_393, %parallel_loop3A_394], %parallel_loop3A_397 {strides = array<i32>} : memref<8x4x1024xf32, #tpu.memory_space<vmem>>, vector<1x1x16xf32>,
        %parallel_loop3A_398 = arith.constant 3 : i32
        %parallel_loop3A_399 = arith.index_cast %scan3A_344 : i32 to index
        %parallel_loop3A_400 = arith.index_cast %parallel_loop3A_398 : i32 to index
        %parallel_loop3A_401 = arith.index_cast %parallel_loop3A_351 : i32 to index
        %parallel_loop3A_402 = tpu.vector_load %arg5[%parallel_loop3A_399, %parallel_loop3A_400, %parallel_loop3A_401] {strides = array<i32>} : memref<8x4x1024xf32, #tpu.memory_space<vmem>>, vector<1x1x16xf32>,
        %parallel_loop3A_403 = vector.shape_cast %parallel_loop3A_402 : vector<1x1x16xf32> to vector<16xf32>
        %parallel_loop3A_404 = arith.addf %parallel_loop3A_403, %parallel_loop3A_355 : vector<16xf32>
        %parallel_loop3A_405 = arith.constant 3 : i32
        %parallel_loop3A_406 = arith.index_cast %scan3A_344 : i32 to index
        %parallel_loop3A_407 = arith.index_cast %parallel_loop3A_405 : i32 to index
        %parallel_loop3A_408 = arith.index_cast %parallel_loop3A_351 : i32 to index
        %parallel_loop3A_409 = tpu.vector_load %arg5[%parallel_loop3A_406, %parallel_loop3A_407, %parallel_loop3A_408] {strides = array<i32>} : memref<8x4x1024xf32, #tpu.memory_space<vmem>>, vector<1x1x16xf32>,
        %parallel_loop3A_410 = vector.shape_cast %parallel_loop3A_409 : vector<1x1x16xf32> to vector<16xf32>
        %parallel_loop3A_411 = vector.shape_cast %parallel_loop3A_404 : vector<16xf32> to vector<1x1x16xf32>
        tpu.vector_store %arg5[%parallel_loop3A_406, %parallel_loop3A_407, %parallel_loop3A_408], %parallel_loop3A_411 {strides = array<i32>} : memref<8x4x1024xf32, #tpu.memory_space<vmem>>, vector<1x1x16xf32>,
      } {sc.loop_unroll_factor = 8 : i64, sc.parallel_access}
      %scan3A_348 = arith.constant 0 : i32
      scf.yield %scan3A_348 : i32
    }
    %scan3A_163 = arith.constant 8 : i32
    %add3A_164 = arith.constant 24 : i32
    %add3A_165 = arith.addi %mul3A_2, %add3A_164 : i32
    %dma_start3A_166 = arith.constant 0 : i32
    %dma_start3A_167 = arith.constant 0 : i32
    %dma_start3A_168 = tpu.memref_slice %arg4[%add3A_165, %dma_start3A_166, %dma_start3A_167] : memref<2048x4x1024xf32, #tpu.memory_space<hbm>> -> memref<8x4x1024xf32, #tpu.memory_space<hbm>>
    %dma_start3A_169 = arith.constant 0 : i32
    %dma_start3A_170 = arith.constant 0 : i32
    %dma_start3A_171 = tpu.memref_slice %arg4[%add3A_165, %dma_start3A_169, %dma_start3A_170] : memref<2048x4x1024xf32, #tpu.memory_space<hbm>> -> memref<8x4x1024xf32, #tpu.memory_space<hbm>>
    tpu.enqueue_dma source(%arg5 : memref<8x4x1024xf32, #tpu.memory_space<vmem>>) target(%dma_start3A_171 : memref<8x4x1024xf32, #tpu.memory_space<hbm>>) target_semaphore(%arg17 : memref<!tpu.dma_semaphore, #tpu.memory_space<semaphore_mem>>)
    %dma_wait3A_172 = arith.constant 0 : i32
    %dma_wait3A_173 = arith.constant 0 : i32
    %dma_wait3A_174 = tpu.memref_slice %arg4[%add3A_122, %dma_wait3A_172, %dma_wait3A_173] : memref<2048x4x1024xf32, #tpu.memory_space<hbm>> -> memref<8x4x1024xf32, #tpu.memory_space<hbm>>
    %dma_wait3A_175 = arith.constant 0 : i32
    %dma_wait3A_176 = arith.constant 0 : i32
    %dma_wait3A_177 = tpu.memref_slice %arg4[%add3A_122, %dma_wait3A_175, %dma_wait3A_176] : memref<2048x4x1024xf32, #tpu.memory_space<hbm>> -> memref<8x4x1024xf32, #tpu.memory_space<hbm>>
    tpu.wait_dma2 semaphore(%arg19 : memref<!tpu.dma_semaphore, #tpu.memory_space<semaphore_mem>>) src(%arg7 : memref<8x4x1024xf32, #tpu.memory_space<vmem>>) dst(%dma_wait3A_177 : memref<8x4x1024xf32, #tpu.memory_space<hbm>>)
    %add3A_178 = arith.constant 40 : i32
    %add3A_179 = arith.addi %mul3A_2, %add3A_178 : i32
    %dma_start3A_180 = arith.constant 0 : i32
    %dma_start3A_181 = arith.constant 0 : i32
    %dma_start3A_182 = tpu.memref_slice %arg2[%add3A_179, %dma_start3A_180, %dma_start3A_181] : memref<2048x4x1024xf32, #tpu.memory_space<hbm>> -> memref<8x4x1024xf32, #tpu.memory_space<hbm>>
    %dma_start3A_183 = arith.constant 0 : i32
    %dma_start3A_184 = arith.constant 0 : i32
    %dma_start3A_185 = tpu.memref_slice %arg2[%add3A_179, %dma_start3A_183, %dma_start3A_184] : memref<2048x4x1024xf32, #tpu.memory_space<hbm>> -> memref<8x4x1024xf32, #tpu.memory_space<hbm>>
    tpu.enqueue_dma source(%dma_start3A_185 : memref<8x4x1024xf32, #tpu.memory_space<hbm>>) target(%arg7 : memref<8x4x1024xf32, #tpu.memory_space<vmem>>) target_semaphore(%arg13 : memref<!tpu.dma_semaphore, #tpu.memory_space<semaphore_mem>>)
    %dma_start3A_186 = arith.constant 0 : i32
    %dma_start3A_187 = tpu.memref_slice %arg3[%add3A_179, %dma_start3A_186] : memref<2048x1024xf32, #tpu.memory_space<hbm>> -> memref<8x1024xf32, #tpu.memory_space<hbm>>
    %dma_start3A_188 = arith.constant 0 : i32
    %dma_start3A_189 = tpu.memref_slice %arg3[%add3A_179, %dma_start3A_188] : memref<2048x1024xf32, #tpu.memory_space<hbm>> -> memref<8x1024xf32, #tpu.memory_space<hbm>>
    tpu.enqueue_dma source(%dma_start3A_189 : memref<8x1024xf32, #tpu.memory_space<hbm>>) target(%arg10 : memref<8x1024xf32, #tpu.memory_space<vmem>>) target_semaphore(%arg16 : memref<!tpu.dma_semaphore, #tpu.memory_space<semaphore_mem>>)
    %dma_wait3A_190 = arith.constant 0 : i32
    %dma_wait3A_191 = arith.constant 0 : i32
    %dma_wait3A_192 = tpu.memref_slice %arg2[%add3A_136, %dma_wait3A_190, %dma_wait3A_191] : memref<2048x4x1024xf32, #tpu.memory_space<hbm>> -> memref<8x4x1024xf32, #tpu.memory_space<hbm>>
    %dma_wait3A_193 = arith.constant 0 : i32
    %dma_wait3A_194 = arith.constant 0 : i32
    %dma_wait3A_195 = tpu.memref_slice %arg2[%add3A_136, %dma_wait3A_193, %dma_wait3A_194] : memref<2048x4x1024xf32, #tpu.memory_space<hbm>> -> memref<8x4x1024xf32, #tpu.memory_space<hbm>>
    tpu.wait_dma2 semaphore(%arg12 : memref<!tpu.dma_semaphore, #tpu.memory_space<semaphore_mem>>) src(%dma_wait3A_195 : memref<8x4x1024xf32, #tpu.memory_space<hbm>>) dst(%arg6 : memref<8x4x1024xf32, #tpu.memory_space<vmem>>)
    %dma_wait3A_196 = arith.constant 0 : i32
    %dma_wait3A_197 = tpu.memref_slice %arg3[%add3A_136, %dma_wait3A_196] : memref<2048x1024xf32, #tpu.memory_space<hbm>> -> memref<8x1024xf32, #tpu.memory_space<hbm>>
    %dma_wait3A_198 = arith.constant 0 : i32
    %dma_wait3A_199 = tpu.memref_slice %arg3[%add3A_136, %dma_wait3A_198] : memref<2048x1024xf32, #tpu.memory_space<hbm>> -> memref<8x1024xf32, #tpu.memory_space<hbm>>
    tpu.wait_dma2 semaphore(%arg15 : memref<!tpu.dma_semaphore, #tpu.memory_space<semaphore_mem>>) src(%dma_wait3A_199 : memref<8x1024xf32, #tpu.memory_space<hbm>>) dst(%arg9 : memref<8x1024xf32, #tpu.memory_space<vmem>>)
    %scan3A_200 = arith.constant 0 : i32
    %scan3A_201 = arith.constant 0 : i32
    %scan3A_202 = arith.constant 8 : i32
    %scan3A_203 = arith.addi %scan3A_201, %scan3A_202 : i32
    %scan3A_204 = arith.constant 1 : i32
    %scan3A_205 = scf.for %scan3A_344 = %scan3A_201 to %scan3A_203 step %scan3A_204 iter_args(%scan3A_345 = %scan3A_200) -> (i32)  : i32 {
      %parallel_loop3A = arith.constant 0 : i32
      %parallel_loop3A_346 = arith.constant 64 : i32
      %parallel_loop3A_347 = arith.constant 1 : i32
      scf.for %parallel_loop3A_349 = %parallel_loop3A to %parallel_loop3A_346 step %parallel_loop3A_347  : i32 {
        %parallel_loop3A_350 = arith.constant 16 : i32
        %parallel_loop3A_351 = arith.muli %parallel_loop3A_349, %parallel_loop3A_350 : i32
        %parallel_loop3A_352 = arith.index_cast %scan3A_344 : i32 to index
        %parallel_loop3A_353 = arith.index_cast %parallel_loop3A_351 : i32 to index
        %parallel_loop3A_354 = tpu.vector_load %arg9[%parallel_loop3A_352, %parallel_loop3A_353] {strides = array<i32>} : memref<8x1024xf32, #tpu.memory_space<vmem>>, vector<1x16xf32>,
        %parallel_loop3A_355 = vector.shape_cast %parallel_loop3A_354 : vector<1x16xf32> to vector<16xf32>
        %parallel_loop3A_356 = arith.constant 0 : i32
        %parallel_loop3A_357 = arith.index_cast %scan3A_344 : i32 to index
        %parallel_loop3A_358 = arith.index_cast %parallel_loop3A_356 : i32 to index
        %parallel_loop3A_359 = arith.index_cast %parallel_loop3A_351 : i32 to index
        %parallel_loop3A_360 = tpu.vector_load %arg6[%parallel_loop3A_357, %parallel_loop3A_358, %parallel_loop3A_359] {strides = array<i32>} : memref<8x4x1024xf32, #tpu.memory_space<vmem>>, vector<1x1x16xf32>,
        %parallel_loop3A_361 = vector.shape_cast %parallel_loop3A_360 : vector<1x1x16xf32> to vector<16xf32>
        %parallel_loop3A_362 = arith.addf %parallel_loop3A_361, %parallel_loop3A_355 : vector<16xf32>
        %parallel_loop3A_363 = arith.constant 0 : i32
        %parallel_loop3A_364 = arith.index_cast %scan3A_344 : i32 to index
        %parallel_loop3A_365 = arith.index_cast %parallel_loop3A_363 : i32 to index
        %parallel_loop3A_366 = arith.index_cast %parallel_loop3A_351 : i32 to index
        %parallel_loop3A_367 = tpu.vector_load %arg6[%parallel_loop3A_364, %parallel_loop3A_365, %parallel_loop3A_366] {strides = array<i32>} : memref<8x4x1024xf32, #tpu.memory_space<vmem>>, vector<1x1x16xf32>,
        %parallel_loop3A_368 = vector.shape_cast %parallel_loop3A_367 : vector<1x1x16xf32> to vector<16xf32>
        %parallel_loop3A_369 = vector.shape_cast %parallel_loop3A_362 : vector<16xf32> to vector<1x1x16xf32>
        tpu.vector_store %arg6[%parallel_loop3A_364, %parallel_loop3A_365, %parallel_loop3A_366], %parallel_loop3A_369 {strides = array<i32>} : memref<8x4x1024xf32, #tpu.memory_space<vmem>>, vector<1x1x16xf32>,
        %parallel_loop3A_370 = arith.constant 1 : i32
        %parallel_loop3A_371 = arith.index_cast %scan3A_344 : i32 to index
        %parallel_loop3A_372 = arith.index_cast %parallel_loop3A_370 : i32 to index
        %parallel_loop3A_373 = arith.index_cast %parallel_loop3A_351 : i32 to index
        %parallel_loop3A_374 = tpu.vector_load %arg6[%parallel_loop3A_371, %parallel_loop3A_372, %parallel_loop3A_373] {strides = array<i32>} : memref<8x4x1024xf32, #tpu.memory_space<vmem>>, vector<1x1x16xf32>,
        %parallel_loop3A_375 = vector.shape_cast %parallel_loop3A_374 : vector<1x1x16xf32> to vector<16xf32>
        %parallel_loop3A_376 = arith.addf %parallel_loop3A_375, %parallel_loop3A_355 : vector<16xf32>
        %parallel_loop3A_377 = arith.constant 1 : i32
        %parallel_loop3A_378 = arith.index_cast %scan3A_344 : i32 to index
        %parallel_loop3A_379 = arith.index_cast %parallel_loop3A_377 : i32 to index
        %parallel_loop3A_380 = arith.index_cast %parallel_loop3A_351 : i32 to index
        %parallel_loop3A_381 = tpu.vector_load %arg6[%parallel_loop3A_378, %parallel_loop3A_379, %parallel_loop3A_380] {strides = array<i32>} : memref<8x4x1024xf32, #tpu.memory_space<vmem>>, vector<1x1x16xf32>,
        %parallel_loop3A_382 = vector.shape_cast %parallel_loop3A_381 : vector<1x1x16xf32> to vector<16xf32>
        %parallel_loop3A_383 = vector.shape_cast %parallel_loop3A_376 : vector<16xf32> to vector<1x1x16xf32>
        tpu.vector_store %arg6[%parallel_loop3A_378, %parallel_loop3A_379, %parallel_loop3A_380], %parallel_loop3A_383 {strides = array<i32>} : memref<8x4x1024xf32, #tpu.memory_space<vmem>>, vector<1x1x16xf32>,
        %parallel_loop3A_384 = arith.constant 2 : i32
        %parallel_loop3A_385 = arith.index_cast %scan3A_344 : i32 to index
        %parallel_loop3A_386 = arith.index_cast %parallel_loop3A_384 : i32 to index
        %parallel_loop3A_387 = arith.index_cast %parallel_loop3A_351 : i32 to index
        %parallel_loop3A_388 = tpu.vector_load %arg6[%parallel_loop3A_385, %parallel_loop3A_386, %parallel_loop3A_387] {strides = array<i32>} : memref<8x4x1024xf32, #tpu.memory_space<vmem>>, vector<1x1x16xf32>,
        %parallel_loop3A_389 = vector.shape_cast %parallel_loop3A_388 : vector<1x1x16xf32> to vector<16xf32>
        %parallel_loop3A_390 = arith.addf %parallel_loop3A_389, %parallel_loop3A_355 : vector<16xf32>
        %parallel_loop3A_391 = arith.constant 2 : i32
        %parallel_loop3A_392 = arith.index_cast %scan3A_344 : i32 to index
        %parallel_loop3A_393 = arith.index_cast %parallel_loop3A_391 : i32 to index
        %parallel_loop3A_394 = arith.index_cast %parallel_loop3A_351 : i32 to index
        %parallel_loop3A_395 = tpu.vector_load %arg6[%parallel_loop3A_392, %parallel_loop3A_393, %parallel_loop3A_394] {strides = array<i32>} : memref<8x4x1024xf32, #tpu.memory_space<vmem>>, vector<1x1x16xf32>,
        %parallel_loop3A_396 = vector.shape_cast %parallel_loop3A_395 : vector<1x1x16xf32> to vector<16xf32>
        %parallel_loop3A_397 = vector.shape_cast %parallel_loop3A_390 : vector<16xf32> to vector<1x1x16xf32>
        tpu.vector_store %arg6[%parallel_loop3A_392, %parallel_loop3A_393, %parallel_loop3A_394], %parallel_loop3A_397 {strides = array<i32>} : memref<8x4x1024xf32, #tpu.memory_space<vmem>>, vector<1x1x16xf32>,
        %parallel_loop3A_398 = arith.constant 3 : i32
        %parallel_loop3A_399 = arith.index_cast %scan3A_344 : i32 to index
        %parallel_loop3A_400 = arith.index_cast %parallel_loop3A_398 : i32 to index
        %parallel_loop3A_401 = arith.index_cast %parallel_loop3A_351 : i32 to index
        %parallel_loop3A_402 = tpu.vector_load %arg6[%parallel_loop3A_399, %parallel_loop3A_400, %parallel_loop3A_401] {strides = array<i32>} : memref<8x4x1024xf32, #tpu.memory_space<vmem>>, vector<1x1x16xf32>,
        %parallel_loop3A_403 = vector.shape_cast %parallel_loop3A_402 : vector<1x1x16xf32> to vector<16xf32>
        %parallel_loop3A_404 = arith.addf %parallel_loop3A_403, %parallel_loop3A_355 : vector<16xf32>
        %parallel_loop3A_405 = arith.constant 3 : i32
        %parallel_loop3A_406 = arith.index_cast %scan3A_344 : i32 to index
        %parallel_loop3A_407 = arith.index_cast %parallel_loop3A_405 : i32 to index
        %parallel_loop3A_408 = arith.index_cast %parallel_loop3A_351 : i32 to index
        %parallel_loop3A_409 = tpu.vector_load %arg6[%parallel_loop3A_406, %parallel_loop3A_407, %parallel_loop3A_408] {strides = array<i32>} : memref<8x4x1024xf32, #tpu.memory_space<vmem>>, vector<1x1x16xf32>,
        %parallel_loop3A_410 = vector.shape_cast %parallel_loop3A_409 : vector<1x1x16xf32> to vector<16xf32>
        %parallel_loop3A_411 = vector.shape_cast %parallel_loop3A_404 : vector<16xf32> to vector<1x1x16xf32>
        tpu.vector_store %arg6[%parallel_loop3A_406, %parallel_loop3A_407, %parallel_loop3A_408], %parallel_loop3A_411 {strides = array<i32>} : memref<8x4x1024xf32, #tpu.memory_space<vmem>>, vector<1x1x16xf32>,
      } {sc.loop_unroll_factor = 8 : i64, sc.parallel_access}
      %scan3A_348 = arith.constant 0 : i32
      scf.yield %scan3A_348 : i32
    }
    %scan3A_206 = arith.constant 8 : i32
    %add3A_207 = arith.constant 32 : i32
    %add3A_208 = arith.addi %mul3A_2, %add3A_207 : i32
    %dma_start3A_209 = arith.constant 0 : i32
    %dma_start3A_210 = arith.constant 0 : i32
    %dma_start3A_211 = tpu.memref_slice %arg4[%add3A_208, %dma_start3A_209, %dma_start3A_210] : memref<2048x4x1024xf32, #tpu.memory_space<hbm>> -> memref<8x4x1024xf32, #tpu.memory_space<hbm>>
    %dma_start3A_212 = arith.constant 0 : i32
    %dma_start3A_213 = arith.constant 0 : i32
    %dma_start3A_214 = tpu.memref_slice %arg4[%add3A_208, %dma_start3A_212, %dma_start3A_213] : memref<2048x4x1024xf32, #tpu.memory_space<hbm>> -> memref<8x4x1024xf32, #tpu.memory_space<hbm>>
    tpu.enqueue_dma source(%arg6 : memref<8x4x1024xf32, #tpu.memory_space<vmem>>) target(%dma_start3A_214 : memref<8x4x1024xf32, #tpu.memory_space<hbm>>) target_semaphore(%arg18 : memref<!tpu.dma_semaphore, #tpu.memory_space<semaphore_mem>>)
    %dma_wait3A_215 = arith.constant 0 : i32
    %dma_wait3A_216 = arith.constant 0 : i32
    %dma_wait3A_217 = tpu.memref_slice %arg4[%add3A_165, %dma_wait3A_215, %dma_wait3A_216] : memref<2048x4x1024xf32, #tpu.memory_space<hbm>> -> memref<8x4x1024xf32, #tpu.memory_space<hbm>>
    %dma_wait3A_218 = arith.constant 0 : i32
    %dma_wait3A_219 = arith.constant 0 : i32
    %dma_wait3A_220 = tpu.memref_slice %arg4[%add3A_165, %dma_wait3A_218, %dma_wait3A_219] : memref<2048x4x1024xf32, #tpu.memory_space<hbm>> -> memref<8x4x1024xf32, #tpu.memory_space<hbm>>
    tpu.wait_dma2 semaphore(%arg17 : memref<!tpu.dma_semaphore, #tpu.memory_space<semaphore_mem>>) src(%arg5 : memref<8x4x1024xf32, #tpu.memory_space<vmem>>) dst(%dma_wait3A_220 : memref<8x4x1024xf32, #tpu.memory_space<hbm>>)
    %add3A_221 = arith.constant 48 : i32
    %add3A_222 = arith.addi %mul3A_2, %add3A_221 : i32
    %dma_start3A_223 = arith.constant 0 : i32
    %dma_start3A_224 = arith.constant 0 : i32
    %dma_start3A_225 = tpu.memref_slice %arg2[%add3A_222, %dma_start3A_223, %dma_start3A_224] : memref<2048x4x1024xf32, #tpu.memory_space<hbm>> -> memref<8x4x1024xf32, #tpu.memory_space<hbm>>
    %dma_start3A_226 = arith.constant 0 : i32
    %dma_start3A_227 = arith.constant 0 : i32
    %dma_start3A_228 = tpu.memref_slice %arg2[%add3A_222, %dma_start3A_226, %dma_start3A_227] : memref<2048x4x1024xf32, #tpu.memory_space<hbm>> -> memref<8x4x1024xf32, #tpu.memory_space<hbm>>
    tpu.enqueue_dma source(%dma_start3A_228 : memref<8x4x1024xf32, #tpu.memory_space<hbm>>) target(%arg5 : memref<8x4x1024xf32, #tpu.memory_space<vmem>>) target_semaphore(%arg11 : memref<!tpu.dma_semaphore, #tpu.memory_space<semaphore_mem>>)
    %dma_start3A_229 = arith.constant 0 : i32
    %dma_start3A_230 = tpu.memref_slice %arg3[%add3A_222, %dma_start3A_229] : memref<2048x1024xf32, #tpu.memory_space<hbm>> -> memref<8x1024xf32, #tpu.memory_space<hbm>>
    %dma_start3A_231 = arith.constant 0 : i32
    %dma_start3A_232 = tpu.memref_slice %arg3[%add3A_222, %dma_start3A_231] : memref<2048x1024xf32, #tpu.memory_space<hbm>> -> memref<8x1024xf32, #tpu.memory_space<hbm>>
    tpu.enqueue_dma source(%dma_start3A_232 : memref<8x1024xf32, #tpu.memory_space<hbm>>) target(%arg8 : memref<8x1024xf32, #tpu.memory_space<vmem>>) target_semaphore(%arg14 : memref<!tpu.dma_semaphore, #tpu.memory_space<semaphore_mem>>)
    %dma_wait3A_233 = arith.constant 0 : i32
    %dma_wait3A_234 = arith.constant 0 : i32
    %dma_wait3A_235 = tpu.memref_slice %arg2[%add3A_179, %dma_wait3A_233, %dma_wait3A_234] : memref<2048x4x1024xf32, #tpu.memory_space<hbm>> -> memref<8x4x1024xf32, #tpu.memory_space<hbm>>
    %dma_wait3A_236 = arith.constant 0 : i32
    %dma_wait3A_237 = arith.constant 0 : i32
    %dma_wait3A_238 = tpu.memref_slice %arg2[%add3A_179, %dma_wait3A_236, %dma_wait3A_237] : memref<2048x4x1024xf32, #tpu.memory_space<hbm>> -> memref<8x4x1024xf32, #tpu.memory_space<hbm>>
    tpu.wait_dma2 semaphore(%arg13 : memref<!tpu.dma_semaphore, #tpu.memory_space<semaphore_mem>>) src(%dma_wait3A_238 : memref<8x4x1024xf32, #tpu.memory_space<hbm>>) dst(%arg7 : memref<8x4x1024xf32, #tpu.memory_space<vmem>>)
    %dma_wait3A_239 = arith.constant 0 : i32
    %dma_wait3A_240 = tpu.memref_slice %arg3[%add3A_179, %dma_wait3A_239] : memref<2048x1024xf32, #tpu.memory_space<hbm>> -> memref<8x1024xf32, #tpu.memory_space<hbm>>
    %dma_wait3A_241 = arith.constant 0 : i32
    %dma_wait3A_242 = tpu.memref_slice %arg3[%add3A_179, %dma_wait3A_241] : memref<2048x1024xf32, #tpu.memory_space<hbm>> -> memref<8x1024xf32, #tpu.memory_space<hbm>>
    tpu.wait_dma2 semaphore(%arg16 : memref<!tpu.dma_semaphore, #tpu.memory_space<semaphore_mem>>) src(%dma_wait3A_242 : memref<8x1024xf32, #tpu.memory_space<hbm>>) dst(%arg10 : memref<8x1024xf32, #tpu.memory_space<vmem>>)
    %scan3A_243 = arith.constant 0 : i32
    %scan3A_244 = arith.constant 0 : i32
    %scan3A_245 = arith.constant 8 : i32
    %scan3A_246 = arith.addi %scan3A_244, %scan3A_245 : i32
    %scan3A_247 = arith.constant 1 : i32
    %scan3A_248 = scf.for %scan3A_344 = %scan3A_244 to %scan3A_246 step %scan3A_247 iter_args(%scan3A_345 = %scan3A_243) -> (i32)  : i32 {
      %parallel_loop3A = arith.constant 0 : i32
      %parallel_loop3A_346 = arith.constant 64 : i32
      %parallel_loop3A_347 = arith.constant 1 : i32
      scf.for %parallel_loop3A_349 = %parallel_loop3A to %parallel_loop3A_346 step %parallel_loop3A_347  : i32 {
        %parallel_loop3A_350 = arith.constant 16 : i32
        %parallel_loop3A_351 = arith.muli %parallel_loop3A_349, %parallel_loop3A_350 : i32
        %parallel_loop3A_352 = arith.index_cast %scan3A_344 : i32 to index
        %parallel_loop3A_353 = arith.index_cast %parallel_loop3A_351 : i32 to index
        %parallel_loop3A_354 = tpu.vector_load %arg10[%parallel_loop3A_352, %parallel_loop3A_353] {strides = array<i32>} : memref<8x1024xf32, #tpu.memory_space<vmem>>, vector<1x16xf32>,
        %parallel_loop3A_355 = vector.shape_cast %parallel_loop3A_354 : vector<1x16xf32> to vector<16xf32>
        %parallel_loop3A_356 = arith.constant 0 : i32
        %parallel_loop3A_357 = arith.index_cast %scan3A_344 : i32 to index
        %parallel_loop3A_358 = arith.index_cast %parallel_loop3A_356 : i32 to index
        %parallel_loop3A_359 = arith.index_cast %parallel_loop3A_351 : i32 to index
        %parallel_loop3A_360 = tpu.vector_load %arg7[%parallel_loop3A_357, %parallel_loop3A_358, %parallel_loop3A_359] {strides = array<i32>} : memref<8x4x1024xf32, #tpu.memory_space<vmem>>, vector<1x1x16xf32>,
        %parallel_loop3A_361 = vector.shape_cast %parallel_loop3A_360 : vector<1x1x16xf32> to vector<16xf32>
        %parallel_loop3A_362 = arith.addf %parallel_loop3A_361, %parallel_loop3A_355 : vector<16xf32>
        %parallel_loop3A_363 = arith.constant 0 : i32
        %parallel_loop3A_364 = arith.index_cast %scan3A_344 : i32 to index
        %parallel_loop3A_365 = arith.index_cast %parallel_loop3A_363 : i32 to index
        %parallel_loop3A_366 = arith.index_cast %parallel_loop3A_351 : i32 to index
        %parallel_loop3A_367 = tpu.vector_load %arg7[%parallel_loop3A_364, %parallel_loop3A_365, %parallel_loop3A_366] {strides = array<i32>} : memref<8x4x1024xf32, #tpu.memory_space<vmem>>, vector<1x1x16xf32>,
        %parallel_loop3A_368 = vector.shape_cast %parallel_loop3A_367 : vector<1x1x16xf32> to vector<16xf32>
        %parallel_loop3A_369 = vector.shape_cast %parallel_loop3A_362 : vector<16xf32> to vector<1x1x16xf32>
        tpu.vector_store %arg7[%parallel_loop3A_364, %parallel_loop3A_365, %parallel_loop3A_366], %parallel_loop3A_369 {strides = array<i32>} : memref<8x4x1024xf32, #tpu.memory_space<vmem>>, vector<1x1x16xf32>,
        %parallel_loop3A_370 = arith.constant 1 : i32
        %parallel_loop3A_371 = arith.index_cast %scan3A_344 : i32 to index
        %parallel_loop3A_372 = arith.index_cast %parallel_loop3A_370 : i32 to index
        %parallel_loop3A_373 = arith.index_cast %parallel_loop3A_351 : i32 to index
        %parallel_loop3A_374 = tpu.vector_load %arg7[%parallel_loop3A_371, %parallel_loop3A_372, %parallel_loop3A_373] {strides = array<i32>} : memref<8x4x1024xf32, #tpu.memory_space<vmem>>, vector<1x1x16xf32>,
        %parallel_loop3A_375 = vector.shape_cast %parallel_loop3A_374 : vector<1x1x16xf32> to vector<16xf32>
        %parallel_loop3A_376 = arith.addf %parallel_loop3A_375, %parallel_loop3A_355 : vector<16xf32>
        %parallel_loop3A_377 = arith.constant 1 : i32
        %parallel_loop3A_378 = arith.index_cast %scan3A_344 : i32 to index
        %parallel_loop3A_379 = arith.index_cast %parallel_loop3A_377 : i32 to index
        %parallel_loop3A_380 = arith.index_cast %parallel_loop3A_351 : i32 to index
        %parallel_loop3A_381 = tpu.vector_load %arg7[%parallel_loop3A_378, %parallel_loop3A_379, %parallel_loop3A_380] {strides = array<i32>} : memref<8x4x1024xf32, #tpu.memory_space<vmem>>, vector<1x1x16xf32>,
        %parallel_loop3A_382 = vector.shape_cast %parallel_loop3A_381 : vector<1x1x16xf32> to vector<16xf32>
        %parallel_loop3A_383 = vector.shape_cast %parallel_loop3A_376 : vector<16xf32> to vector<1x1x16xf32>
        tpu.vector_store %arg7[%parallel_loop3A_378, %parallel_loop3A_379, %parallel_loop3A_380], %parallel_loop3A_383 {strides = array<i32>} : memref<8x4x1024xf32, #tpu.memory_space<vmem>>, vector<1x1x16xf32>,
        %parallel_loop3A_384 = arith.constant 2 : i32
        %parallel_loop3A_385 = arith.index_cast %scan3A_344 : i32 to index
        %parallel_loop3A_386 = arith.index_cast %parallel_loop3A_384 : i32 to index
        %parallel_loop3A_387 = arith.index_cast %parallel_loop3A_351 : i32 to index
        %parallel_loop3A_388 = tpu.vector_load %arg7[%parallel_loop3A_385, %parallel_loop3A_386, %parallel_loop3A_387] {strides = array<i32>} : memref<8x4x1024xf32, #tpu.memory_space<vmem>>, vector<1x1x16xf32>,
        %parallel_loop3A_389 = vector.shape_cast %parallel_loop3A_388 : vector<1x1x16xf32> to vector<16xf32>
        %parallel_loop3A_390 = arith.addf %parallel_loop3A_389, %parallel_loop3A_355 : vector<16xf32>
        %parallel_loop3A_391 = arith.constant 2 : i32
        %parallel_loop3A_392 = arith.index_cast %scan3A_344 : i32 to index
        %parallel_loop3A_393 = arith.index_cast %parallel_loop3A_391 : i32 to index
        %parallel_loop3A_394 = arith.index_cast %parallel_loop3A_351 : i32 to index
        %parallel_loop3A_395 = tpu.vector_load %arg7[%parallel_loop3A_392, %parallel_loop3A_393, %parallel_loop3A_394] {strides = array<i32>} : memref<8x4x1024xf32, #tpu.memory_space<vmem>>, vector<1x1x16xf32>,
        %parallel_loop3A_396 = vector.shape_cast %parallel_loop3A_395 : vector<1x1x16xf32> to vector<16xf32>
        %parallel_loop3A_397 = vector.shape_cast %parallel_loop3A_390 : vector<16xf32> to vector<1x1x16xf32>
        tpu.vector_store %arg7[%parallel_loop3A_392, %parallel_loop3A_393, %parallel_loop3A_394], %parallel_loop3A_397 {strides = array<i32>} : memref<8x4x1024xf32, #tpu.memory_space<vmem>>, vector<1x1x16xf32>,
        %parallel_loop3A_398 = arith.constant 3 : i32
        %parallel_loop3A_399 = arith.index_cast %scan3A_344 : i32 to index
        %parallel_loop3A_400 = arith.index_cast %parallel_loop3A_398 : i32 to index
        %parallel_loop3A_401 = arith.index_cast %parallel_loop3A_351 : i32 to index
        %parallel_loop3A_402 = tpu.vector_load %arg7[%parallel_loop3A_399, %parallel_loop3A_400, %parallel_loop3A_401] {strides = array<i32>} : memref<8x4x1024xf32, #tpu.memory_space<vmem>>, vector<1x1x16xf32>,
        %parallel_loop3A_403 = vector.shape_cast %parallel_loop3A_402 : vector<1x1x16xf32> to vector<16xf32>
        %parallel_loop3A_404 = arith.addf %parallel_loop3A_403, %parallel_loop3A_355 : vector<16xf32>
        %parallel_loop3A_405 = arith.constant 3 : i32
        %parallel_loop3A_406 = arith.index_cast %scan3A_344 : i32 to index
        %parallel_loop3A_407 = arith.index_cast %parallel_loop3A_405 : i32 to index
        %parallel_loop3A_408 = arith.index_cast %parallel_loop3A_351 : i32 to index
        %parallel_loop3A_409 = tpu.vector_load %arg7[%parallel_loop3A_406, %parallel_loop3A_407, %parallel_loop3A_408] {strides = array<i32>} : memref<8x4x1024xf32, #tpu.memory_space<vmem>>, vector<1x1x16xf32>,
        %parallel_loop3A_410 = vector.shape_cast %parallel_loop3A_409 : vector<1x1x16xf32> to vector<16xf32>
        %parallel_loop3A_411 = vector.shape_cast %parallel_loop3A_404 : vector<16xf32> to vector<1x1x16xf32>
        tpu.vector_store %arg7[%parallel_loop3A_406, %parallel_loop3A_407, %parallel_loop3A_408], %parallel_loop3A_411 {strides = array<i32>} : memref<8x4x1024xf32, #tpu.memory_space<vmem>>, vector<1x1x16xf32>,
      } {sc.loop_unroll_factor = 8 : i64, sc.parallel_access}
      %scan3A_348 = arith.constant 0 : i32
      scf.yield %scan3A_348 : i32
    }
    %scan3A_249 = arith.constant 8 : i32
    %add3A_250 = arith.constant 40 : i32
    %add3A_251 = arith.addi %mul3A_2, %add3A_250 : i32
    %dma_start3A_252 = arith.constant 0 : i32
    %dma_start3A_253 = arith.constant 0 : i32
    %dma_start3A_254 = tpu.memref_slice %arg4[%add3A_251, %dma_start3A_252, %dma_start3A_253] : memref<2048x4x1024xf32, #tpu.memory_space<hbm>> -> memref<8x4x1024xf32, #tpu.memory_space<hbm>>
    %dma_start3A_255 = arith.constant 0 : i32
    %dma_start3A_256 = arith.constant 0 : i32
    %dma_start3A_257 = tpu.memref_slice %arg4[%add3A_251, %dma_start3A_255, %dma_start3A_256] : memref<2048x4x1024xf32, #tpu.memory_space<hbm>> -> memref<8x4x1024xf32, #tpu.memory_space<hbm>>
    tpu.enqueue_dma source(%arg7 : memref<8x4x1024xf32, #tpu.memory_space<vmem>>) target(%dma_start3A_257 : memref<8x4x1024xf32, #tpu.memory_space<hbm>>) target_semaphore(%arg19 : memref<!tpu.dma_semaphore, #tpu.memory_space<semaphore_mem>>)
    %dma_wait3A_258 = arith.constant 0 : i32
    %dma_wait3A_259 = arith.constant 0 : i32
    %dma_wait3A_260 = tpu.memref_slice %arg4[%add3A_208, %dma_wait3A_258, %dma_wait3A_259] : memref<2048x4x1024xf32, #tpu.memory_space<hbm>> -> memref<8x4x1024xf32, #tpu.memory_space<hbm>>
    %dma_wait3A_261 = arith.constant 0 : i32
    %dma_wait3A_262 = arith.constant 0 : i32
    %dma_wait3A_263 = tpu.memref_slice %arg4[%add3A_208, %dma_wait3A_261, %dma_wait3A_262] : memref<2048x4x1024xf32, #tpu.memory_space<hbm>> -> memref<8x4x1024xf32, #tpu.memory_space<hbm>>
    tpu.wait_dma2 semaphore(%arg18 : memref<!tpu.dma_semaphore, #tpu.memory_space<semaphore_mem>>) src(%arg6 : memref<8x4x1024xf32, #tpu.memory_space<vmem>>) dst(%dma_wait3A_263 : memref<8x4x1024xf32, #tpu.memory_space<hbm>>)
    %add3A_264 = arith.constant 56 : i32
    %add3A_265 = arith.addi %mul3A_2, %add3A_264 : i32
    %dma_start3A_266 = arith.constant 0 : i32
    %dma_start3A_267 = arith.constant 0 : i32
    %dma_start3A_268 = tpu.memref_slice %arg2[%add3A_265, %dma_start3A_266, %dma_start3A_267] : memref<2048x4x1024xf32, #tpu.memory_space<hbm>> -> memref<8x4x1024xf32, #tpu.memory_space<hbm>>
    %dma_start3A_269 = arith.constant 0 : i32
    %dma_start3A_270 = arith.constant 0 : i32
    %dma_start3A_271 = tpu.memref_slice %arg2[%add3A_265, %dma_start3A_269, %dma_start3A_270] : memref<2048x4x1024xf32, #tpu.memory_space<hbm>> -> memref<8x4x1024xf32, #tpu.memory_space<hbm>>
    tpu.enqueue_dma source(%dma_start3A_271 : memref<8x4x1024xf32, #tpu.memory_space<hbm>>) target(%arg6 : memref<8x4x1024xf32, #tpu.memory_space<vmem>>) target_semaphore(%arg12 : memref<!tpu.dma_semaphore, #tpu.memory_space<semaphore_mem>>)
    %dma_start3A_272 = arith.constant 0 : i32
    %dma_start3A_273 = tpu.memref_slice %arg3[%add3A_265, %dma_start3A_272] : memref<2048x1024xf32, #tpu.memory_space<hbm>> -> memref<8x1024xf32, #tpu.memory_space<hbm>>
    %dma_start3A_274 = arith.constant 0 : i32
    %dma_start3A_275 = tpu.memref_slice %arg3[%add3A_265, %dma_start3A_274] : memref<2048x1024xf32, #tpu.memory_space<hbm>> -> memref<8x1024xf32, #tpu.memory_space<hbm>>
    tpu.enqueue_dma source(%dma_start3A_275 : memref<8x1024xf32, #tpu.memory_space<hbm>>) target(%arg9 : memref<8x1024xf32, #tpu.memory_space<vmem>>) target_semaphore(%arg15 : memref<!tpu.dma_semaphore, #tpu.memory_space<semaphore_mem>>)
    %dma_wait3A_276 = arith.constant 0 : i32
    %dma_wait3A_277 = arith.constant 0 : i32
    %dma_wait3A_278 = tpu.memref_slice %arg2[%add3A_222, %dma_wait3A_276, %dma_wait3A_277] : memref<2048x4x1024xf32, #tpu.memory_space<hbm>> -> memref<8x4x1024xf32, #tpu.memory_space<hbm>>
    %dma_wait3A_279 = arith.constant 0 : i32
    %dma_wait3A_280 = arith.constant 0 : i32
    %dma_wait3A_281 = tpu.memref_slice %arg2[%add3A_222, %dma_wait3A_279, %dma_wait3A_280] : memref<2048x4x1024xf32, #tpu.memory_space<hbm>> -> memref<8x4x1024xf32, #tpu.memory_space<hbm>>
    tpu.wait_dma2 semaphore(%arg11 : memref<!tpu.dma_semaphore, #tpu.memory_space<semaphore_mem>>) src(%dma_wait3A_281 : memref<8x4x1024xf32, #tpu.memory_space<hbm>>) dst(%arg5 : memref<8x4x1024xf32, #tpu.memory_space<vmem>>)
    %dma_wait3A_282 = arith.constant 0 : i32
    %dma_wait3A_283 = tpu.memref_slice %arg3[%add3A_222, %dma_wait3A_282] : memref<2048x1024xf32, #tpu.memory_space<hbm>> -> memref<8x1024xf32, #tpu.memory_space<hbm>>
    %dma_wait3A_284 = arith.constant 0 : i32
    %dma_wait3A_285 = tpu.memref_slice %arg3[%add3A_222, %dma_wait3A_284] : memref<2048x1024xf32, #tpu.memory_space<hbm>> -> memref<8x1024xf32, #tpu.memory_space<hbm>>
    tpu.wait_dma2 semaphore(%arg14 : memref<!tpu.dma_semaphore, #tpu.memory_space<semaphore_mem>>) src(%dma_wait3A_285 : memref<8x1024xf32, #tpu.memory_space<hbm>>) dst(%arg8 : memref<8x1024xf32, #tpu.memory_space<vmem>>)
    %scan3A_286 = arith.constant 0 : i32
    %scan3A_287 = arith.constant 0 : i32
    %scan3A_288 = arith.constant 8 : i32
    %scan3A_289 = arith.addi %scan3A_287, %scan3A_288 : i32
    %scan3A_290 = arith.constant 1 : i32
    %scan3A_291 = scf.for %scan3A_344 = %scan3A_287 to %scan3A_289 step %scan3A_290 iter_args(%scan3A_345 = %scan3A_286) -> (i32)  : i32 {
      %parallel_loop3A = arith.constant 0 : i32
      %parallel_loop3A_346 = arith.constant 64 : i32
      %parallel_loop3A_347 = arith.constant 1 : i32
      scf.for %parallel_loop3A_349 = %parallel_loop3A to %parallel_loop3A_346 step %parallel_loop3A_347  : i32 {
        %parallel_loop3A_350 = arith.constant 16 : i32
        %parallel_loop3A_351 = arith.muli %parallel_loop3A_349, %parallel_loop3A_350 : i32
        %parallel_loop3A_352 = arith.index_cast %scan3A_344 : i32 to index
        %parallel_loop3A_353 = arith.index_cast %parallel_loop3A_351 : i32 to index
        %parallel_loop3A_354 = tpu.vector_load %arg8[%parallel_loop3A_352, %parallel_loop3A_353] {strides = array<i32>} : memref<8x1024xf32, #tpu.memory_space<vmem>>, vector<1x16xf32>,
        %parallel_loop3A_355 = vector.shape_cast %parallel_loop3A_354 : vector<1x16xf32> to vector<16xf32>
        %parallel_loop3A_356 = arith.constant 0 : i32
        %parallel_loop3A_357 = arith.index_cast %scan3A_344 : i32 to index
        %parallel_loop3A_358 = arith.index_cast %parallel_loop3A_356 : i32 to index
        %parallel_loop3A_359 = arith.index_cast %parallel_loop3A_351 : i32 to index
        %parallel_loop3A_360 = tpu.vector_load %arg5[%parallel_loop3A_357, %parallel_loop3A_358, %parallel_loop3A_359] {strides = array<i32>} : memref<8x4x1024xf32, #tpu.memory_space<vmem>>, vector<1x1x16xf32>,
        %parallel_loop3A_361 = vector.shape_cast %parallel_loop3A_360 : vector<1x1x16xf32> to vector<16xf32>
        %parallel_loop3A_362 = arith.addf %parallel_loop3A_361, %parallel_loop3A_355 : vector<16xf32>
        %parallel_loop3A_363 = arith.constant 0 : i32
        %parallel_loop3A_364 = arith.index_cast %scan3A_344 : i32 to index
        %parallel_loop3A_365 = arith.index_cast %parallel_loop3A_363 : i32 to index
        %parallel_loop3A_366 = arith.index_cast %parallel_loop3A_351 : i32 to index
        %parallel_loop3A_367 = tpu.vector_load %arg5[%parallel_loop3A_364, %parallel_loop3A_365, %parallel_loop3A_366] {strides = array<i32>} : memref<8x4x1024xf32, #tpu.memory_space<vmem>>, vector<1x1x16xf32>,
        %parallel_loop3A_368 = vector.shape_cast %parallel_loop3A_367 : vector<1x1x16xf32> to vector<16xf32>
        %parallel_loop3A_369 = vector.shape_cast %parallel_loop3A_362 : vector<16xf32> to vector<1x1x16xf32>
        tpu.vector_store %arg5[%parallel_loop3A_364, %parallel_loop3A_365, %parallel_loop3A_366], %parallel_loop3A_369 {strides = array<i32>} : memref<8x4x1024xf32, #tpu.memory_space<vmem>>, vector<1x1x16xf32>,
        %parallel_loop3A_370 = arith.constant 1 : i32
        %parallel_loop3A_371 = arith.index_cast %scan3A_344 : i32 to index
        %parallel_loop3A_372 = arith.index_cast %parallel_loop3A_370 : i32 to index
        %parallel_loop3A_373 = arith.index_cast %parallel_loop3A_351 : i32 to index
        %parallel_loop3A_374 = tpu.vector_load %arg5[%parallel_loop3A_371, %parallel_loop3A_372, %parallel_loop3A_373] {strides = array<i32>} : memref<8x4x1024xf32, #tpu.memory_space<vmem>>, vector<1x1x16xf32>,
        %parallel_loop3A_375 = vector.shape_cast %parallel_loop3A_374 : vector<1x1x16xf32> to vector<16xf32>
        %parallel_loop3A_376 = arith.addf %parallel_loop3A_375, %parallel_loop3A_355 : vector<16xf32>
        %parallel_loop3A_377 = arith.constant 1 : i32
        %parallel_loop3A_378 = arith.index_cast %scan3A_344 : i32 to index
        %parallel_loop3A_379 = arith.index_cast %parallel_loop3A_377 : i32 to index
        %parallel_loop3A_380 = arith.index_cast %parallel_loop3A_351 : i32 to index
        %parallel_loop3A_381 = tpu.vector_load %arg5[%parallel_loop3A_378, %parallel_loop3A_379, %parallel_loop3A_380] {strides = array<i32>} : memref<8x4x1024xf32, #tpu.memory_space<vmem>>, vector<1x1x16xf32>,
        %parallel_loop3A_382 = vector.shape_cast %parallel_loop3A_381 : vector<1x1x16xf32> to vector<16xf32>
        %parallel_loop3A_383 = vector.shape_cast %parallel_loop3A_376 : vector<16xf32> to vector<1x1x16xf32>
        tpu.vector_store %arg5[%parallel_loop3A_378, %parallel_loop3A_379, %parallel_loop3A_380], %parallel_loop3A_383 {strides = array<i32>} : memref<8x4x1024xf32, #tpu.memory_space<vmem>>, vector<1x1x16xf32>,
        %parallel_loop3A_384 = arith.constant 2 : i32
        %parallel_loop3A_385 = arith.index_cast %scan3A_344 : i32 to index
        %parallel_loop3A_386 = arith.index_cast %parallel_loop3A_384 : i32 to index
        %parallel_loop3A_387 = arith.index_cast %parallel_loop3A_351 : i32 to index
        %parallel_loop3A_388 = tpu.vector_load %arg5[%parallel_loop3A_385, %parallel_loop3A_386, %parallel_loop3A_387] {strides = array<i32>} : memref<8x4x1024xf32, #tpu.memory_space<vmem>>, vector<1x1x16xf32>,
        %parallel_loop3A_389 = vector.shape_cast %parallel_loop3A_388 : vector<1x1x16xf32> to vector<16xf32>
        %parallel_loop3A_390 = arith.addf %parallel_loop3A_389, %parallel_loop3A_355 : vector<16xf32>
        %parallel_loop3A_391 = arith.constant 2 : i32
        %parallel_loop3A_392 = arith.index_cast %scan3A_344 : i32 to index
        %parallel_loop3A_393 = arith.index_cast %parallel_loop3A_391 : i32 to index
        %parallel_loop3A_394 = arith.index_cast %parallel_loop3A_351 : i32 to index
        %parallel_loop3A_395 = tpu.vector_load %arg5[%parallel_loop3A_392, %parallel_loop3A_393, %parallel_loop3A_394] {strides = array<i32>} : memref<8x4x1024xf32, #tpu.memory_space<vmem>>, vector<1x1x16xf32>,
        %parallel_loop3A_396 = vector.shape_cast %parallel_loop3A_395 : vector<1x1x16xf32> to vector<16xf32>
        %parallel_loop3A_397 = vector.shape_cast %parallel_loop3A_390 : vector<16xf32> to vector<1x1x16xf32>
        tpu.vector_store %arg5[%parallel_loop3A_392, %parallel_loop3A_393, %parallel_loop3A_394], %parallel_loop3A_397 {strides = array<i32>} : memref<8x4x1024xf32, #tpu.memory_space<vmem>>, vector<1x1x16xf32>,
        %parallel_loop3A_398 = arith.constant 3 : i32
        %parallel_loop3A_399 = arith.index_cast %scan3A_344 : i32 to index
        %parallel_loop3A_400 = arith.index_cast %parallel_loop3A_398 : i32 to index
        %parallel_loop3A_401 = arith.index_cast %parallel_loop3A_351 : i32 to index
        %parallel_loop3A_402 = tpu.vector_load %arg5[%parallel_loop3A_399, %parallel_loop3A_400, %parallel_loop3A_401] {strides = array<i32>} : memref<8x4x1024xf32, #tpu.memory_space<vmem>>, vector<1x1x16xf32>,
        %parallel_loop3A_403 = vector.shape_cast %parallel_loop3A_402 : vector<1x1x16xf32> to vector<16xf32>
        %parallel_loop3A_404 = arith.addf %parallel_loop3A_403, %parallel_loop3A_355 : vector<16xf32>
        %parallel_loop3A_405 = arith.constant 3 : i32
        %parallel_loop3A_406 = arith.index_cast %scan3A_344 : i32 to index
        %parallel_loop3A_407 = arith.index_cast %parallel_loop3A_405 : i32 to index
        %parallel_loop3A_408 = arith.index_cast %parallel_loop3A_351 : i32 to index
        %parallel_loop3A_409 = tpu.vector_load %arg5[%parallel_loop3A_406, %parallel_loop3A_407, %parallel_loop3A_408] {strides = array<i32>} : memref<8x4x1024xf32, #tpu.memory_space<vmem>>, vector<1x1x16xf32>,
        %parallel_loop3A_410 = vector.shape_cast %parallel_loop3A_409 : vector<1x1x16xf32> to vector<16xf32>
        %parallel_loop3A_411 = vector.shape_cast %parallel_loop3A_404 : vector<16xf32> to vector<1x1x16xf32>
        tpu.vector_store %arg5[%parallel_loop3A_406, %parallel_loop3A_407, %parallel_loop3A_408], %parallel_loop3A_411 {strides = array<i32>} : memref<8x4x1024xf32, #tpu.memory_space<vmem>>, vector<1x1x16xf32>,
      } {sc.loop_unroll_factor = 8 : i64, sc.parallel_access}
      %scan3A_348 = arith.constant 0 : i32
      scf.yield %scan3A_348 : i32
    }
    %scan3A_292 = arith.constant 8 : i32
    %add3A_293 = arith.constant 48 : i32
    %add3A_294 = arith.addi %mul3A_2, %add3A_293 : i32
    %dma_start3A_295 = arith.constant 0 : i32
    %dma_start3A_296 = arith.constant 0 : i32
    %dma_start3A_297 = tpu.memref_slice %arg4[%add3A_294, %dma_start3A_295, %dma_start3A_296] : memref<2048x4x1024xf32, #tpu.memory_space<hbm>> -> memref<8x4x1024xf32, #tpu.memory_space<hbm>>
    %dma_start3A_298 = arith.constant 0 : i32
    %dma_start3A_299 = arith.constant 0 : i32
    %dma_start3A_300 = tpu.memref_slice %arg4[%add3A_294, %dma_start3A_298, %dma_start3A_299] : memref<2048x4x1024xf32, #tpu.memory_space<hbm>> -> memref<8x4x1024xf32, #tpu.memory_space<hbm>>
    tpu.enqueue_dma source(%arg5 : memref<8x4x1024xf32, #tpu.memory_space<vmem>>) target(%dma_start3A_300 : memref<8x4x1024xf32, #tpu.memory_space<hbm>>) target_semaphore(%arg17 : memref<!tpu.dma_semaphore, #tpu.memory_space<semaphore_mem>>)
    %dma_wait3A_301 = arith.constant 0 : i32
    %dma_wait3A_302 = arith.constant 0 : i32
    %dma_wait3A_303 = tpu.memref_slice %arg2[%add3A_265, %dma_wait3A_301, %dma_wait3A_302] : memref<2048x4x1024xf32, #tpu.memory_space<hbm>> -> memref<8x4x1024xf32, #tpu.memory_space<hbm>>
    %dma_wait3A_304 = arith.constant 0 : i32
    %dma_wait3A_305 = arith.constant 0 : i32
    %dma_wait3A_306 = tpu.memref_slice %arg2[%add3A_265, %dma_wait3A_304, %dma_wait3A_305] : memref<2048x4x1024xf32, #tpu.memory_space<hbm>> -> memref<8x4x1024xf32, #tpu.memory_space<hbm>>
    tpu.wait_dma2 semaphore(%arg12 : memref<!tpu.dma_semaphore, #tpu.memory_space<semaphore_mem>>) src(%dma_wait3A_306 : memref<8x4x1024xf32, #tpu.memory_space<hbm>>) dst(%arg6 : memref<8x4x1024xf32, #tpu.memory_space<vmem>>)
    %dma_wait3A_307 = arith.constant 0 : i32
    %dma_wait3A_308 = tpu.memref_slice %arg3[%add3A_265, %dma_wait3A_307] : memref<2048x1024xf32, #tpu.memory_space<hbm>> -> memref<8x1024xf32, #tpu.memory_space<hbm>>
    %dma_wait3A_309 = arith.constant 0 : i32
    %dma_wait3A_310 = tpu.memref_slice %arg3[%add3A_265, %dma_wait3A_309] : memref<2048x1024xf32, #tpu.memory_space<hbm>> -> memref<8x1024xf32, #tpu.memory_space<hbm>>
    tpu.wait_dma2 semaphore(%arg15 : memref<!tpu.dma_semaphore, #tpu.memory_space<semaphore_mem>>) src(%dma_wait3A_310 : memref<8x1024xf32, #tpu.memory_space<hbm>>) dst(%arg9 : memref<8x1024xf32, #tpu.memory_space<vmem>>)
    %scan3A_311 = arith.constant 0 : i32
    %scan3A_312 = arith.constant 0 : i32
    %scan3A_313 = arith.constant 8 : i32
    %scan3A_314 = arith.addi %scan3A_312, %scan3A_313 : i32
    %scan3A_315 = arith.constant 1 : i32
    %scan3A_316 = scf.for %scan3A_344 = %scan3A_312 to %scan3A_314 step %scan3A_315 iter_args(%scan3A_345 = %scan3A_311) -> (i32)  : i32 {
      %parallel_loop3A = arith.constant 0 : i32
      %parallel_loop3A_346 = arith.constant 64 : i32
      %parallel_loop3A_347 = arith.constant 1 : i32
      scf.for %parallel_loop3A_349 = %parallel_loop3A to %parallel_loop3A_346 step %parallel_loop3A_347  : i32 {
        %parallel_loop3A_350 = arith.constant 16 : i32
        %parallel_loop3A_351 = arith.muli %parallel_loop3A_349, %parallel_loop3A_350 : i32
        %parallel_loop3A_352 = arith.index_cast %scan3A_344 : i32 to index
        %parallel_loop3A_353 = arith.index_cast %parallel_loop3A_351 : i32 to index
        %parallel_loop3A_354 = tpu.vector_load %arg9[%parallel_loop3A_352, %parallel_loop3A_353] {strides = array<i32>} : memref<8x1024xf32, #tpu.memory_space<vmem>>, vector<1x16xf32>,
        %parallel_loop3A_355 = vector.shape_cast %parallel_loop3A_354 : vector<1x16xf32> to vector<16xf32>
        %parallel_loop3A_356 = arith.constant 0 : i32
        %parallel_loop3A_357 = arith.index_cast %scan3A_344 : i32 to index
        %parallel_loop3A_358 = arith.index_cast %parallel_loop3A_356 : i32 to index
        %parallel_loop3A_359 = arith.index_cast %parallel_loop3A_351 : i32 to index
        %parallel_loop3A_360 = tpu.vector_load %arg6[%parallel_loop3A_357, %parallel_loop3A_358, %parallel_loop3A_359] {strides = array<i32>} : memref<8x4x1024xf32, #tpu.memory_space<vmem>>, vector<1x1x16xf32>,
        %parallel_loop3A_361 = vector.shape_cast %parallel_loop3A_360 : vector<1x1x16xf32> to vector<16xf32>
        %parallel_loop3A_362 = arith.addf %parallel_loop3A_361, %parallel_loop3A_355 : vector<16xf32>
        %parallel_loop3A_363 = arith.constant 0 : i32
        %parallel_loop3A_364 = arith.index_cast %scan3A_344 : i32 to index
        %parallel_loop3A_365 = arith.index_cast %parallel_loop3A_363 : i32 to index
        %parallel_loop3A_366 = arith.index_cast %parallel_loop3A_351 : i32 to index
        %parallel_loop3A_367 = tpu.vector_load %arg6[%parallel_loop3A_364, %parallel_loop3A_365, %parallel_loop3A_366] {strides = array<i32>} : memref<8x4x1024xf32, #tpu.memory_space<vmem>>, vector<1x1x16xf32>,
        %parallel_loop3A_368 = vector.shape_cast %parallel_loop3A_367 : vector<1x1x16xf32> to vector<16xf32>
        %parallel_loop3A_369 = vector.shape_cast %parallel_loop3A_362 : vector<16xf32> to vector<1x1x16xf32>
        tpu.vector_store %arg6[%parallel_loop3A_364, %parallel_loop3A_365, %parallel_loop3A_366], %parallel_loop3A_369 {strides = array<i32>} : memref<8x4x1024xf32, #tpu.memory_space<vmem>>, vector<1x1x16xf32>,
        %parallel_loop3A_370 = arith.constant 1 : i32
        %parallel_loop3A_371 = arith.index_cast %scan3A_344 : i32 to index
        %parallel_loop3A_372 = arith.index_cast %parallel_loop3A_370 : i32 to index
        %parallel_loop3A_373 = arith.index_cast %parallel_loop3A_351 : i32 to index
        %parallel_loop3A_374 = tpu.vector_load %arg6[%parallel_loop3A_371, %parallel_loop3A_372, %parallel_loop3A_373] {strides = array<i32>} : memref<8x4x1024xf32, #tpu.memory_space<vmem>>, vector<1x1x16xf32>,
        %parallel_loop3A_375 = vector.shape_cast %parallel_loop3A_374 : vector<1x1x16xf32> to vector<16xf32>
        %parallel_loop3A_376 = arith.addf %parallel_loop3A_375, %parallel_loop3A_355 : vector<16xf32>
        %parallel_loop3A_377 = arith.constant 1 : i32
        %parallel_loop3A_378 = arith.index_cast %scan3A_344 : i32 to index
        %parallel_loop3A_379 = arith.index_cast %parallel_loop3A_377 : i32 to index
        %parallel_loop3A_380 = arith.index_cast %parallel_loop3A_351 : i32 to index
        %parallel_loop3A_381 = tpu.vector_load %arg6[%parallel_loop3A_378, %parallel_loop3A_379, %parallel_loop3A_380] {strides = array<i32>} : memref<8x4x1024xf32, #tpu.memory_space<vmem>>, vector<1x1x16xf32>,
        %parallel_loop3A_382 = vector.shape_cast %parallel_loop3A_381 : vector<1x1x16xf32> to vector<16xf32>
        %parallel_loop3A_383 = vector.shape_cast %parallel_loop3A_376 : vector<16xf32> to vector<1x1x16xf32>
        tpu.vector_store %arg6[%parallel_loop3A_378, %parallel_loop3A_379, %parallel_loop3A_380], %parallel_loop3A_383 {strides = array<i32>} : memref<8x4x1024xf32, #tpu.memory_space<vmem>>, vector<1x1x16xf32>,
        %parallel_loop3A_384 = arith.constant 2 : i32
        %parallel_loop3A_385 = arith.index_cast %scan3A_344 : i32 to index
        %parallel_loop3A_386 = arith.index_cast %parallel_loop3A_384 : i32 to index
        %parallel_loop3A_387 = arith.index_cast %parallel_loop3A_351 : i32 to index
        %parallel_loop3A_388 = tpu.vector_load %arg6[%parallel_loop3A_385, %parallel_loop3A_386, %parallel_loop3A_387] {strides = array<i32>} : memref<8x4x1024xf32, #tpu.memory_space<vmem>>, vector<1x1x16xf32>,
        %parallel_loop3A_389 = vector.shape_cast %parallel_loop3A_388 : vector<1x1x16xf32> to vector<16xf32>
        %parallel_loop3A_390 = arith.addf %parallel_loop3A_389, %parallel_loop3A_355 : vector<16xf32>
        %parallel_loop3A_391 = arith.constant 2 : i32
        %parallel_loop3A_392 = arith.index_cast %scan3A_344 : i32 to index
        %parallel_loop3A_393 = arith.index_cast %parallel_loop3A_391 : i32 to index
        %parallel_loop3A_394 = arith.index_cast %parallel_loop3A_351 : i32 to index
        %parallel_loop3A_395 = tpu.vector_load %arg6[%parallel_loop3A_392, %parallel_loop3A_393, %parallel_loop3A_394] {strides = array<i32>} : memref<8x4x1024xf32, #tpu.memory_space<vmem>>, vector<1x1x16xf32>,
        %parallel_loop3A_396 = vector.shape_cast %parallel_loop3A_395 : vector<1x1x16xf32> to vector<16xf32>
        %parallel_loop3A_397 = vector.shape_cast %parallel_loop3A_390 : vector<16xf32> to vector<1x1x16xf32>
        tpu.vector_store %arg6[%parallel_loop3A_392, %parallel_loop3A_393, %parallel_loop3A_394], %parallel_loop3A_397 {strides = array<i32>} : memref<8x4x1024xf32, #tpu.memory_space<vmem>>, vector<1x1x16xf32>,
        %parallel_loop3A_398 = arith.constant 3 : i32
        %parallel_loop3A_399 = arith.index_cast %scan3A_344 : i32 to index
        %parallel_loop3A_400 = arith.index_cast %parallel_loop3A_398 : i32 to index
        %parallel_loop3A_401 = arith.index_cast %parallel_loop3A_351 : i32 to index
        %parallel_loop3A_402 = tpu.vector_load %arg6[%parallel_loop3A_399, %parallel_loop3A_400, %parallel_loop3A_401] {strides = array<i32>} : memref<8x4x1024xf32, #tpu.memory_space<vmem>>, vector<1x1x16xf32>,
        %parallel_loop3A_403 = vector.shape_cast %parallel_loop3A_402 : vector<1x1x16xf32> to vector<16xf32>
        %parallel_loop3A_404 = arith.addf %parallel_loop3A_403, %parallel_loop3A_355 : vector<16xf32>
        %parallel_loop3A_405 = arith.constant 3 : i32
        %parallel_loop3A_406 = arith.index_cast %scan3A_344 : i32 to index
        %parallel_loop3A_407 = arith.index_cast %parallel_loop3A_405 : i32 to index
        %parallel_loop3A_408 = arith.index_cast %parallel_loop3A_351 : i32 to index
        %parallel_loop3A_409 = tpu.vector_load %arg6[%parallel_loop3A_406, %parallel_loop3A_407, %parallel_loop3A_408] {strides = array<i32>} : memref<8x4x1024xf32, #tpu.memory_space<vmem>>, vector<1x1x16xf32>,
        %parallel_loop3A_410 = vector.shape_cast %parallel_loop3A_409 : vector<1x1x16xf32> to vector<16xf32>
        %parallel_loop3A_411 = vector.shape_cast %parallel_loop3A_404 : vector<16xf32> to vector<1x1x16xf32>
        tpu.vector_store %arg6[%parallel_loop3A_406, %parallel_loop3A_407, %parallel_loop3A_408], %parallel_loop3A_411 {strides = array<i32>} : memref<8x4x1024xf32, #tpu.memory_space<vmem>>, vector<1x1x16xf32>,
      } {sc.loop_unroll_factor = 8 : i64, sc.parallel_access}
      %scan3A_348 = arith.constant 0 : i32
      scf.yield %scan3A_348 : i32
    }
    %scan3A_317 = arith.constant 8 : i32
    %add3A_318 = arith.constant 56 : i32
    %add3A_319 = arith.addi %mul3A_2, %add3A_318 : i32
    %dma_start3A_320 = arith.constant 0 : i32
    %dma_start3A_321 = arith.constant 0 : i32
    %dma_start3A_322 = tpu.memref_slice %arg4[%add3A_319, %dma_start3A_320, %dma_start3A_321] : memref<2048x4x1024xf32, #tpu.memory_space<hbm>> -> memref<8x4x1024xf32, #tpu.memory_space<hbm>>
    %dma_start3A_323 = arith.constant 0 : i32
    %dma_start3A_324 = arith.constant 0 : i32
    %dma_start3A_325 = tpu.memref_slice %arg4[%add3A_319, %dma_start3A_323, %dma_start3A_324] : memref<2048x4x1024xf32, #tpu.memory_space<hbm>> -> memref<8x4x1024xf32, #tpu.memory_space<hbm>>
    tpu.enqueue_dma source(%arg6 : memref<8x4x1024xf32, #tpu.memory_space<vmem>>) target(%dma_start3A_325 : memref<8x4x1024xf32, #tpu.memory_space<hbm>>) target_semaphore(%arg18 : memref<!tpu.dma_semaphore, #tpu.memory_space<semaphore_mem>>)
    %dma_wait3A_326 = arith.constant 0 : i32
    %dma_wait3A_327 = arith.constant 0 : i32
    %dma_wait3A_328 = tpu.memref_slice %arg4[%add3A_251, %dma_wait3A_326, %dma_wait3A_327] : memref<2048x4x1024xf32, #tpu.memory_space<hbm>> -> memref<8x4x1024xf32, #tpu.memory_space<hbm>>
    %dma_wait3A_329 = arith.constant 0 : i32
    %dma_wait3A_330 = arith.constant 0 : i32
    %dma_wait3A_331 = tpu.memref_slice %arg4[%add3A_251, %dma_wait3A_329, %dma_wait3A_330] : memref<2048x4x1024xf32, #tpu.memory_space<hbm>> -> memref<8x4x1024xf32, #tpu.memory_space<hbm>>
    tpu.wait_dma2 semaphore(%arg19 : memref<!tpu.dma_semaphore, #tpu.memory_space<semaphore_mem>>) src(%arg7 : memref<8x4x1024xf32, #tpu.memory_space<vmem>>) dst(%dma_wait3A_331 : memref<8x4x1024xf32, #tpu.memory_space<hbm>>)
    %dma_wait3A_332 = arith.constant 0 : i32
    %dma_wait3A_333 = arith.constant 0 : i32
    %dma_wait3A_334 = tpu.memref_slice %arg4[%add3A_294, %dma_wait3A_332, %dma_wait3A_333] : memref<2048x4x1024xf32, #tpu.memory_space<hbm>> -> memref<8x4x1024xf32, #tpu.memory_space<hbm>>
    %dma_wait3A_335 = arith.constant 0 : i32
    %dma_wait3A_336 = arith.constant 0 : i32
    %dma_wait3A_337 = tpu.memref_slice %arg4[%add3A_294, %dma_wait3A_335, %dma_wait3A_336] : memref<2048x4x1024xf32, #tpu.memory_space<hbm>> -> memref<8x4x1024xf32, #tpu.memory_space<hbm>>
    tpu.wait_dma2 semaphore(%arg17 : memref<!tpu.dma_semaphore, #tpu.memory_space<semaphore_mem>>) src(%arg5 : memref<8x4x1024xf32, #tpu.memory_space<vmem>>) dst(%dma_wait3A_337 : memref<8x4x1024xf32, #tpu.memory_space<hbm>>)
    %dma_wait3A_338 = arith.constant 0 : i32
    %dma_wait3A_339 = arith.constant 0 : i32
    %dma_wait3A_340 = tpu.memref_slice %arg4[%add3A_319, %dma_wait3A_338, %dma_wait3A_339] : memref<2048x4x1024xf32, #tpu.memory_space<hbm>> -> memref<8x4x1024xf32, #tpu.memory_space<hbm>>
    %dma_wait3A_341 = arith.constant 0 : i32
    %dma_wait3A_342 = arith.constant 0 : i32
    %dma_wait3A_343 = tpu.memref_slice %arg4[%add3A_319, %dma_wait3A_341, %dma_wait3A_342] : memref<2048x4x1024xf32, #tpu.memory_space<hbm>> -> memref<8x4x1024xf32, #tpu.memory_space<hbm>>
    tpu.wait_dma2 semaphore(%arg18 : memref<!tpu.dma_semaphore, #tpu.memory_space<semaphore_mem>>) src(%arg6 : memref<8x4x1024xf32, #tpu.memory_space<vmem>>) dst(%dma_wait3A_343 : memref<8x4x1024xf32, #tpu.memory_space<hbm>>)
    return
  }
}

</mosaic_0001>

<sc_bundles>
// kernel: kernel.3.cloned.1.call-start
scs
__scs_entry_jumppad:
0x0: {  	(pc) =	sbr.rel $0x88, $3  }
0x1: {  	(tag) =	ssettag $0x0;
	lr =	simm.s32 $0x1  }
0x2: {  	[smem:$0x3F9F] =	sst lr;
	_ =	strace $0xD0000000  }
0x3: {  	_ = 	snop  }
0x4: {  	_ = 	snop  }
0x5: {  	_ = 	snop  }
0x6: {  	_ = 	snop  }
0x7: {  	_ = 	snop  }
__scs_overlays_trampoline_lowered:
0x8: {  	[smem:$0x3FAE] =	sst s0  }
0x9: {  	[smem:$0x3FAF] =	sst s1  }
0xa: {  	[smem:$0x3FB0] =	sst s2  }
0xb: {  	[smem:$0x3FB1] =	sst s3  }
0xc: {  	[smem:$0x3FB2] =	sst s4  }
0xd: {  	[smem:$0x3FB3] =	sst s5  }
0xe: {  	[smem:$0x3FB4] =	sst s6  }
0xf: {  	[smem:$0x3FB5] =	sst s7  }
0x10: {  	[smem:$0x3FB6] =	sst s8  }
0x11: {  	[smem:$0x3FB7] =	sst s9;
	s0 =	simm.s32 @!p0 $0x0  }
0x12: {  	s1 =	sld [smem:$0x3F9D];
	s0 =	simm.s32 @p0 $0x1  }
0x13: {  	[smem:$0x3FB8] =	sst s0;
	s0 =	simm.s32 @!p1 $0x0  }
0x14: {  	s2 =	sld [smem:$0x3F9C];
	s0 =	simm.s32 @p1 $0x1  }
0x15: {  	[smem:$0x3FB9] =	sst s0;
	s0 =	simm.s32 @!p2 $0x0  }
0x16: {  	s3 =	sld [smem:$0x3FDB];
	s0 =	simm.s32 @p2 $0x1  }
0x17: {  	s4 =	simm.s32 $0x1BF5;
	[smem:$0x3FBB] =	sst s0  }
0x18: {  	s0 =	sld [smem:$0x3F9E];
	_ =	swait.ge [sflag:s4], $0x0  }
0x19: {  	s7 =	sld [smem:$0x3F9F]  }
0x1a: {  	s8 =	sadd.s32 $0xFFFFE003, lr  }
0x1b: {  	s9 =	sadd.s32 $0xFFFFFEF7, lr;
	s5 =	simm.s32 $0xFFFFFFFF;
	p2 =	slt.u32 s8, $0xFFFFF086  }
0x1c: {  	p1 =	slt.u32 s9, $0xF7A;
	s5 =	simm.s32 @!p2 $0x0  }
0x1d: {  	s5 =	simm.s32 @p1 $0x1;
	p0 =	seq.s32 s7, s2  }
0x1e: {  	s7 =	smul.u32 @!p0 $0xF7A, s2;
	p2 =	seq.s32 @!p0 s5, $0x0  }
0x1f: {  	s9 =	smul.u32 $0xF7A, s1;
	s8 =	simm.s32 @!p0 $0x1BF5;
	p2 =	por !p2, p0  }
0x20: {  	[sflag:s8] =	ssyncset.s32 @!p0 $0xFFFFF086;
	s6 =	sadd.s32 @!p0 s3, s7;
	s7 =	simm.s32 @!p0 $0x108  }
0x21: {  	s3 =	sadd.s32 s3, s9;
	s6 =	sadd.s32 @!p0 $0x88, s6;
	s7 =	simm.s32 @p2 $0x1082  }
0x22: {  	[simem:s7], [sflag:s8] =	dma.local @!p0 [hbm:s6], $0xF7A  }
0x23: {  	s9 =	sor.u32 $0xD0000000, s2;
	s6 =	simm.s32 $0x108;
	_ =	swait.ge @!p0 [sflag:s8], $0x0  }
0x24: {  	s3 =	sadd.s32 $0x88, s3;
	s6 =	simm.s32 @!p1 $0x1082;
	[sflag:s4] =	ssyncset.s32 $0xFFFFF086  }
0x25: {  	[simem:s6], [sflag:s4] =	dma.local [hbm:s3], $0xF7A  }
0x26: {  	[smem:$0x3F9F] =	sst s1;
	(tag) =	ssettag s2;
	_ =	strace s9  }
0x27: {  	s1 =	sld [smem:$0x3FAF]  }
0x28: {  	s2 =	sld [smem:$0x3FB0]  }
0x29: {  	s4 =	sld [smem:$0x3FB2]  }
0x2a: {  	p0 =	seq.s32 s5, $0x0;
	s5 =	sld [smem:$0x3FB3]  }
0x2b: {  	s6 =	sld [smem:$0x3FB4]  }
0x2c: {  	s7 =	sld [smem:$0x3FB5]  }
0x2d: {  	s3 =	simm.s32 $0x108;
	s8 =	sld [smem:$0x3FB6]  }
0x2e: {  	s3 =	simm.s32 @!p0 $0x1082;
	s9 =	sld [smem:$0x3FB7]  }
0x2f: {  	lr =	sadd.s32 s0, s3;
	s0 =	sld [smem:$0x3FAE]  }
0x30: {  	s3 =	sld [smem:$0x3FB1]  }
0x31: {  	[smem:$0x3FBA] =	sst s10  }
0x32: {  	s10 =	sld [smem:$0x3FB8];
	_ =	sdelay $0x3  }
0x33: {  	p0 =	seq.s32 s10, $0x1;
	s10 =	sld [smem:$0x3FBA];
	_ =	sdelay $0x3  }
0x34: {  	[smem:$0x3FBA] =	sst s10  }
0x35: {  	s10 =	sld [smem:$0x3FB9];
	_ =	sdelay $0x3  }
0x36: {  	p1 =	seq.s32 s10, $0x1;
	s10 =	sld [smem:$0x3FBA];
	_ =	sdelay $0x3  }
0x37: {  	[smem:$0x3FBA] =	sst s10  }
0x38: {  	s10 =	sld [smem:$0x3FBB]  }
0x39: {  	_ = 	snop;
	(pc) =	sbr.ind lr, $3  }
0x3a: {  	_ = 	snop  }
0x3b: {  	_ = 	snop  }
0x3c: {  	p2 =	seq.s32 s10, $0x1;
	s10 =	sld [smem:$0x3FBA]  }
0x3d: {  	_ =	shalt  }
0x3e: {  	_ =	shalt  }
0x3f: {  	_ =	shalt  }
0x40: {  	_ =	shalt  }
0x41: {  	_ =	shalt  }
0x42: {  	_ =	shalt  }
0x43: {  	_ =	shalt  }
0x44: {  	_ =	shalt  }
0x45: {  	_ =	shalt  }
0x46: {  	_ =	shalt  }
0x47: {  	_ =	shalt  }
0x48: {  	_ =	shalt  }
0x49: {  	_ =	shalt  }
0x4a: {  	_ =	shalt  }
0x4b: {  	_ =	shalt  }
0x4c: {  	_ =	shalt  }
0x4d: {  	_ =	shalt  }
0x4e: {  	_ =	shalt  }
0x4f: {  	_ =	shalt  }
0x50: {  	_ =	shalt  }
0x51: {  	_ =	shalt  }
0x52: {  	_ =	shalt  }
0x53: {  	_ =	shalt  }
0x54: {  	_ =	shalt  }
0x55: {  	_ =	shalt  }
0x56: {  	_ =	shalt  }
0x57: {  	_ =	shalt  }
0x58: {  	_ =	shalt  }
0x59: {  	_ =	shalt  }
0x5a: {  	_ =	shalt  }
0x5b: {  	_ =	shalt  }
0x5c: {  	_ =	shalt  }
0x5d: {  	_ =	shalt  }
0x5e: {  	_ =	shalt  }
0x5f: {  	_ =	shalt  }
0x60: {  	_ =	shalt  }
0x61: {  	_ =	shalt  }
0x62: {  	_ =	shalt  }
0x63: {  	_ =	shalt  }
0x64: {  	_ =	shalt  }
0x65: {  	_ =	shalt  }
0x66: {  	_ =	shalt  }
0x67: {  	_ =	shalt  }
0x68: {  	_ =	shalt  }
0x69: {  	_ =	shalt  }
0x6a: {  	_ =	shalt  }
0x6b: {  	_ =	shalt  }
0x6c: {  	_ =	shalt  }
0x6d: {  	_ =	shalt  }
0x6e: {  	_ =	shalt  }
0x6f: {  	_ =	shalt  }
0x70: {  	_ =	shalt  }
0x71: {  	_ =	shalt  }
0x72: {  	_ =	shalt  }
0x73: {  	_ =	shalt  }
0x74: {  	_ =	shalt  }
0x75: {  	_ =	shalt  }
0x76: {  	_ =	shalt  }
0x77: {  	_ =	shalt  }
0x78: {  	_ =	shalt  }
0x79: {  	_ =	shalt  }
0x7a: {  	_ =	shalt  }
0x7b: {  	_ =	shalt  }
0x7c: {  	_ =	shalt  }
0x7d: {  	_ =	shalt  }
0x7e: {  	_ =	shalt  }
0x7f: {  	_ =	shalt  }
0x80: {  	_ =	shalt  }
0x81: {  	_ =	shalt  }
0x82: {  	_ =	shalt  }
0x83: {  	_ =	shalt  }
0x84: {  	_ =	shalt  }
0x85: {  	_ =	shalt  }
0x86: {  	_ =	shalt  }
0x87: {  	_ =	shalt  }
.Lfunc_end0:
.L_simem_size_0:
called_computation_lowered:
.L_overlay_start_0:
0x88: {  	s2 =	sld [smem:$0x3FD9]  }
0x89: {  	s3 =	sld [smem:$0x3FFE];
	_ =	sdelay $0x1  }
0x8a: {  	s1 =	srdreg.scid  }
0x8b: {  	s0 =	sand.u32 $0x1, s1  }
0x8c: {  	s18 =	sshll.u32 s0, $0xA;
	s2 =	sadd.s32 s3, s2  }
0x8d: {  	s2 =	sadd.s32 s2, s18  }
0x8e: {  	[smem:$0x3FC6] =	sst s2  }
0x8f: {  	_ = 	snop  }
0x90: {  	s2 =	sld [smem:$0x3FC9]  }
0x91: {  	s19 =	sld [smem:$0x3FC8]  }
0x92: {  	s4 =	sld [smem:$0x3FD0];
	(tm) =	ssettm $0x1  }
0x93: {  	s5 =	sld [smem:$0x3FFB];
	_ =	sdelay $0x3  }
0x94: {  	_ =	strace s5  }
0x95: {  	s5 =	sld [smem:$0x3FFC];
	_ =	sdelay $0x3  }
0x96: {  	_ =	strace s5  }
0x97: {  	s5 =	sld [smem:$0x3FFD];
	_ =	sdelay $0x3  }
0x98: {  	_ =	strace s5  }
0x99: {  	_ =	strace $0x8FFFFFFF  }
0x9a: {  	s20 =	sld [smem:$0x3FDB];
	_ =	sdelay $0x1  }
0x9b: {  	s6 =	simm.s32 $_scs_section_size  }
0x9c: {  	s7 =	simm.s32 $_size__tile_overlayer_lowered;
	s8 =	simm.s32 $_tile_overlayer_lowered  }
0x9d: {  	s23 =	simm.s32 $0x1BFF;
	s22 =	sshll.u32 s8, $0x1;
	s5 =	sadd.s32 s6, s20  }
0x9e: {  	s9 =	simm.s32 $0x0;
	s21 =	sshll.u32 s7, $0x1;
	s7 =	sadd.s32 s22, s5  }
0x9f: {  	[timem:s9], [sflag:s23] =	dma.local [hbm:s7], s21  }
0xa0: {  	_ =	swait.ge [sflag:s23], s21  }
0xa1: {  	s6 =	ssub.s32 $0x0, s21;
	[sflag:s23] =	ssyncset.done $0x0  }
0xa2: {  	[sflag:s23] =	ssyncadd.s32 s6;
	_ =	sdelay $0x1  }
0xa3: {  	s24 =	simm.s32 $0x1B8B  }
0xa4: {  	_ =	swait.ge [sflag:s24], $0x1  }
0xa5: {  	[sflag:s24] =	ssyncset.done $0x0  }
0xa6: {  	s25 =	simm.s32 $0x1B8E;
	[sflag:s24] =	ssyncadd.s32 $0xFFFFFFFF  }
0xa7: {  	s26 =	simm.s32 $execute0_lowered;
	[smem:$0x3FD2] =	sst s25  }
0xa8: {  	s6 =	sshll.u32 s26, $0x1;
	_ =	strace $0x80000046;
	[dreg:$0x1] =	wrdreg $0xFFFFFFFF  }
0xa9: {  	s28 =	simm.s32 $_size_execute0_lowered;
	s5 =	sadd.s32 s5, s6;
	[dreg:$0x0] =	wrdreg $0x0  }
0xaa: {  	s6 =	sshll.u32 s28, $0x1;
	[dreg:$0x2] =	wrdreg s5  }
0xab: {  	[dreg:$0x3] =	wrdreg s6  }
0xac: {  	[dreg:$0x4] =	wrdreg $0xC0  }
0xad: {  	_ =	task [dreg:s9], $0x5FFFF  }
0xae: {  	[dreg:$0x1] =	wrdreg $0xFFFFFFFF  }
0xaf: {  	[dreg:$0x0] =	wrdreg $0x60  }
0xb0: {  	[dreg:$0x2] =	wrdreg s2  }
0xb1: {  	[dreg:$0x3] =	wrdreg s19  }
0xb2: {  	[dreg:$0x4] =	wrdreg s4  }
0xb3: {  	[dreg:$0x5] =	wrdreg $0x9  }
0xb4: {  	_ =	task.clear_ibuf [dreg:s9], $0x6FFFF;
	_ =	strace $0x90000046  }
0xb5: {  	s29 =	simm.s32 $0x9;
	_ =	strace $0x80000048  }
0xb6: {  	_ =	swait.ge [sflag:s29], $0x1  }
0xb7: {  	[sflag:s29] =	ssyncadd.s32 $0xFFFFFFFF  }
0xb8: {  	_ =	strace $0x90000048  }
0xb9: {  	_ =	sfence  }
0xba: {  	s30 =	sld [smem:$0x0];
	_ =	sdelay $0x2  }
0xbb: {  	s31 =	sshll.u32 s1, $0xD;
	s1 =	sshrl.u32 s1, $0x2  }
0xbc: {  	s3 =	sand.u32 $0x4000, s31;
	s1 =	sadd.s32 s1, s30  }
0xbd: {  	s0 =	sor.u32 s3, s0;
	s1 =	sshll.u32 s1, $0x11  }
0xbe: {  	s0 =	sor.u32 s1, s0  }
0xbf: {  	s0 =	sadd.s32 $0x8F2B, s0  }
0xc0: {  	[sflag:s0] =	ssyncadd.remote.s32 $0x1  }
0xc1: {  	_ =	sfence.sel $0xFFFF  }
0xc2: {  	[dreg:$0x0] =	wrdreg $0xFFFFFFFF;
	(pc) =	sbr.abs _section_cstart, $3  }
0xc3: {  	[dreg:$0x1] =	wrdreg $0xFFFFFFFF  }
0xc4: {  	_ =	task.clear_ibuf [dreg:s9], $0x2FFFF;
	_ =	strace $0x9FFFFFFF  }
0xc5: {  	(tm) =	ssettm $0x7FFFFFFF  }
tec
execute0_lowered:
.L_overlay_start_1:
0x0: {  	(tag) =	ssettag $0x1  }
0x1: {  	s0 =	rddreg [dreg:$0x0]  }
0x2: {  	s2 =	rddreg [dreg:$0x1]  }
0x3: {  	s3 =	rddreg [dreg:$0x2]  }
0x4: {  	s4 =	srdreg.scid;
	s1 =	simm.s32 $0x0;
	s6 =	stileid.u32  }
0x5: {  	s29 =	simm.s32 $0x18000;
	s30 =	simm.s32 $0x8000;
	s4 =	sand.u32 $0x1, s4  }
0x6: {  	s6 =	sshll.u32 s6, $0x7;
	s5 =	ssub.s32 $0x2, s4;
	s4 =	sshll.u32 s4, $0x6  }
0x7: {  	s31 =	simm.s32 $0x1A000;
	s7 =	sshrl.u32 s5, $0x1;
	s4 =	sor.u32 s4, s6  }
0x8: {  	[smem:$0x7FF] =	sst s1;
	s5 =	ssub.s32 s5, s7;
	s6 =	sshll.u32 s4, $0x9  }
0x9: {  	s22 =	sshll.u32 s4, $0x7;
	s23 =	sor.u32 $0x8, s4;
	s9 =	sor.u32 $0x10, s4  }
0xa: {  	s12 =	sor.u32 $0x18, s4;
	s14 =	sor.u32 $0x20, s4;
	s19 =	sor.u32 $0x28, s4  }
0xb: {  	s20 =	sor.u32 $0x30, s4;
	s4 =	sor.u32 $0x38, s4;
	s8 =	sadd.s32 s0, s6  }
0xc: {  	s7 =	sadd.s32 s2, s22;
	s24 =	sshll.u32 s23, $0x9;
	s25 =	sshll.u32 s9, $0x9  }
0xd: {  	s6 =	sadd.s32 s3, s6;
	s13 =	sshll.u32 s12, $0x9;
	s16 =	sshll.u32 s14, $0x7  }
0xe: {  	s17 =	sshll.u32 s14, $0x9;
	s21 =	sshll.u32 s19, $0x7;
	[dreg:$0x4] =	wrdreg s8  }
0xf: {  	s28 =	smax.u32 s5, $0x1;
	s5 =	simm.s32 $0x5;
	[dreg:$0x5] =	wrdreg s7  }
0x10: {  	s7 =	sshll.u32 s23, $0x7;
	s10 =	sadd.s32 s0, s24;
	[dreg:$0x8] =	wrdreg s6  }
0x11: {  	s26 =	sadd.s32 s0, s25;
	s11 =	sadd.s32 s3, s24;
	s15 =	sadd.s32 s0, s13  }
0x12: {  	s23 =	sadd.s32 s0, s17;
	s18 =	sadd.s32 s3, s13;
	[dreg:$0x6] =	wrdreg s10  }
0x13: {  	s24 =	sshll.u32 s19, $0x9;
	s19 =	sadd.s32 s3, s17;
	[dreg:$0x9] =	wrdreg s26  }
0x14: {  	s8 =	simm.s32 $0x6;
	s7 =	sadd.s32 s2, s7;
	[dreg:$0xb] =	wrdreg s11  }
0x15: {  	s10 =	sshll.u32 s9, $0x7;
	[dreg:$0xc] =	wrdreg s15;
	s11 =	sshll.u32 s20, $0x7  }
0x16: {  	[dreg:$0x13] =	wrdreg s23;
	s26 =	sshll.u32 s4, $0x9;
	s9 =	simm.s32 $0x8  }
0x17: {  	[dreg:$0x7] =	wrdreg s7;
	s6 =	sadd.s32 s2, s10;
	s7 =	sadd.s32 s3, s25  }
0x18: {  	s10 =	sadd.s32 s2, s21;
	s22 =	sadd.s32 s2, s11;
	[dreg:$0xa] =	wrdreg s6  }
0x19: {  	s25 =	sshll.u32 s20, $0x9;
	s21 =	sadd.s32 s0, s24;
	[dreg:$0xe] =	wrdreg s7  }
0x1a: {  	s20 =	simm.s32 $0x1;
	s6 =	sshll.u32 s12, $0x7;
	[dreg:$0x10] =	wrdreg s10  }
0x1b: {  	s12 =	sshll.u32 s4, $0x7;
	[dreg:$0x11] =	wrdreg s22;
	s22 =	sadd.s32 s3, s24  }
0x1c: {  	s23 =	sadd.s32 s0, s25;
	s24 =	sadd.s32 s0, s26;
	s25 =	sadd.s32 s3, s25  }
0x1d: {  	s26 =	sadd.s32 s3, s26;
	s0 =	simm.s32 $0x4;
	s6 =	sadd.s32 s2, s6  }
0x1e: {  	s4 =	simm.s32 $0x2;
	[dreg:$0xd] =	wrdreg s6;
	s6 =	sadd.s32 s2, s16  }
0x1f: {  	s7 =	simm.s32 $0x3;
	s2 =	sadd.s32 s2, s12;
	[dreg:$0xf] =	wrdreg s6  }
0x20: {  	s3 =	simm.s32 $0x9;
	s10 =	simm.s32 $0x0;
	[dreg:$0x12] =	wrdreg s2  }
0x21: {  	s2 =	simm.s32 $0x10000;
	s6 =	simm.s32 $0x7;
	_ =	strace $0x80000047  }
.LBB2_1:
0x22: {  	s11 =	rddreg [dreg:$0x4]  }
0x23: {  	[tilespmem:s1], [sflag:$0x1] =	stream.linear.gather [hbm4b:s11+s1], $0x8000, $0x38;
	[tilespmem:$0x1E000] =	vst v63  }
0x24: {  	s15 =	rddreg [dreg:$0x5]  }
0x25: {  	[tilespmem:s29], [sflag:$0x4] =	stream.linear.gather [hbm4b:s15+s1], $0x2000, $0x38;
	[tilespmem:$0x1E000] =	vst v63  }
0x26: {  	s16 =	rddreg [dreg:$0x6]  }
0x27: {  	[tilespmem:s30], [sflag:$0x2] =	stream.linear.gather [hbm4b:s16+s1], $0x8000, $0x38;
	[tilespmem:$0x1E000] =	vst v63  }
0x28: {  	s17 =	rddreg [dreg:$0x7]  }
0x29: {  	[tilespmem:s31], [sflag:$0x5] =	stream.linear.gather [hbm4b:s17+s1], $0x2000, $0x38;
	[tilespmem:$0x1E000] =	vst v63  }
0x2a: {  	_ =	swait.ge [sflag:s20], $0x8000  }
0x2b: {  	[sflag:s20] =	ssyncset.done $0x0  }
0x2c: {  	[sflag:s20] =	ssyncadd.s32 $0xFFFF8000  }
0x2d: {  	_ =	swait.ge [sflag:s0], $0x2000  }
0x2e: {  	s12 =	simm.s32 $0x18040;
	[sflag:s0] =	ssyncset.done $0x0  }
0x2f: {  	s13 =	simm.s32 $0x0;
	s17 =	simm.s32 $0x100;
	[sflag:s0] =	ssyncadd.s32 $0xFFFFE000  }
.LBB2_2:
0x30: {  	v1 =	vld [tilespmem:s12+$0x30]  }
0x31: {  	v5 =	vld [tilespmem:s17+$0xF0]  }
0x32: {  	v2 =	vld [tilespmem:s17+$0xFFFFFF00]  }
0x33: {  	v3 =	vld [tilespmem:s17+$0xFFFFFF80]  }
0x34: {  	v4 =	vld [tilespmem:s17+$0x0]  }
0x35: {  	v0 =	vld [tilespmem:s17+$0x80]  }
0x36: {  	v6 =	vld [tilespmem:s12+$0xFFFFFFD0]  }
0x37: {  	v7 =	vld [tilespmem:s17+$0xFFFFFF10]  }
0x38: {  	v8 =	vld [tilespmem:s17+$0xFFFFFF90]  }
0x39: {  	v9 =	vld [tilespmem:s17+$0x10]  }
0x3a: {  	v10 =	vld [tilespmem:s17+$0x90]  }
0x3b: {  	v11 =	vld [tilespmem:s12+$0xFFFFFFE0]  }
0x3c: {  	v12 =	vld [tilespmem:s17+$0xFFFFFF20]  }
0x3d: {  	v13 =	vld [tilespmem:s17+$0xFFFFFFA0]  }
0x3e: {  	v14 =	vld [tilespmem:s17+$0x20]  }
0x3f: {  	v15 =	vld [tilespmem:s17+$0xA0]  }
0x40: {  	v16 =	vld [tilespmem:s12+$0xFFFFFFF0];
	v5 =	vadd.f32 v5, v1  }
0x41: {  	v17 =	vld [tilespmem:s17+$0xFFFFFF30];
	v7 =	vadd.f32 v7, v6  }
0x42: {  	[tilespmem:s17+$0xF0] =	vst v5;
	v5 =	vadd.f32 v8, v6;
	v8 =	vld [tilespmem:s17+$0xFFFFFFB0]  }
0x43: {  	[tilespmem:s17+$0xFFFFFF10] =	vst v7;
	v7 =	vadd.f32 v9, v6;
	v9 =	vld [tilespmem:s17+$0x30]  }
0x44: {  	[tilespmem:s17+$0xFFFFFF90] =	vst v5;
	v5 =	vadd.f32 v10, v6;
	v6 =	vld [tilespmem:s17+$0xB0]  }
0x45: {  	[tilespmem:s17+$0x10] =	vst v7;
	v7 =	vadd.f32 v12, v11;
	v10 =	vld [tilespmem:s12+$0x0]  }
0x46: {  	v12 =	vld [tilespmem:s17+$0xFFFFFF40];
	[tilespmem:s17+$0x90] =	vst v5;
	v5 =	vadd.f32 v13, v11  }
0x47: {  	[tilespmem:s17+$0xFFFFFF20] =	vst v7;
	v7 =	vadd.f32 v14, v11;
	v13 =	vld [tilespmem:s17+$0xFFFFFFC0]  }
0x48: {  	v14 =	vld [tilespmem:s17+$0xC0];
	[tilespmem:s17+$0xFFFFFFA0] =	vst v5;
	v5 =	vadd.f32 v15, v11  }
0x49: {  	v11 =	vld [tilespmem:s17+$0x40];
	[tilespmem:s17+$0x20] =	vst v7;
	v7 =	vadd.f32 v17, v16  }
0x4a: {  	v15 =	vld [tilespmem:s17+$0xD0];
	[tilespmem:s17+$0xA0] =	vst v5;
	v5 =	vadd.f32 v8, v16  }
0x4b: {  	v8 =	vld [tilespmem:s12+$0x10];
	[tilespmem:s17+$0xFFFFFF30] =	vst v7;
	v7 =	vadd.f32 v9, v16  }
0x4c: {  	v9 =	vld [tilespmem:s17+$0xFFFFFF50];
	[tilespmem:s17+$0xFFFFFFB0] =	vst v5;
	v5 =	vadd.f32 v6, v16  }
0x4d: {  	v6 =	vld [tilespmem:s17+$0xFFFFFFD0];
	[tilespmem:s17+$0x30] =	vst v7;
	v7 =	vadd.f32 v12, v10  }
0x4e: {  	v13 =	vadd.f32 v13, v10;
	v12 =	vld [tilespmem:s17+$0x50];
	[tilespmem:s17+$0xB0] =	vst v5  }
0x4f: {  	[tilespmem:s17+$0xFFFFFF40] =	vst v7;
	v7 =	vadd.f32 v11, v10;
	v5 =	vld [tilespmem:s12+$0x20]  }
0x50: {  	[tilespmem:s17+$0xFFFFFFC0] =	vst v13;
	v10 =	vadd.f32 v14, v10;
	v11 =	vld [tilespmem:s17+$0xFFFFFF60]  }
0x51: {  	v13 =	vld [tilespmem:s17+$0xFFFFFFE0];
	[tilespmem:s17+$0x40] =	vst v7;
	v7 =	vadd.f32 v9, v8  }
0x52: {  	v14 =	vld [tilespmem:s17+$0x60];
	[tilespmem:s17+$0xC0] =	vst v10;
	v6 =	vadd.f32 v6, v8  }
0x53: {  	v10 =	vld [tilespmem:s17+$0xE0];
	[tilespmem:s17+$0xFFFFFF50] =	vst v7;
	v7 =	vadd.f32 v12, v8  }
0x54: {  	[tilespmem:s17+$0xFFFFFFD0] =	vst v6;
	v6 =	vadd.f32 v15, v8;
	v8 =	vld [tilespmem:s17+$0xFFFFFF70]  }
0x55: {  	v9 =	vld [tilespmem:s17+$0xFFFFFFF0];
	v12 =	vadd.f32 v11, v5;
	[tilespmem:s17+$0x50] =	vst v7  }
0x56: {  	s15 =	simm.s32 $0x0;
	v11 =	vadd.f32 v13, v5;
	v7 =	vld [tilespmem:s17+$0x70];
	[tilespmem:s17+$0xD0] =	vst v6  }
0x57: {  	s16 =	sadd.s32 $0x400, s12;
	s11 =	smov.u32 s17;
	s14 =	smov.u32 s17;
	v6 =	vld [tilespmem:s12+$0xFFFFFFC0];
	[tilespmem:s17+$0xFFFFFF60] =	vst v12;
	v12 =	vadd.f32 v14, v5  }
.LBB2_3:
0x58: {  	v13 =	vld [tilespmem:s16+$0x30];
	[tilespmem:s11+$0xFFFFFFE0] =	vst v11;
	v5 =	vadd.f32 v10, v5;
	s14 =	sadd.s32 $0x200, s14  }
0x59: {  	s15 =	sadd.s32 $0x8, s15;
	v10 =	vld [tilespmem:s14+$0xF0];
	[tilespmem:s11+$0x60] =	vst v12;
	v8 =	vadd.f32 v8, v1  }
0x5a: {  	p0 =	slt.u32 s15, $0x38;
	v11 =	vld [tilespmem:s14+$0xFFFFFF00];
	[tilespmem:s11+$0xE0] =	vst v5;
	v5 =	vadd.f32 v9, v1  }
0x5b: {  	v9 =	vld [tilespmem:s14+$0xFFFFFF80];
	[tilespmem:s11+$0xFFFFFF70] =	vst v8;
	v8 =	vadd.f32 v7, v1  }
0x5c: {  	v7 =	vld [tilespmem:s14+$0x0];
	v12 =	vadd.f32 v2, v6;
	v3 =	vadd.f32 v3, v6;
	[tilespmem:s11+$0xFFFFFFF0] =	vst v5  }
0x5d: {  	v4 =	vadd.f32 v4, v6;
	v5 =	vadd.f32 v0, v6;
	v0 =	vld [tilespmem:s14+$0x80];
	[tilespmem:s11+$0x70] =	vst v8;
	v1 =	vmov v13  }
0x5e: {  	v6 =	vld [tilespmem:s16+$0xFFFFFFD0];
	v8 =	vadd.f32 v10, v1;
	[tilespmem:s11+$0xFFFFFF00] =	vst v12  }
0x5f: {  	v10 =	vld [tilespmem:s14+$0xFFFFFF10];
	[tilespmem:s11+$0xFFFFFF80] =	vst v3;
	v2 =	vmov v11  }
0x60: {  	v11 =	vld [tilespmem:s14+$0xFFFFFF90];
	[tilespmem:s14+$0xF0] =	vst v8;
	v3 =	vmov v9  }
0x61: {  	v8 =	vld [tilespmem:s14+$0x10];
	[tilespmem:s11+$0x0] =	vst v4;
	v4 =	vmov v7  }
0x62: {  	v7 =	vld [tilespmem:s14+$0x90];
	[tilespmem:s11+$0x80] =	vst v5;
	s11 =	smov.u32 s14  }
0x63: {  	v5 =	vld [tilespmem:s16+$0xFFFFFFE0]  }
0x64: {  	v9 =	vadd.f32 v10, v6;
	v10 =	vld [tilespmem:s14+$0xFFFFFF20]  }
0x65: {  	v11 =	vadd.f32 v11, v6;
	v12 =	vld [tilespmem:s14+$0xFFFFFFA0]  }
0x66: {  	[tilespmem:s14+$0xFFFFFF10] =	vst v9;
	v8 =	vadd.f32 v8, v6;
	v9 =	vld [tilespmem:s14+$0x20]  }
0x67: {  	[tilespmem:s14+$0xFFFFFF90] =	vst v11;
	v6 =	vadd.f32 v7, v6;
	v7 =	vld [tilespmem:s14+$0xA0]  }
0x68: {  	[tilespmem:s14+$0x10] =	vst v8;
	v8 =	vld [tilespmem:s16+$0xFFFFFFF0]  }
0x69: {  	[tilespmem:s14+$0x90] =	vst v6;
	v6 =	vadd.f32 v10, v5;
	v10 =	vld [tilespmem:s14+$0xFFFFFF30]  }
0x6a: {  	v11 =	vadd.f32 v12, v5;
	v12 =	vld [tilespmem:s14+$0xFFFFFFB0]  }
0x6b: {  	[tilespmem:s14+$0xFFFFFF20] =	vst v6;
	v6 =	vadd.f32 v9, v5;
	v9 =	vld [tilespmem:s14+$0x30]  }
0x6c: {  	[tilespmem:s14+$0xFFFFFFA0] =	vst v11;
	v5 =	vadd.f32 v7, v5;
	v7 =	vld [tilespmem:s14+$0xB0]  }
0x6d: {  	[tilespmem:s14+$0x20] =	vst v6;
	v6 =	vld [tilespmem:s16+$0x0]  }
0x6e: {  	[tilespmem:s14+$0xA0] =	vst v5;
	v5 =	vadd.f32 v10, v8;
	v10 =	vld [tilespmem:s14+$0xFFFFFF40]  }
0x6f: {  	v11 =	vadd.f32 v12, v8;
	v12 =	vld [tilespmem:s14+$0xFFFFFFC0]  }
0x70: {  	[tilespmem:s14+$0xFFFFFF30] =	vst v5;
	v5 =	vadd.f32 v9, v8;
	v9 =	vld [tilespmem:s14+$0x40]  }
0x71: {  	[tilespmem:s14+$0xFFFFFFB0] =	vst v11;
	v7 =	vadd.f32 v7, v8;
	v8 =	vld [tilespmem:s14+$0xC0]  }
0x72: {  	[tilespmem:s14+$0x30] =	vst v5;
	v11 =	vld [tilespmem:s16+$0x10]  }
0x73: {  	[tilespmem:s14+$0xB0] =	vst v7;
	v5 =	vadd.f32 v10, v6;
	v7 =	vld [tilespmem:s14+$0xFFFFFF50]  }
0x74: {  	v10 =	vadd.f32 v12, v6;
	v12 =	vld [tilespmem:s14+$0xFFFFFFD0]  }
0x75: {  	[tilespmem:s14+$0xFFFFFF40] =	vst v5;
	v5 =	vadd.f32 v9, v6;
	v9 =	vld [tilespmem:s14+$0x50]  }
0x76: {  	[tilespmem:s14+$0xFFFFFFC0] =	vst v10;
	v6 =	vadd.f32 v8, v6;
	v8 =	vld [tilespmem:s14+$0xD0]  }
0x77: {  	[tilespmem:s14+$0x40] =	vst v5;
	v5 =	vld [tilespmem:s16+$0x20]  }
0x78: {  	[tilespmem:s14+$0xC0] =	vst v6;
	v6 =	vadd.f32 v7, v11;
	v7 =	vld [tilespmem:s14+$0xFFFFFF60]  }
0x79: {  	v10 =	vadd.f32 v12, v11;
	v12 =	vld [tilespmem:s14+$0xFFFFFFE0]  }
0x7a: {  	[tilespmem:s14+$0xFFFFFF50] =	vst v6;
	v6 =	vadd.f32 v9, v11;
	v13 =	vld [tilespmem:s14+$0x60]  }
.Ltmp0:
0x7b: {  	[tilespmem:s14+$0xFFFFFFD0] =	vst v10;
	v9 =	vadd.f32 v8, v11;
	v10 =	vld [tilespmem:s14+$0xE0];
	(pc) =	sbr.rel @p0 .LBB2_3-.Ltmp0, $4  }
0x7c: {  	[tilespmem:s14+$0x50] =	vst v6;
	v8 =	vld [tilespmem:s14+$0xFFFFFF70]  }
0x7d: {  	[tilespmem:s14+$0xD0] =	vst v9;
	v14 =	vadd.f32 v7, v5;
	v9 =	vld [tilespmem:s14+$0xFFFFFFF0]  }
0x7e: {  	v11 =	vadd.f32 v12, v5;
	v7 =	vld [tilespmem:s14+$0x70]  }
0x7f: {  	v6 =	vld [tilespmem:s16+$0xFFFFFFC0];
	[tilespmem:s14+$0xFFFFFF60] =	vst v14;
	v12 =	vadd.f32 v13, v5;
	s16 =	sadd.s32 $0x400, s16  }
0x80: {  	[tilespmem:s11+$0xFFFFFFE0] =	vst v11;
	v5 =	vadd.f32 v10, v5  }
0x81: {  	[tilespmem:s11+$0x60] =	vst v12;
	v8 =	vadd.f32 v8, v1  }
0x82: {  	[tilespmem:s11+$0xE0] =	vst v5;
	v61 =	vadd.f32 v9, v1  }
0x83: {  	s13 =	sadd.s32 $0x1, s13;
	[tilespmem:s11+$0xFFFFFF70] =	vst v8;
	v62 =	vadd.f32 v7, v1  }
0x84: {  	p0 =	sne.s32 s13, $0x8;
	v2 =	vadd.f32 v2, v6;
	[tilespmem:s11+$0xFFFFFFF0] =	vst v61  }
.Ltmp1:
0x85: {  	v3 =	vadd.f32 v3, v6;
	[tilespmem:s11+$0x70] =	vst v62;
	(pc) =	sbr.rel @p0 .LBB2_2-.Ltmp1, $4  }
0x86: {  	v63 =	vadd.f32 v4, v6;
	[tilespmem:s11+$0xFFFFFF00] =	vst v2  }
0x87: {  	v0 =	vadd.f32 v0, v6;
	[tilespmem:s11+$0xFFFFFF80] =	vst v3  }
0x88: {  	[tilespmem:s11+$0x0] =	vst v63  }
0x89: {  	s17 =	sadd.s32 $0x1000, s17;
	s12 =	sadd.s32 $0x80, s12;
	[tilespmem:s11+$0x80] =	vst v0  }
0x8a: {  	s11 =	simm.s32 $0x0;
	s12 =	rddreg [dreg:$0x8]  }
0x8b: {  	[hbm4b:s12+s11] =	stream.linear.scatter [tilespmem:s11], [sflag:$0x7], $0x8000, $0x38;
	[tilespmem:$0x1E000] =	vst v63  }
0x8c: {  	s16 =	rddreg [dreg:$0x9]  }
0x8d: {  	[tilespmem:s2], [sflag:$0x3] =	stream.linear.gather [hbm4b:s16+s11], $0x8000, $0x38;
	[tilespmem:$0x1E000] =	vst v63  }
0x8e: {  	s17 =	rddreg [dreg:$0xa];
	s13 =	simm.s32 $0x1C000  }
0x8f: {  	[tilespmem:s13], [sflag:$0x6] =	stream.linear.gather [hbm4b:s17+s11], $0x2000, $0x38;
	[tilespmem:$0x1E000] =	vst v63  }
0x90: {  	_ =	swait.ge [sflag:s4], $0x8000  }
0x91: {  	[sflag:s4] =	ssyncset.done $0x0  }
0x92: {  	[sflag:s4] =	ssyncadd.s32 $0xFFFF8000  }
0x93: {  	_ =	swait.ge [sflag:s5], $0x2000  }
0x94: {  	[sflag:s5] =	ssyncset.done $0x0  }
0x95: {  	s12 =	simm.s32 $0x8100;
	s13 =	simm.s32 $0x1A040;
	[sflag:s5] =	ssyncadd.s32 $0xFFFFE000  }
.LBB2_6:
0x96: {  	v1 =	vld [tilespmem:s13+$0x30]  }
0x97: {  	v5 =	vld [tilespmem:s12+$0xF0]  }
0x98: {  	v2 =	vld [tilespmem:s12+$0xFFFFFF00]  }
0x99: {  	v3 =	vld [tilespmem:s12+$0xFFFFFF80]  }
0x9a: {  	v4 =	vld [tilespmem:s12+$0x0]  }
0x9b: {  	v0 =	vld [tilespmem:s12+$0x80]  }
0x9c: {  	v6 =	vld [tilespmem:s13+$0xFFFFFFD0]  }
0x9d: {  	v7 =	vld [tilespmem:s12+$0xFFFFFF10]  }
0x9e: {  	v8 =	vld [tilespmem:s12+$0xFFFFFF90]  }
0x9f: {  	v9 =	vld [tilespmem:s12+$0x10]  }
0xa0: {  	v10 =	vld [tilespmem:s12+$0x90]  }
0xa1: {  	v11 =	vld [tilespmem:s13+$0xFFFFFFE0]  }
0xa2: {  	v12 =	vld [tilespmem:s12+$0xFFFFFF20]  }
0xa3: {  	v13 =	vld [tilespmem:s12+$0xFFFFFFA0]  }
0xa4: {  	v14 =	vld [tilespmem:s12+$0x20]  }
0xa5: {  	v15 =	vld [tilespmem:s12+$0xA0]  }
0xa6: {  	v16 =	vld [tilespmem:s13+$0xFFFFFFF0];
	v5 =	vadd.f32 v5, v1  }
0xa7: {  	v17 =	vld [tilespmem:s12+$0xFFFFFF30];
	v7 =	vadd.f32 v7, v6  }
0xa8: {  	[tilespmem:s12+$0xF0] =	vst v5;
	v5 =	vadd.f32 v8, v6;
	v8 =	vld [tilespmem:s12+$0xFFFFFFB0]  }
0xa9: {  	[tilespmem:s12+$0xFFFFFF10] =	vst v7;
	v7 =	vadd.f32 v9, v6;
	v9 =	vld [tilespmem:s12+$0x30]  }
0xaa: {  	[tilespmem:s12+$0xFFFFFF90] =	vst v5;
	v5 =	vadd.f32 v10, v6;
	v6 =	vld [tilespmem:s12+$0xB0]  }
0xab: {  	[tilespmem:s12+$0x10] =	vst v7;
	v7 =	vadd.f32 v12, v11;
	v10 =	vld [tilespmem:s13+$0x0]  }
0xac: {  	v12 =	vld [tilespmem:s12+$0xFFFFFF40];
	[tilespmem:s12+$0x90] =	vst v5;
	v5 =	vadd.f32 v13, v11  }
0xad: {  	[tilespmem:s12+$0xFFFFFF20] =	vst v7;
	v7 =	vadd.f32 v14, v11;
	v13 =	vld [tilespmem:s12+$0xFFFFFFC0]  }
0xae: {  	v14 =	vld [tilespmem:s12+$0xC0];
	[tilespmem:s12+$0xFFFFFFA0] =	vst v5;
	v5 =	vadd.f32 v15, v11  }
0xaf: {  	v11 =	vld [tilespmem:s12+$0x40];
	[tilespmem:s12+$0x20] =	vst v7;
	v7 =	vadd.f32 v17, v16  }
0xb0: {  	v15 =	vld [tilespmem:s12+$0xD0];
	[tilespmem:s12+$0xA0] =	vst v5;
	v5 =	vadd.f32 v8, v16  }
0xb1: {  	v8 =	vld [tilespmem:s13+$0x10];
	[tilespmem:s12+$0xFFFFFF30] =	vst v7;
	v7 =	vadd.f32 v9, v16  }
0xb2: {  	v9 =	vld [tilespmem:s12+$0xFFFFFF50];
	[tilespmem:s12+$0xFFFFFFB0] =	vst v5;
	v5 =	vadd.f32 v6, v16  }
0xb3: {  	v6 =	vld [tilespmem:s12+$0xFFFFFFD0];
	[tilespmem:s12+$0x30] =	vst v7;
	v7 =	vadd.f32 v12, v10  }
0xb4: {  	v13 =	vadd.f32 v13, v10;
	v12 =	vld [tilespmem:s12+$0x50];
	[tilespmem:s12+$0xB0] =	vst v5  }
0xb5: {  	[tilespmem:s12+$0xFFFFFF40] =	vst v7;
	v7 =	vadd.f32 v11, v10;
	v5 =	vld [tilespmem:s13+$0x20]  }
0xb6: {  	[tilespmem:s12+$0xFFFFFFC0] =	vst v13;
	v10 =	vadd.f32 v14, v10;
	v11 =	vld [tilespmem:s12+$0xFFFFFF60]  }
0xb7: {  	v13 =	vld [tilespmem:s12+$0xFFFFFFE0];
	[tilespmem:s12+$0x40] =	vst v7;
	v7 =	vadd.f32 v9, v8  }
0xb8: {  	v14 =	vld [tilespmem:s12+$0x60];
	[tilespmem:s12+$0xC0] =	vst v10;
	v6 =	vadd.f32 v6, v8  }
0xb9: {  	v10 =	vld [tilespmem:s12+$0xE0];
	[tilespmem:s12+$0xFFFFFF50] =	vst v7;
	v7 =	vadd.f32 v12, v8  }
0xba: {  	[tilespmem:s12+$0xFFFFFFD0] =	vst v6;
	v6 =	vadd.f32 v15, v8;
	v8 =	vld [tilespmem:s12+$0xFFFFFF70]  }
0xbb: {  	v9 =	vld [tilespmem:s12+$0xFFFFFFF0];
	v12 =	vadd.f32 v11, v5;
	[tilespmem:s12+$0x50] =	vst v7  }
0xbc: {  	s15 =	simm.s32 $0x0;
	v11 =	vadd.f32 v13, v5;
	v7 =	vld [tilespmem:s12+$0x70];
	[tilespmem:s12+$0xD0] =	vst v6  }
0xbd: {  	s16 =	sadd.s32 $0x400, s13;
	s14 =	smov.u32 s12;
	s17 =	smov.u32 s12;
	v6 =	vld [tilespmem:s13+$0xFFFFFFC0];
	[tilespmem:s12+$0xFFFFFF60] =	vst v12;
	v12 =	vadd.f32 v14, v5  }
.LBB2_7:
0xbe: {  	v13 =	vld [tilespmem:s16+$0x30];
	[tilespmem:s14+$0xFFFFFFE0] =	vst v11;
	v5 =	vadd.f32 v10, v5;
	s17 =	sadd.s32 $0x200, s17  }
0xbf: {  	s15 =	sadd.s32 $0x8, s15;
	v10 =	vld [tilespmem:s17+$0xF0];
	[tilespmem:s14+$0x60] =	vst v12;
	v8 =	vadd.f32 v8, v1  }
0xc0: {  	p0 =	slt.u32 s15, $0x38;
	v11 =	vld [tilespmem:s17+$0xFFFFFF00];
	[tilespmem:s14+$0xE0] =	vst v5;
	v5 =	vadd.f32 v9, v1  }
0xc1: {  	v9 =	vld [tilespmem:s17+$0xFFFFFF80];
	[tilespmem:s14+$0xFFFFFF70] =	vst v8;
	v8 =	vadd.f32 v7, v1  }
0xc2: {  	v7 =	vld [tilespmem:s17+$0x0];
	v12 =	vadd.f32 v2, v6;
	v3 =	vadd.f32 v3, v6;
	[tilespmem:s14+$0xFFFFFFF0] =	vst v5  }
0xc3: {  	v4 =	vadd.f32 v4, v6;
	v5 =	vadd.f32 v0, v6;
	v0 =	vld [tilespmem:s17+$0x80];
	[tilespmem:s14+$0x70] =	vst v8;
	v1 =	vmov v13  }
0xc4: {  	v6 =	vld [tilespmem:s16+$0xFFFFFFD0];
	v8 =	vadd.f32 v10, v1;
	[tilespmem:s14+$0xFFFFFF00] =	vst v12  }
0xc5: {  	v10 =	vld [tilespmem:s17+$0xFFFFFF10];
	[tilespmem:s14+$0xFFFFFF80] =	vst v3;
	v2 =	vmov v11  }
0xc6: {  	v11 =	vld [tilespmem:s17+$0xFFFFFF90];
	[tilespmem:s17+$0xF0] =	vst v8;
	v3 =	vmov v9  }
0xc7: {  	v8 =	vld [tilespmem:s17+$0x10];
	[tilespmem:s14+$0x0] =	vst v4;
	v4 =	vmov v7  }
0xc8: {  	v7 =	vld [tilespmem:s17+$0x90];
	[tilespmem:s14+$0x80] =	vst v5;
	s14 =	smov.u32 s17  }
0xc9: {  	v5 =	vld [tilespmem:s16+$0xFFFFFFE0]  }
0xca: {  	v9 =	vadd.f32 v10, v6;
	v10 =	vld [tilespmem:s17+$0xFFFFFF20]  }
0xcb: {  	v11 =	vadd.f32 v11, v6;
	v12 =	vld [tilespmem:s17+$0xFFFFFFA0]  }
0xcc: {  	[tilespmem:s17+$0xFFFFFF10] =	vst v9;
	v8 =	vadd.f32 v8, v6;
	v9 =	vld [tilespmem:s17+$0x20]  }
0xcd: {  	[tilespmem:s17+$0xFFFFFF90] =	vst v11;
	v6 =	vadd.f32 v7, v6;
	v7 =	vld [tilespmem:s17+$0xA0]  }
0xce: {  	[tilespmem:s17+$0x10] =	vst v8;
	v8 =	vld [tilespmem:s16+$0xFFFFFFF0]  }
0xcf: {  	[tilespmem:s17+$0x90] =	vst v6;
	v6 =	vadd.f32 v10, v5;
	v10 =	vld [tilespmem:s17+$0xFFFFFF30]  }
0xd0: {  	v11 =	vadd.f32 v12, v5;
	v12 =	vld [tilespmem:s17+$0xFFFFFFB0]  }
0xd1: {  	[tilespmem:s17+$0xFFFFFF20] =	vst v6;
	v6 =	vadd.f32 v9, v5;
	v9 =	vld [tilespmem:s17+$0x30]  }
0xd2: {  	[tilespmem:s17+$0xFFFFFFA0] =	vst v11;
	v5 =	vadd.f32 v7, v5;
	v7 =	vld [tilespmem:s17+$0xB0]  }
0xd3: {  	[tilespmem:s17+$0x20] =	vst v6;
	v6 =	vld [tilespmem:s16+$0x0]  }
0xd4: {  	[tilespmem:s17+$0xA0] =	vst v5;
	v5 =	vadd.f32 v10, v8;
	v10 =	vld [tilespmem:s17+$0xFFFFFF40]  }
0xd5: {  	v11 =	vadd.f32 v12, v8;
	v12 =	vld [tilespmem:s17+$0xFFFFFFC0]  }
0xd6: {  	[tilespmem:s17+$0xFFFFFF30] =	vst v5;
	v5 =	vadd.f32 v9, v8;
	v9 =	vld [tilespmem:s17+$0x40]  }
0xd7: {  	[tilespmem:s17+$0xFFFFFFB0] =	vst v11;
	v7 =	vadd.f32 v7, v8;
	v8 =	vld [tilespmem:s17+$0xC0]  }
0xd8: {  	[tilespmem:s17+$0x30] =	vst v5;
	v11 =	vld [tilespmem:s16+$0x10]  }
0xd9: {  	[tilespmem:s17+$0xB0] =	vst v7;
	v5 =	vadd.f32 v10, v6;
	v7 =	vld [tilespmem:s17+$0xFFFFFF50]  }
0xda: {  	v10 =	vadd.f32 v12, v6;
	v12 =	vld [tilespmem:s17+$0xFFFFFFD0]  }
0xdb: {  	[tilespmem:s17+$0xFFFFFF40] =	vst v5;
	v5 =	vadd.f32 v9, v6;
	v9 =	vld [tilespmem:s17+$0x50]  }
0xdc: {  	[tilespmem:s17+$0xFFFFFFC0] =	vst v10;
	v6 =	vadd.f32 v8, v6;
	v8 =	vld [tilespmem:s17+$0xD0]  }
0xdd: {  	[tilespmem:s17+$0x40] =	vst v5;
	v5 =	vld [tilespmem:s16+$0x20]  }
0xde: {  	[tilespmem:s17+$0xC0] =	vst v6;
	v6 =	vadd.f32 v7, v11;
	v7 =	vld [tilespmem:s17+$0xFFFFFF60]  }
0xdf: {  	v10 =	vadd.f32 v12, v11;
	v12 =	vld [tilespmem:s17+$0xFFFFFFE0]  }
0xe0: {  	[tilespmem:s17+$0xFFFFFF50] =	vst v6;
	v6 =	vadd.f32 v9, v11;
	v13 =	vld [tilespmem:s17+$0x60]  }
.Ltmp2:
0xe1: {  	[tilespmem:s17+$0xFFFFFFD0] =	vst v10;
	v9 =	vadd.f32 v8, v11;
	v10 =	vld [tilespmem:s17+$0xE0];
	(pc) =	sbr.rel @p0 .LBB2_7-.Ltmp2, $4  }
0xe2: {  	[tilespmem:s17+$0x50] =	vst v6;
	v8 =	vld [tilespmem:s17+$0xFFFFFF70]  }
0xe3: {  	[tilespmem:s17+$0xD0] =	vst v9;
	v14 =	vadd.f32 v7, v5;
	v9 =	vld [tilespmem:s17+$0xFFFFFFF0]  }
0xe4: {  	v11 =	vadd.f32 v12, v5;
	v7 =	vld [tilespmem:s17+$0x70]  }
0xe5: {  	v6 =	vld [tilespmem:s16+$0xFFFFFFC0];
	[tilespmem:s17+$0xFFFFFF60] =	vst v14;
	v12 =	vadd.f32 v13, v5;
	s16 =	sadd.s32 $0x400, s16  }
0xe6: {  	[tilespmem:s14+$0xFFFFFFE0] =	vst v11;
	v5 =	vadd.f32 v10, v5  }
0xe7: {  	[tilespmem:s14+$0x60] =	vst v12;
	v8 =	vadd.f32 v8, v1  }
0xe8: {  	[tilespmem:s14+$0xE0] =	vst v5;
	v61 =	vadd.f32 v9, v1  }
0xe9: {  	s11 =	sadd.s32 $0x1, s11;
	[tilespmem:s14+$0xFFFFFF70] =	vst v8;
	v62 =	vadd.f32 v7, v1  }
0xea: {  	p0 =	sne.s32 s11, $0x8;
	v2 =	vadd.f32 v2, v6;
	[tilespmem:s14+$0xFFFFFFF0] =	vst v61  }
.Ltmp3:
0xeb: {  	v3 =	vadd.f32 v3, v6;
	[tilespmem:s14+$0x70] =	vst v62;
	(pc) =	sbr.rel @p0 .LBB2_6-.Ltmp3, $4  }
0xec: {  	v63 =	vadd.f32 v4, v6;
	[tilespmem:s14+$0xFFFFFF00] =	vst v2  }
0xed: {  	v0 =	vadd.f32 v0, v6;
	[tilespmem:s14+$0xFFFFFF80] =	vst v3  }
0xee: {  	[tilespmem:s14+$0x0] =	vst v63  }
0xef: {  	s12 =	sadd.s32 $0x1000, s12;
	s13 =	sadd.s32 $0x80, s13;
	[tilespmem:s14+$0x80] =	vst v0  }
0xf0: {  	s11 =	simm.s32 $0x0;
	s12 =	rddreg [dreg:$0xb]  }
0xf1: {  	[hbm4b:s12+s11] =	stream.linear.scatter [tilespmem:s30], [sflag:$0x8], $0x8000, $0x38;
	[tilespmem:$0x1E000] =	vst v63  }
0xf2: {  	_ =	swait.ge [sflag:s6], $0x8000  }
0xf3: {  	[sflag:s6] =	ssyncset.done $0x0  }
0xf4: {  	s16 =	rddreg [dreg:$0xc];
	[sflag:s6] =	ssyncadd.s32 $0xFFFF8000  }
0xf5: {  	[tilespmem:s11], [sflag:$0x1] =	stream.linear.gather [hbm4b:s16+s11], $0x8000, $0x38;
	[tilespmem:$0x1E000] =	vst v63  }
0xf6: {  	s17 =	rddreg [dreg:$0xd]  }
0xf7: {  	[tilespmem:s29], [sflag:$0x4] =	stream.linear.gather [hbm4b:s17+s11], $0x2000, $0x38;
	[tilespmem:$0x1E000] =	vst v63  }
0xf8: {  	_ =	swait.ge [sflag:s7], $0x8000  }
0xf9: {  	[sflag:s7] =	ssyncset.done $0x0  }
0xfa: {  	[sflag:s7] =	ssyncadd.s32 $0xFFFF8000  }
0xfb: {  	_ =	swait.ge [sflag:s8], $0x2000  }
0xfc: {  	[sflag:s8] =	ssyncset.done $0x0  }
0xfd: {  	s13 =	simm.s32 $0x1C040;
	s12 =	simm.s32 $0x10100;
	[sflag:s8] =	ssyncadd.s32 $0xFFFFE000  }
.LBB2_10:
0xfe: {  	v1 =	vld [tilespmem:s13+$0x30]  }
0xff: {  	v5 =	vld [tilespmem:s12+$0xF0]  }
0x100: {  	v2 =	vld [tilespmem:s12+$0xFFFFFF00]  }
0x101: {  	v3 =	vld [tilespmem:s12+$0xFFFFFF80]  }
0x102: {  	v4 =	vld [tilespmem:s12+$0x0]  }
0x103: {  	v0 =	vld [tilespmem:s12+$0x80]  }
0x104: {  	v6 =	vld [tilespmem:s13+$0xFFFFFFD0]  }
0x105: {  	v7 =	vld [tilespmem:s12+$0xFFFFFF10]  }
0x106: {  	v8 =	vld [tilespmem:s12+$0xFFFFFF90]  }
0x107: {  	v9 =	vld [tilespmem:s12+$0x10]  }
0x108: {  	v10 =	vld [tilespmem:s12+$0x90]  }
0x109: {  	v11 =	vld [tilespmem:s13+$0xFFFFFFE0]  }
0x10a: {  	v12 =	vld [tilespmem:s12+$0xFFFFFF20]  }
0x10b: {  	v13 =	vld [tilespmem:s12+$0xFFFFFFA0]  }
0x10c: {  	v14 =	vld [tilespmem:s12+$0x20]  }
0x10d: {  	v15 =	vld [tilespmem:s12+$0xA0]  }
0x10e: {  	v16 =	vld [tilespmem:s13+$0xFFFFFFF0];
	v5 =	vadd.f32 v5, v1  }
0x10f: {  	v17 =	vld [tilespmem:s12+$0xFFFFFF30];
	v7 =	vadd.f32 v7, v6  }
0x110: {  	[tilespmem:s12+$0xF0] =	vst v5;
	v5 =	vadd.f32 v8, v6;
	v8 =	vld [tilespmem:s12+$0xFFFFFFB0]  }
0x111: {  	[tilespmem:s12+$0xFFFFFF10] =	vst v7;
	v7 =	vadd.f32 v9, v6;
	v9 =	vld [tilespmem:s12+$0x30]  }
0x112: {  	[tilespmem:s12+$0xFFFFFF90] =	vst v5;
	v5 =	vadd.f32 v10, v6;
	v6 =	vld [tilespmem:s12+$0xB0]  }
0x113: {  	[tilespmem:s12+$0x10] =	vst v7;
	v7 =	vadd.f32 v12, v11;
	v10 =	vld [tilespmem:s13+$0x0]  }
0x114: {  	v12 =	vld [tilespmem:s12+$0xFFFFFF40];
	[tilespmem:s12+$0x90] =	vst v5;
	v5 =	vadd.f32 v13, v11  }
0x115: {  	[tilespmem:s12+$0xFFFFFF20] =	vst v7;
	v7 =	vadd.f32 v14, v11;
	v13 =	vld [tilespmem:s12+$0xFFFFFFC0]  }
0x116: {  	v14 =	vld [tilespmem:s12+$0xC0];
	[tilespmem:s12+$0xFFFFFFA0] =	vst v5;
	v5 =	vadd.f32 v15, v11  }
0x117: {  	v11 =	vld [tilespmem:s12+$0x40];
	[tilespmem:s12+$0x20] =	vst v7;
	v7 =	vadd.f32 v17, v16  }
0x118: {  	v15 =	vld [tilespmem:s12+$0xD0];
	[tilespmem:s12+$0xA0] =	vst v5;
	v5 =	vadd.f32 v8, v16  }
0x119: {  	v8 =	vld [tilespmem:s13+$0x10];
	[tilespmem:s12+$0xFFFFFF30] =	vst v7;
	v7 =	vadd.f32 v9, v16  }
0x11a: {  	v9 =	vld [tilespmem:s12+$0xFFFFFF50];
	[tilespmem:s12+$0xFFFFFFB0] =	vst v5;
	v5 =	vadd.f32 v6, v16  }
0x11b: {  	v6 =	vld [tilespmem:s12+$0xFFFFFFD0];
	[tilespmem:s12+$0x30] =	vst v7;
	v7 =	vadd.f32 v12, v10  }
0x11c: {  	v13 =	vadd.f32 v13, v10;
	v12 =	vld [tilespmem:s12+$0x50];
	[tilespmem:s12+$0xB0] =	vst v5  }
0x11d: {  	[tilespmem:s12+$0xFFFFFF40] =	vst v7;
	v7 =	vadd.f32 v11, v10;
	v5 =	vld [tilespmem:s13+$0x20]  }
0x11e: {  	[tilespmem:s12+$0xFFFFFFC0] =	vst v13;
	v10 =	vadd.f32 v14, v10;
	v11 =	vld [tilespmem:s12+$0xFFFFFF60]  }
0x11f: {  	v13 =	vld [tilespmem:s12+$0xFFFFFFE0];
	[tilespmem:s12+$0x40] =	vst v7;
	v7 =	vadd.f32 v9, v8  }
0x120: {  	v14 =	vld [tilespmem:s12+$0x60];
	[tilespmem:s12+$0xC0] =	vst v10;
	v6 =	vadd.f32 v6, v8  }
0x121: {  	v10 =	vld [tilespmem:s12+$0xE0];
	[tilespmem:s12+$0xFFFFFF50] =	vst v7;
	v7 =	vadd.f32 v12, v8  }
0x122: {  	[tilespmem:s12+$0xFFFFFFD0] =	vst v6;
	v6 =	vadd.f32 v15, v8;
	v8 =	vld [tilespmem:s12+$0xFFFFFF70]  }
0x123: {  	v9 =	vld [tilespmem:s12+$0xFFFFFFF0];
	v12 =	vadd.f32 v11, v5;
	[tilespmem:s12+$0x50] =	vst v7  }
0x124: {  	s15 =	simm.s32 $0x0;
	v11 =	vadd.f32 v13, v5;
	v7 =	vld [tilespmem:s12+$0x70];
	[tilespmem:s12+$0xD0] =	vst v6  }
0x125: {  	s16 =	sadd.s32 $0x400, s13;
	s14 =	smov.u32 s12;
	s17 =	smov.u32 s12;
	v6 =	vld [tilespmem:s13+$0xFFFFFFC0];
	[tilespmem:s12+$0xFFFFFF60] =	vst v12;
	v12 =	vadd.f32 v14, v5  }
.LBB2_11:
0x126: {  	v13 =	vld [tilespmem:s16+$0x30];
	[tilespmem:s14+$0xFFFFFFE0] =	vst v11;
	v5 =	vadd.f32 v10, v5;
	s17 =	sadd.s32 $0x200, s17  }
0x127: {  	s15 =	sadd.s32 $0x8, s15;
	v10 =	vld [tilespmem:s17+$0xF0];
	[tilespmem:s14+$0x60] =	vst v12;
	v8 =	vadd.f32 v8, v1  }
0x128: {  	p0 =	slt.u32 s15, $0x38;
	v11 =	vld [tilespmem:s17+$0xFFFFFF00];
	[tilespmem:s14+$0xE0] =	vst v5;
	v5 =	vadd.f32 v9, v1  }
0x129: {  	v9 =	vld [tilespmem:s17+$0xFFFFFF80];
	[tilespmem:s14+$0xFFFFFF70] =	vst v8;
	v8 =	vadd.f32 v7, v1  }
0x12a: {  	v7 =	vld [tilespmem:s17+$0x0];
	v12 =	vadd.f32 v2, v6;
	v3 =	vadd.f32 v3, v6;
	[tilespmem:s14+$0xFFFFFFF0] =	vst v5  }
0x12b: {  	v4 =	vadd.f32 v4, v6;
	v5 =	vadd.f32 v0, v6;
	v0 =	vld [tilespmem:s17+$0x80];
	[tilespmem:s14+$0x70] =	vst v8;
	v1 =	vmov v13  }
0x12c: {  	v6 =	vld [tilespmem:s16+$0xFFFFFFD0];
	v8 =	vadd.f32 v10, v1;
	[tilespmem:s14+$0xFFFFFF00] =	vst v12  }
0x12d: {  	v10 =	vld [tilespmem:s17+$0xFFFFFF10];
	[tilespmem:s14+$0xFFFFFF80] =	vst v3;
	v2 =	vmov v11  }
0x12e: {  	v11 =	vld [tilespmem:s17+$0xFFFFFF90];
	[tilespmem:s17+$0xF0] =	vst v8;
	v3 =	vmov v9  }
0x12f: {  	v8 =	vld [tilespmem:s17+$0x10];
	[tilespmem:s14+$0x0] =	vst v4;
	v4 =	vmov v7  }
0x130: {  	v7 =	vld [tilespmem:s17+$0x90];
	[tilespmem:s14+$0x80] =	vst v5;
	s14 =	smov.u32 s17  }
0x131: {  	v5 =	vld [tilespmem:s16+$0xFFFFFFE0]  }
0x132: {  	v9 =	vadd.f32 v10, v6;
	v10 =	vld [tilespmem:s17+$0xFFFFFF20]  }
0x133: {  	v11 =	vadd.f32 v11, v6;
	v12 =	vld [tilespmem:s17+$0xFFFFFFA0]  }
0x134: {  	[tilespmem:s17+$0xFFFFFF10] =	vst v9;
	v8 =	vadd.f32 v8, v6;
	v9 =	vld [tilespmem:s17+$0x20]  }
0x135: {  	[tilespmem:s17+$0xFFFFFF90] =	vst v11;
	v6 =	vadd.f32 v7, v6;
	v7 =	vld [tilespmem:s17+$0xA0]  }
0x136: {  	[tilespmem:s17+$0x10] =	vst v8;
	v8 =	vld [tilespmem:s16+$0xFFFFFFF0]  }
0x137: {  	[tilespmem:s17+$0x90] =	vst v6;
	v6 =	vadd.f32 v10, v5;
	v10 =	vld [tilespmem:s17+$0xFFFFFF30]  }
0x138: {  	v11 =	vadd.f32 v12, v5;
	v12 =	vld [tilespmem:s17+$0xFFFFFFB0]  }
0x139: {  	[tilespmem:s17+$0xFFFFFF20] =	vst v6;
	v6 =	vadd.f32 v9, v5;
	v9 =	vld [tilespmem:s17+$0x30]  }
0x13a: {  	[tilespmem:s17+$0xFFFFFFA0] =	vst v11;
	v5 =	vadd.f32 v7, v5;
	v7 =	vld [tilespmem:s17+$0xB0]  }
0x13b: {  	[tilespmem:s17+$0x20] =	vst v6;
	v6 =	vld [tilespmem:s16+$0x0]  }
0x13c: {  	[tilespmem:s17+$0xA0] =	vst v5;
	v5 =	vadd.f32 v10, v8;
	v10 =	vld [tilespmem:s17+$0xFFFFFF40]  }
0x13d: {  	v11 =	vadd.f32 v12, v8;
	v12 =	vld [tilespmem:s17+$0xFFFFFFC0]  }
0x13e: {  	[tilespmem:s17+$0xFFFFFF30] =	vst v5;
	v5 =	vadd.f32 v9, v8;
	v9 =	vld [tilespmem:s17+$0x40]  }
0x13f: {  	[tilespmem:s17+$0xFFFFFFB0] =	vst v11;
	v7 =	vadd.f32 v7, v8;
	v8 =	vld [tilespmem:s17+$0xC0]  }
0x140: {  	[tilespmem:s17+$0x30] =	vst v5;
	v11 =	vld [tilespmem:s16+$0x10]  }
0x141: {  	[tilespmem:s17+$0xB0] =	vst v7;
	v5 =	vadd.f32 v10, v6;
	v7 =	vld [tilespmem:s17+$0xFFFFFF50]  }
0x142: {  	v10 =	vadd.f32 v12, v6;
	v12 =	vld [tilespmem:s17+$0xFFFFFFD0]  }
0x143: {  	[tilespmem:s17+$0xFFFFFF40] =	vst v5;
	v5 =	vadd.f32 v9, v6;
	v9 =	vld [tilespmem:s17+$0x50]  }
0x144: {  	[tilespmem:s17+$0xFFFFFFC0] =	vst v10;
	v6 =	vadd.f32 v8, v6;
	v8 =	vld [tilespmem:s17+$0xD0]  }
0x145: {  	[tilespmem:s17+$0x40] =	vst v5;
	v5 =	vld [tilespmem:s16+$0x20]  }
0x146: {  	[tilespmem:s17+$0xC0] =	vst v6;
	v6 =	vadd.f32 v7, v11;
	v7 =	vld [tilespmem:s17+$0xFFFFFF60]  }
0x147: {  	v10 =	vadd.f32 v12, v11;
	v12 =	vld [tilespmem:s17+$0xFFFFFFE0]  }
0x148: {  	[tilespmem:s17+$0xFFFFFF50] =	vst v6;
	v6 =	vadd.f32 v9, v11;
	v13 =	vld [tilespmem:s17+$0x60]  }
.Ltmp4:
0x149: {  	[tilespmem:s17+$0xFFFFFFD0] =	vst v10;
	v9 =	vadd.f32 v8, v11;
	v10 =	vld [tilespmem:s17+$0xE0];
	(pc) =	sbr.rel @p0 .LBB2_11-.Ltmp4, $4  }
0x14a: {  	[tilespmem:s17+$0x50] =	vst v6;
	v8 =	vld [tilespmem:s17+$0xFFFFFF70]  }
0x14b: {  	[tilespmem:s17+$0xD0] =	vst v9;
	v14 =	vadd.f32 v7, v5;
	v9 =	vld [tilespmem:s17+$0xFFFFFFF0]  }
0x14c: {  	v11 =	vadd.f32 v12, v5;
	v7 =	vld [tilespmem:s17+$0x70]  }
0x14d: {  	v6 =	vld [tilespmem:s16+$0xFFFFFFC0];
	[tilespmem:s17+$0xFFFFFF60] =	vst v14;
	v12 =	vadd.f32 v13, v5;
	s16 =	sadd.s32 $0x400, s16  }
0x14e: {  	[tilespmem:s14+$0xFFFFFFE0] =	vst v11;
	v5 =	vadd.f32 v10, v5  }
0x14f: {  	[tilespmem:s14+$0x60] =	vst v12;
	v8 =	vadd.f32 v8, v1  }
0x150: {  	[tilespmem:s14+$0xE0] =	vst v5;
	v61 =	vadd.f32 v9, v1  }
0x151: {  	s11 =	sadd.s32 $0x1, s11;
	[tilespmem:s14+$0xFFFFFF70] =	vst v8;
	v62 =	vadd.f32 v7, v1  }
0x152: {  	p0 =	sne.s32 s11, $0x8;
	v2 =	vadd.f32 v2, v6;
	[tilespmem:s14+$0xFFFFFFF0] =	vst v61  }
.Ltmp5:
0x153: {  	v3 =	vadd.f32 v3, v6;
	[tilespmem:s14+$0x70] =	vst v62;
	(pc) =	sbr.rel @p0 .LBB2_10-.Ltmp5, $4  }
0x154: {  	v63 =	vadd.f32 v4, v6;
	[tilespmem:s14+$0xFFFFFF00] =	vst v2  }
0x155: {  	v0 =	vadd.f32 v0, v6;
	[tilespmem:s14+$0xFFFFFF80] =	vst v3  }
0x156: {  	[tilespmem:s14+$0x0] =	vst v63  }
0x157: {  	s12 =	sadd.s32 $0x1000, s12;
	s13 =	sadd.s32 $0x80, s13;
	[tilespmem:s14+$0x80] =	vst v0  }
0x158: {  	s11 =	simm.s32 $0x0;
	s12 =	rddreg [dreg:$0xe]  }
0x159: {  	[hbm4b:s12+s11] =	stream.linear.scatter [tilespmem:s2], [sflag:$0x9], $0x8000, $0x38;
	[tilespmem:$0x1E000] =	vst v63  }
0x15a: {  	_ =	swait.ge [sflag:s9], $0x8000  }
0x15b: {  	[sflag:s9] =	ssyncset.done $0x0  }
0x15c: {  	s16 =	rddreg [dreg:$0x13];
	[sflag:s9] =	ssyncadd.s32 $0xFFFF8000  }
0x15d: {  	[tilespmem:s30], [sflag:$0x2] =	stream.linear.gather [hbm4b:s16+s11], $0x8000, $0x38;
	[tilespmem:$0x1E000] =	vst v63  }
0x15e: {  	s17 =	rddreg [dreg:$0xf]  }
0x15f: {  	[tilespmem:s31], [sflag:$0x5] =	stream.linear.gather [hbm4b:s17+s11], $0x2000, $0x38;
	[tilespmem:$0x1E000] =	vst v63  }
0x160: {  	_ =	swait.ge [sflag:s20], $0x8000  }
0x161: {  	[sflag:s20] =	ssyncset.done $0x0  }
0x162: {  	[sflag:s20] =	ssyncadd.s32 $0xFFFF8000  }
0x163: {  	_ =	swait.ge [sflag:s0], $0x2000  }
0x164: {  	[sflag:s0] =	ssyncset.done $0x0  }
0x165: {  	s13 =	simm.s32 $0x18040;
	s12 =	simm.s32 $0x100;
	[sflag:s0] =	ssyncadd.s32 $0xFFFFE000  }
.LBB2_14:
0x166: {  	v1 =	vld [tilespmem:s13+$0x30]  }
0x167: {  	v5 =	vld [tilespmem:s12+$0xF0]  }
0x168: {  	v2 =	vld [tilespmem:s12+$0xFFFFFF00]  }
0x169: {  	v3 =	vld [tilespmem:s12+$0xFFFFFF80]  }
0x16a: {  	v4 =	vld [tilespmem:s12+$0x0]  }
0x16b: {  	v0 =	vld [tilespmem:s12+$0x80]  }
0x16c: {  	v6 =	vld [tilespmem:s13+$0xFFFFFFD0]  }
0x16d: {  	v7 =	vld [tilespmem:s12+$0xFFFFFF10]  }
0x16e: {  	v8 =	vld [tilespmem:s12+$0xFFFFFF90]  }
0x16f: {  	v9 =	vld [tilespmem:s12+$0x10]  }
0x170: {  	v10 =	vld [tilespmem:s12+$0x90]  }
0x171: {  	v11 =	vld [tilespmem:s13+$0xFFFFFFE0]  }
0x172: {  	v12 =	vld [tilespmem:s12+$0xFFFFFF20]  }
0x173: {  	v13 =	vld [tilespmem:s12+$0xFFFFFFA0]  }
0x174: {  	v14 =	vld [tilespmem:s12+$0x20]  }
0x175: {  	v15 =	vld [tilespmem:s12+$0xA0]  }
0x176: {  	v16 =	vld [tilespmem:s13+$0xFFFFFFF0];
	v5 =	vadd.f32 v5, v1  }
0x177: {  	v17 =	vld [tilespmem:s12+$0xFFFFFF30];
	v7 =	vadd.f32 v7, v6  }
0x178: {  	[tilespmem:s12+$0xF0] =	vst v5;
	v5 =	vadd.f32 v8, v6;
	v8 =	vld [tilespmem:s12+$0xFFFFFFB0]  }
0x179: {  	[tilespmem:s12+$0xFFFFFF10] =	vst v7;
	v7 =	vadd.f32 v9, v6;
	v9 =	vld [tilespmem:s12+$0x30]  }
0x17a: {  	[tilespmem:s12+$0xFFFFFF90] =	vst v5;
	v5 =	vadd.f32 v10, v6;
	v6 =	vld [tilespmem:s12+$0xB0]  }
0x17b: {  	[tilespmem:s12+$0x10] =	vst v7;
	v7 =	vadd.f32 v12, v11;
	v10 =	vld [tilespmem:s13+$0x0]  }
0x17c: {  	v12 =	vld [tilespmem:s12+$0xFFFFFF40];
	[tilespmem:s12+$0x90] =	vst v5;
	v5 =	vadd.f32 v13, v11  }
0x17d: {  	[tilespmem:s12+$0xFFFFFF20] =	vst v7;
	v7 =	vadd.f32 v14, v11;
	v13 =	vld [tilespmem:s12+$0xFFFFFFC0]  }
0x17e: {  	v14 =	vld [tilespmem:s12+$0xC0];
	[tilespmem:s12+$0xFFFFFFA0] =	vst v5;
	v5 =	vadd.f32 v15, v11  }
0x17f: {  	v11 =	vld [tilespmem:s12+$0x40];
	[tilespmem:s12+$0x20] =	vst v7;
	v7 =	vadd.f32 v17, v16  }
0x180: {  	v15 =	vld [tilespmem:s12+$0xD0];
	[tilespmem:s12+$0xA0] =	vst v5;
	v5 =	vadd.f32 v8, v16  }
0x181: {  	v8 =	vld [tilespmem:s13+$0x10];
	[tilespmem:s12+$0xFFFFFF30] =	vst v7;
	v7 =	vadd.f32 v9, v16  }
0x182: {  	v9 =	vld [tilespmem:s12+$0xFFFFFF50];
	[tilespmem:s12+$0xFFFFFFB0] =	vst v5;
	v5 =	vadd.f32 v6, v16  }
0x183: {  	v6 =	vld [tilespmem:s12+$0xFFFFFFD0];
	[tilespmem:s12+$0x30] =	vst v7;
	v7 =	vadd.f32 v12, v10  }
0x184: {  	v13 =	vadd.f32 v13, v10;
	v12 =	vld [tilespmem:s12+$0x50];
	[tilespmem:s12+$0xB0] =	vst v5  }
0x185: {  	[tilespmem:s12+$0xFFFFFF40] =	vst v7;
	v7 =	vadd.f32 v11, v10;
	v5 =	vld [tilespmem:s13+$0x20]  }
0x186: {  	[tilespmem:s12+$0xFFFFFFC0] =	vst v13;
	v10 =	vadd.f32 v14, v10;
	v11 =	vld [tilespmem:s12+$0xFFFFFF60]  }
0x187: {  	v13 =	vld [tilespmem:s12+$0xFFFFFFE0];
	[tilespmem:s12+$0x40] =	vst v7;
	v7 =	vadd.f32 v9, v8  }
0x188: {  	v14 =	vld [tilespmem:s12+$0x60];
	[tilespmem:s12+$0xC0] =	vst v10;
	v6 =	vadd.f32 v6, v8  }
0x189: {  	v10 =	vld [tilespmem:s12+$0xE0];
	[tilespmem:s12+$0xFFFFFF50] =	vst v7;
	v7 =	vadd.f32 v12, v8  }
0x18a: {  	[tilespmem:s12+$0xFFFFFFD0] =	vst v6;
	v6 =	vadd.f32 v15, v8;
	v8 =	vld [tilespmem:s12+$0xFFFFFF70]  }
0x18b: {  	v9 =	vld [tilespmem:s12+$0xFFFFFFF0];
	v12 =	vadd.f32 v11, v5;
	[tilespmem:s12+$0x50] =	vst v7  }
0x18c: {  	s15 =	simm.s32 $0x0;
	v11 =	vadd.f32 v13, v5;
	v7 =	vld [tilespmem:s12+$0x70];
	[tilespmem:s12+$0xD0] =	vst v6  }
0x18d: {  	s16 =	sadd.s32 $0x400, s13;
	s14 =	smov.u32 s12;
	s17 =	smov.u32 s12;
	v6 =	vld [tilespmem:s13+$0xFFFFFFC0];
	[tilespmem:s12+$0xFFFFFF60] =	vst v12;
	v12 =	vadd.f32 v14, v5  }
.LBB2_15:
0x18e: {  	v13 =	vld [tilespmem:s16+$0x30];
	[tilespmem:s14+$0xFFFFFFE0] =	vst v11;
	v5 =	vadd.f32 v10, v5;
	s17 =	sadd.s32 $0x200, s17  }
0x18f: {  	s15 =	sadd.s32 $0x8, s15;
	v10 =	vld [tilespmem:s17+$0xF0];
	[tilespmem:s14+$0x60] =	vst v12;
	v8 =	vadd.f32 v8, v1  }
0x190: {  	p0 =	slt.u32 s15, $0x38;
	v11 =	vld [tilespmem:s17+$0xFFFFFF00];
	[tilespmem:s14+$0xE0] =	vst v5;
	v5 =	vadd.f32 v9, v1  }
0x191: {  	v9 =	vld [tilespmem:s17+$0xFFFFFF80];
	[tilespmem:s14+$0xFFFFFF70] =	vst v8;
	v8 =	vadd.f32 v7, v1  }
0x192: {  	v7 =	vld [tilespmem:s17+$0x0];
	v12 =	vadd.f32 v2, v6;
	v3 =	vadd.f32 v3, v6;
	[tilespmem:s14+$0xFFFFFFF0] =	vst v5  }
0x193: {  	v4 =	vadd.f32 v4, v6;
	v5 =	vadd.f32 v0, v6;
	v0 =	vld [tilespmem:s17+$0x80];
	[tilespmem:s14+$0x70] =	vst v8;
	v1 =	vmov v13  }
0x194: {  	v6 =	vld [tilespmem:s16+$0xFFFFFFD0];
	v8 =	vadd.f32 v10, v1;
	[tilespmem:s14+$0xFFFFFF00] =	vst v12  }
0x195: {  	v10 =	vld [tilespmem:s17+$0xFFFFFF10];
	[tilespmem:s14+$0xFFFFFF80] =	vst v3;
	v2 =	vmov v11  }
0x196: {  	v11 =	vld [tilespmem:s17+$0xFFFFFF90];
	[tilespmem:s17+$0xF0] =	vst v8;
	v3 =	vmov v9  }
0x197: {  	v8 =	vld [tilespmem:s17+$0x10];
	[tilespmem:s14+$0x0] =	vst v4;
	v4 =	vmov v7  }
0x198: {  	v7 =	vld [tilespmem:s17+$0x90];
	[tilespmem:s14+$0x80] =	vst v5;
	s14 =	smov.u32 s17  }
0x199: {  	v5 =	vld [tilespmem:s16+$0xFFFFFFE0]  }
0x19a: {  	v9 =	vadd.f32 v10, v6;
	v10 =	vld [tilespmem:s17+$0xFFFFFF20]  }
0x19b: {  	v11 =	vadd.f32 v11, v6;
	v12 =	vld [tilespmem:s17+$0xFFFFFFA0]  }
0x19c: {  	[tilespmem:s17+$0xFFFFFF10] =	vst v9;
	v8 =	vadd.f32 v8, v6;
	v9 =	vld [tilespmem:s17+$0x20]  }
0x19d: {  	[tilespmem:s17+$0xFFFFFF90] =	vst v11;
	v6 =	vadd.f32 v7, v6;
	v7 =	vld [tilespmem:s17+$0xA0]  }
0x19e: {  	[tilespmem:s17+$0x10] =	vst v8;
	v8 =	vld [tilespmem:s16+$0xFFFFFFF0]  }
0x19f: {  	[tilespmem:s17+$0x90] =	vst v6;
	v6 =	vadd.f32 v10, v5;
	v10 =	vld [tilespmem:s17+$0xFFFFFF30]  }
0x1a0: {  	v11 =	vadd.f32 v12, v5;
	v12 =	vld [tilespmem:s17+$0xFFFFFFB0]  }
0x1a1: {  	[tilespmem:s17+$0xFFFFFF20] =	vst v6;
	v6 =	vadd.f32 v9, v5;
	v9 =	vld [tilespmem:s17+$0x30]  }
0x1a2: {  	[tilespmem:s17+$0xFFFFFFA0] =	vst v11;
	v5 =	vadd.f32 v7, v5;
	v7 =	vld [tilespmem:s17+$0xB0]  }
0x1a3: {  	[tilespmem:s17+$0x20] =	vst v6;
	v6 =	vld [tilespmem:s16+$0x0]  }
0x1a4: {  	[tilespmem:s17+$0xA0] =	vst v5;
	v5 =	vadd.f32 v10, v8;
	v10 =	vld [tilespmem:s17+$0xFFFFFF40]  }
0x1a5: {  	v11 =	vadd.f32 v12, v8;
	v12 =	vld [tilespmem:s17+$0xFFFFFFC0]  }
0x1a6: {  	[tilespmem:s17+$0xFFFFFF30] =	vst v5;
	v5 =	vadd.f32 v9, v8;
	v9 =	vld [tilespmem:s17+$0x40]  }
0x1a7: {  	[tilespmem:s17+$0xFFFFFFB0] =	vst v11;
	v7 =	vadd.f32 v7, v8;
	v8 =	vld [tilespmem:s17+$0xC0]  }
0x1a8: {  	[tilespmem:s17+$0x30] =	vst v5;
	v11 =	vld [tilespmem:s16+$0x10]  }
0x1a9: {  	[tilespmem:s17+$0xB0] =	vst v7;
	v5 =	vadd.f32 v10, v6;
	v7 =	vld [tilespmem:s17+$0xFFFFFF50]  }
0x1aa: {  	v10 =	vadd.f32 v12, v6;
	v12 =	vld [tilespmem:s17+$0xFFFFFFD0]  }
0x1ab: {  	[tilespmem:s17+$0xFFFFFF40] =	vst v5;
	v5 =	vadd.f32 v9, v6;
	v9 =	vld [tilespmem:s17+$0x50]  }
0x1ac: {  	[tilespmem:s17+$0xFFFFFFC0] =	vst v10;
	v6 =	vadd.f32 v8, v6;
	v8 =	vld [tilespmem:s17+$0xD0]  }
0x1ad: {  	[tilespmem:s17+$0x40] =	vst v5;
	v5 =	vld [tilespmem:s16+$0x20]  }
0x1ae: {  	[tilespmem:s17+$0xC0] =	vst v6;
	v6 =	vadd.f32 v7, v11;
	v7 =	vld [tilespmem:s17+$0xFFFFFF60]  }
0x1af: {  	v10 =	vadd.f32 v12, v11;
	v12 =	vld [tilespmem:s17+$0xFFFFFFE0]  }
0x1b0: {  	[tilespmem:s17+$0xFFFFFF50] =	vst v6;
	v6 =	vadd.f32 v9, v11;
	v13 =	vld [tilespmem:s17+$0x60]  }
.Ltmp6:
0x1b1: {  	[tilespmem:s17+$0xFFFFFFD0] =	vst v10;
	v9 =	vadd.f32 v8, v11;
	v10 =	vld [tilespmem:s17+$0xE0];
	(pc) =	sbr.rel @p0 .LBB2_15-.Ltmp6, $4  }
0x1b2: {  	[tilespmem:s17+$0x50] =	vst v6;
	v8 =	vld [tilespmem:s17+$0xFFFFFF70]  }
0x1b3: {  	[tilespmem:s17+$0xD0] =	vst v9;
	v14 =	vadd.f32 v7, v5;
	v9 =	vld [tilespmem:s17+$0xFFFFFFF0]  }
0x1b4: {  	v11 =	vadd.f32 v12, v5;
	v7 =	vld [tilespmem:s17+$0x70]  }
0x1b5: {  	v6 =	vld [tilespmem:s16+$0xFFFFFFC0];
	[tilespmem:s17+$0xFFFFFF60] =	vst v14;
	v12 =	vadd.f32 v13, v5;
	s16 =	sadd.s32 $0x400, s16  }
0x1b6: {  	[tilespmem:s14+$0xFFFFFFE0] =	vst v11;
	v5 =	vadd.f32 v10, v5  }
0x1b7: {  	[tilespmem:s14+$0x60] =	vst v12;
	v8 =	vadd.f32 v8, v1  }
0x1b8: {  	[tilespmem:s14+$0xE0] =	vst v5;
	v61 =	vadd.f32 v9, v1  }
0x1b9: {  	s11 =	sadd.s32 $0x1, s11;
	[tilespmem:s14+$0xFFFFFF70] =	vst v8;
	v62 =	vadd.f32 v7, v1  }
0x1ba: {  	p0 =	sne.s32 s11, $0x8;
	v2 =	vadd.f32 v2, v6;
	[tilespmem:s14+$0xFFFFFFF0] =	vst v61  }
.Ltmp7:
0x1bb: {  	v3 =	vadd.f32 v3, v6;
	[tilespmem:s14+$0x70] =	vst v62;
	(pc) =	sbr.rel @p0 .LBB2_14-.Ltmp7, $4  }
0x1bc: {  	v63 =	vadd.f32 v4, v6;
	[tilespmem:s14+$0xFFFFFF00] =	vst v2  }
0x1bd: {  	v0 =	vadd.f32 v0, v6;
	[tilespmem:s14+$0xFFFFFF80] =	vst v3  }
0x1be: {  	[tilespmem:s14+$0x0] =	vst v63  }
0x1bf: {  	s12 =	sadd.s32 $0x1000, s12;
	s13 =	sadd.s32 $0x80, s13;
	[tilespmem:s14+$0x80] =	vst v0  }
0x1c0: {  	s11 =	simm.s32 $0x0  }
0x1c1: {  	[hbm4b:s18+s11] =	stream.linear.scatter [tilespmem:s11], [sflag:$0x7], $0x8000, $0x38;
	[tilespmem:$0x1E000] =	vst v63  }
0x1c2: {  	_ =	swait.ge [sflag:s3], $0x8000  }
0x1c3: {  	[sflag:s3] =	ssyncset.done $0x0  }
0x1c4: {  	[sflag:s3] =	ssyncadd.s32 $0xFFFF8000  }
0x1c5: {  	[tilespmem:s2], [sflag:$0x3] =	stream.linear.gather [hbm4b:s21+s11], $0x8000, $0x38;
	[tilespmem:$0x1E000] =	vst v63  }
0x1c6: {  	s13 =	simm.s32 $0x1C000;
	s12 =	rddreg [dreg:$0x10]  }
0x1c7: {  	[tilespmem:s13], [sflag:$0x6] =	stream.linear.gather [hbm4b:s12+s11], $0x2000, $0x38;
	[tilespmem:$0x1E000] =	vst v63  }
0x1c8: {  	_ =	swait.ge [sflag:s4], $0x8000  }
0x1c9: {  	[sflag:s4] =	ssyncset.done $0x0  }
0x1ca: {  	[sflag:s4] =	ssyncadd.s32 $0xFFFF8000  }
0x1cb: {  	_ =	swait.ge [sflag:s5], $0x2000  }
0x1cc: {  	[sflag:s5] =	ssyncset.done $0x0  }
0x1cd: {  	s12 =	simm.s32 $0x8100;
	s13 =	simm.s32 $0x1A040;
	[sflag:s5] =	ssyncadd.s32 $0xFFFFE000  }
.LBB2_18:
0x1ce: {  	v1 =	vld [tilespmem:s13+$0x30]  }
0x1cf: {  	v5 =	vld [tilespmem:s12+$0xF0]  }
0x1d0: {  	v2 =	vld [tilespmem:s12+$0xFFFFFF00]  }
0x1d1: {  	v3 =	vld [tilespmem:s12+$0xFFFFFF80]  }
0x1d2: {  	v4 =	vld [tilespmem:s12+$0x0]  }
0x1d3: {  	v0 =	vld [tilespmem:s12+$0x80]  }
0x1d4: {  	v6 =	vld [tilespmem:s13+$0xFFFFFFD0]  }
0x1d5: {  	v7 =	vld [tilespmem:s12+$0xFFFFFF10]  }
0x1d6: {  	v8 =	vld [tilespmem:s12+$0xFFFFFF90]  }
0x1d7: {  	v9 =	vld [tilespmem:s12+$0x10]  }
0x1d8: {  	v10 =	vld [tilespmem:s12+$0x90]  }
0x1d9: {  	v11 =	vld [tilespmem:s13+$0xFFFFFFE0]  }
0x1da: {  	v12 =	vld [tilespmem:s12+$0xFFFFFF20]  }
0x1db: {  	v13 =	vld [tilespmem:s12+$0xFFFFFFA0]  }
0x1dc: {  	v14 =	vld [tilespmem:s12+$0x20]  }
0x1dd: {  	v15 =	vld [tilespmem:s12+$0xA0]  }
0x1de: {  	v16 =	vld [tilespmem:s13+$0xFFFFFFF0];
	v5 =	vadd.f32 v5, v1  }
0x1df: {  	v17 =	vld [tilespmem:s12+$0xFFFFFF30];
	v7 =	vadd.f32 v7, v6  }
0x1e0: {  	[tilespmem:s12+$0xF0] =	vst v5;
	v5 =	vadd.f32 v8, v6;
	v8 =	vld [tilespmem:s12+$0xFFFFFFB0]  }
0x1e1: {  	[tilespmem:s12+$0xFFFFFF10] =	vst v7;
	v7 =	vadd.f32 v9, v6;
	v9 =	vld [tilespmem:s12+$0x30]  }
0x1e2: {  	[tilespmem:s12+$0xFFFFFF90] =	vst v5;
	v5 =	vadd.f32 v10, v6;
	v6 =	vld [tilespmem:s12+$0xB0]  }
0x1e3: {  	[tilespmem:s12+$0x10] =	vst v7;
	v7 =	vadd.f32 v12, v11;
	v10 =	vld [tilespmem:s13+$0x0]  }
0x1e4: {  	v12 =	vld [tilespmem:s12+$0xFFFFFF40];
	[tilespmem:s12+$0x90] =	vst v5;
	v5 =	vadd.f32 v13, v11  }
0x1e5: {  	[tilespmem:s12+$0xFFFFFF20] =	vst v7;
	v7 =	vadd.f32 v14, v11;
	v13 =	vld [tilespmem:s12+$0xFFFFFFC0]  }
0x1e6: {  	v14 =	vld [tilespmem:s12+$0xC0];
	[tilespmem:s12+$0xFFFFFFA0] =	vst v5;
	v5 =	vadd.f32 v15, v11  }
0x1e7: {  	v11 =	vld [tilespmem:s12+$0x40];
	[tilespmem:s12+$0x20] =	vst v7;
	v7 =	vadd.f32 v17, v16  }
0x1e8: {  	v15 =	vld [tilespmem:s12+$0xD0];
	[tilespmem:s12+$0xA0] =	vst v5;
	v5 =	vadd.f32 v8, v16  }
0x1e9: {  	v8 =	vld [tilespmem:s13+$0x10];
	[tilespmem:s12+$0xFFFFFF30] =	vst v7;
	v7 =	vadd.f32 v9, v16  }
0x1ea: {  	v9 =	vld [tilespmem:s12+$0xFFFFFF50];
	[tilespmem:s12+$0xFFFFFFB0] =	vst v5;
	v5 =	vadd.f32 v6, v16  }
0x1eb: {  	v6 =	vld [tilespmem:s12+$0xFFFFFFD0];
	[tilespmem:s12+$0x30] =	vst v7;
	v7 =	vadd.f32 v12, v10  }
0x1ec: {  	v13 =	vadd.f32 v13, v10;
	v12 =	vld [tilespmem:s12+$0x50];
	[tilespmem:s12+$0xB0] =	vst v5  }
0x1ed: {  	[tilespmem:s12+$0xFFFFFF40] =	vst v7;
	v7 =	vadd.f32 v11, v10;
	v5 =	vld [tilespmem:s13+$0x20]  }
0x1ee: {  	[tilespmem:s12+$0xFFFFFFC0] =	vst v13;
	v10 =	vadd.f32 v14, v10;
	v11 =	vld [tilespmem:s12+$0xFFFFFF60]  }
0x1ef: {  	v13 =	vld [tilespmem:s12+$0xFFFFFFE0];
	[tilespmem:s12+$0x40] =	vst v7;
	v7 =	vadd.f32 v9, v8  }
0x1f0: {  	v14 =	vld [tilespmem:s12+$0x60];
	[tilespmem:s12+$0xC0] =	vst v10;
	v6 =	vadd.f32 v6, v8  }
0x1f1: {  	v10 =	vld [tilespmem:s12+$0xE0];
	[tilespmem:s12+$0xFFFFFF50] =	vst v7;
	v7 =	vadd.f32 v12, v8  }
0x1f2: {  	[tilespmem:s12+$0xFFFFFFD0] =	vst v6;
	v6 =	vadd.f32 v15, v8;
	v8 =	vld [tilespmem:s12+$0xFFFFFF70]  }
0x1f3: {  	v9 =	vld [tilespmem:s12+$0xFFFFFFF0];
	v12 =	vadd.f32 v11, v5;
	[tilespmem:s12+$0x50] =	vst v7  }
0x1f4: {  	s15 =	simm.s32 $0x0;
	v11 =	vadd.f32 v13, v5;
	v7 =	vld [tilespmem:s12+$0x70];
	[tilespmem:s12+$0xD0] =	vst v6  }
0x1f5: {  	s16 =	sadd.s32 $0x400, s13;
	s14 =	smov.u32 s12;
	s17 =	smov.u32 s12;
	v6 =	vld [tilespmem:s13+$0xFFFFFFC0];
	[tilespmem:s12+$0xFFFFFF60] =	vst v12;
	v12 =	vadd.f32 v14, v5  }
.LBB2_19:
0x1f6: {  	v13 =	vld [tilespmem:s16+$0x30];
	[tilespmem:s14+$0xFFFFFFE0] =	vst v11;
	v5 =	vadd.f32 v10, v5;
	s17 =	sadd.s32 $0x200, s17  }
0x1f7: {  	s15 =	sadd.s32 $0x8, s15;
	v10 =	vld [tilespmem:s17+$0xF0];
	[tilespmem:s14+$0x60] =	vst v12;
	v8 =	vadd.f32 v8, v1  }
0x1f8: {  	p0 =	slt.u32 s15, $0x38;
	v11 =	vld [tilespmem:s17+$0xFFFFFF00];
	[tilespmem:s14+$0xE0] =	vst v5;
	v5 =	vadd.f32 v9, v1  }
0x1f9: {  	v9 =	vld [tilespmem:s17+$0xFFFFFF80];
	[tilespmem:s14+$0xFFFFFF70] =	vst v8;
	v8 =	vadd.f32 v7, v1  }
0x1fa: {  	v7 =	vld [tilespmem:s17+$0x0];
	v12 =	vadd.f32 v2, v6;
	v3 =	vadd.f32 v3, v6;
	[tilespmem:s14+$0xFFFFFFF0] =	vst v5  }
0x1fb: {  	v4 =	vadd.f32 v4, v6;
	v5 =	vadd.f32 v0, v6;
	v0 =	vld [tilespmem:s17+$0x80];
	[tilespmem:s14+$0x70] =	vst v8;
	v1 =	vmov v13  }
0x1fc: {  	v6 =	vld [tilespmem:s16+$0xFFFFFFD0];
	v8 =	vadd.f32 v10, v1;
	[tilespmem:s14+$0xFFFFFF00] =	vst v12  }
0x1fd: {  	v10 =	vld [tilespmem:s17+$0xFFFFFF10];
	[tilespmem:s14+$0xFFFFFF80] =	vst v3;
	v2 =	vmov v11  }
0x1fe: {  	v11 =	vld [tilespmem:s17+$0xFFFFFF90];
	[tilespmem:s17+$0xF0] =	vst v8;
	v3 =	vmov v9  }
0x1ff: {  	v8 =	vld [tilespmem:s17+$0x10];
	[tilespmem:s14+$0x0] =	vst v4;
	v4 =	vmov v7  }
0x200: {  	v7 =	vld [tilespmem:s17+$0x90];
	[tilespmem:s14+$0x80] =	vst v5;
	s14 =	smov.u32 s17  }
0x201: {  	v5 =	vld [tilespmem:s16+$0xFFFFFFE0]  }
0x202: {  	v9 =	vadd.f32 v10, v6;
	v10 =	vld [tilespmem:s17+$0xFFFFFF20]  }
0x203: {  	v11 =	vadd.f32 v11, v6;
	v12 =	vld [tilespmem:s17+$0xFFFFFFA0]  }
0x204: {  	[tilespmem:s17+$0xFFFFFF10] =	vst v9;
	v8 =	vadd.f32 v8, v6;
	v9 =	vld [tilespmem:s17+$0x20]  }
0x205: {  	[tilespmem:s17+$0xFFFFFF90] =	vst v11;
	v6 =	vadd.f32 v7, v6;
	v7 =	vld [tilespmem:s17+$0xA0]  }
0x206: {  	[tilespmem:s17+$0x10] =	vst v8;
	v8 =	vld [tilespmem:s16+$0xFFFFFFF0]  }
0x207: {  	[tilespmem:s17+$0x90] =	vst v6;
	v6 =	vadd.f32 v10, v5;
	v10 =	vld [tilespmem:s17+$0xFFFFFF30]  }
0x208: {  	v11 =	vadd.f32 v12, v5;
	v12 =	vld [tilespmem:s17+$0xFFFFFFB0]  }
0x209: {  	[tilespmem:s17+$0xFFFFFF20] =	vst v6;
	v6 =	vadd.f32 v9, v5;
	v9 =	vld [tilespmem:s17+$0x30]  }
0x20a: {  	[tilespmem:s17+$0xFFFFFFA0] =	vst v11;
	v5 =	vadd.f32 v7, v5;
	v7 =	vld [tilespmem:s17+$0xB0]  }
0x20b: {  	[tilespmem:s17+$0x20] =	vst v6;
	v6 =	vld [tilespmem:s16+$0x0]  }
0x20c: {  	[tilespmem:s17+$0xA0] =	vst v5;
	v5 =	vadd.f32 v10, v8;
	v10 =	vld [tilespmem:s17+$0xFFFFFF40]  }
0x20d: {  	v11 =	vadd.f32 v12, v8;
	v12 =	vld [tilespmem:s17+$0xFFFFFFC0]  }
0x20e: {  	[tilespmem:s17+$0xFFFFFF30] =	vst v5;
	v5 =	vadd.f32 v9, v8;
	v9 =	vld [tilespmem:s17+$0x40]  }
0x20f: {  	[tilespmem:s17+$0xFFFFFFB0] =	vst v11;
	v7 =	vadd.f32 v7, v8;
	v8 =	vld [tilespmem:s17+$0xC0]  }
0x210: {  	[tilespmem:s17+$0x30] =	vst v5;
	v11 =	vld [tilespmem:s16+$0x10]  }
0x211: {  	[tilespmem:s17+$0xB0] =	vst v7;
	v5 =	vadd.f32 v10, v6;
	v7 =	vld [tilespmem:s17+$0xFFFFFF50]  }
0x212: {  	v10 =	vadd.f32 v12, v6;
	v12 =	vld [tilespmem:s17+$0xFFFFFFD0]  }
0x213: {  	[tilespmem:s17+$0xFFFFFF40] =	vst v5;
	v5 =	vadd.f32 v9, v6;
	v9 =	vld [tilespmem:s17+$0x50]  }
0x214: {  	[tilespmem:s17+$0xFFFFFFC0] =	vst v10;
	v6 =	vadd.f32 v8, v6;
	v8 =	vld [tilespmem:s17+$0xD0]  }
0x215: {  	[tilespmem:s17+$0x40] =	vst v5;
	v5 =	vld [tilespmem:s16+$0x20]  }
0x216: {  	[tilespmem:s17+$0xC0] =	vst v6;
	v6 =	vadd.f32 v7, v11;
	v7 =	vld [tilespmem:s17+$0xFFFFFF60]  }
0x217: {  	v10 =	vadd.f32 v12, v11;
	v12 =	vld [tilespmem:s17+$0xFFFFFFE0]  }
0x218: {  	[tilespmem:s17+$0xFFFFFF50] =	vst v6;
	v6 =	vadd.f32 v9, v11;
	v13 =	vld [tilespmem:s17+$0x60]  }
.Ltmp8:
0x219: {  	[tilespmem:s17+$0xFFFFFFD0] =	vst v10;
	v9 =	vadd.f32 v8, v11;
	v10 =	vld [tilespmem:s17+$0xE0];
	(pc) =	sbr.rel @p0 .LBB2_19-.Ltmp8, $4  }
0x21a: {  	[tilespmem:s17+$0x50] =	vst v6;
	v8 =	vld [tilespmem:s17+$0xFFFFFF70]  }
0x21b: {  	[tilespmem:s17+$0xD0] =	vst v9;
	v14 =	vadd.f32 v7, v5;
	v9 =	vld [tilespmem:s17+$0xFFFFFFF0]  }
0x21c: {  	v11 =	vadd.f32 v12, v5;
	v7 =	vld [tilespmem:s17+$0x70]  }
0x21d: {  	v6 =	vld [tilespmem:s16+$0xFFFFFFC0];
	[tilespmem:s17+$0xFFFFFF60] =	vst v14;
	v12 =	vadd.f32 v13, v5;
	s16 =	sadd.s32 $0x400, s16  }
0x21e: {  	[tilespmem:s14+$0xFFFFFFE0] =	vst v11;
	v5 =	vadd.f32 v10, v5  }
0x21f: {  	[tilespmem:s14+$0x60] =	vst v12;
	v8 =	vadd.f32 v8, v1  }
0x220: {  	[tilespmem:s14+$0xE0] =	vst v5;
	v61 =	vadd.f32 v9, v1  }
0x221: {  	s11 =	sadd.s32 $0x1, s11;
	[tilespmem:s14+$0xFFFFFF70] =	vst v8;
	v62 =	vadd.f32 v7, v1  }
0x222: {  	p0 =	sne.s32 s11, $0x8;
	v2 =	vadd.f32 v2, v6;
	[tilespmem:s14+$0xFFFFFFF0] =	vst v61  }
.Ltmp9:
0x223: {  	v3 =	vadd.f32 v3, v6;
	[tilespmem:s14+$0x70] =	vst v62;
	(pc) =	sbr.rel @p0 .LBB2_18-.Ltmp9, $4  }
0x224: {  	v63 =	vadd.f32 v4, v6;
	[tilespmem:s14+$0xFFFFFF00] =	vst v2  }
0x225: {  	v0 =	vadd.f32 v0, v6;
	[tilespmem:s14+$0xFFFFFF80] =	vst v3  }
0x226: {  	[tilespmem:s14+$0x0] =	vst v63  }
0x227: {  	s12 =	sadd.s32 $0x1000, s12;
	s13 =	sadd.s32 $0x80, s13;
	[tilespmem:s14+$0x80] =	vst v0  }
0x228: {  	s11 =	simm.s32 $0x0  }
0x229: {  	[hbm4b:s19+s11] =	stream.linear.scatter [tilespmem:s30], [sflag:$0x8], $0x8000, $0x38;
	[tilespmem:$0x1E000] =	vst v63  }
0x22a: {  	_ =	swait.ge [sflag:s6], $0x8000  }
0x22b: {  	[sflag:s6] =	ssyncset.done $0x0  }
0x22c: {  	[sflag:s6] =	ssyncadd.s32 $0xFFFF8000  }
0x22d: {  	[tilespmem:s11], [sflag:$0x1] =	stream.linear.gather [hbm4b:s23+s11], $0x8000, $0x38;
	[tilespmem:$0x1E000] =	vst v63  }
0x22e: {  	s12 =	rddreg [dreg:$0x11]  }
0x22f: {  	[tilespmem:s29], [sflag:$0x4] =	stream.linear.gather [hbm4b:s12+s11], $0x2000, $0x38;
	[tilespmem:$0x1E000] =	vst v63  }
0x230: {  	_ =	swait.ge [sflag:s7], $0x8000  }
0x231: {  	[sflag:s7] =	ssyncset.done $0x0  }
0x232: {  	[sflag:s7] =	ssyncadd.s32 $0xFFFF8000  }
0x233: {  	_ =	swait.ge [sflag:s8], $0x2000  }
0x234: {  	[sflag:s8] =	ssyncset.done $0x0  }
0x235: {  	s13 =	simm.s32 $0x1C040;
	s12 =	simm.s32 $0x10100;
	[sflag:s8] =	ssyncadd.s32 $0xFFFFE000  }
.LBB2_22:
0x236: {  	v1 =	vld [tilespmem:s13+$0x30]  }
0x237: {  	v5 =	vld [tilespmem:s12+$0xF0]  }
0x238: {  	v2 =	vld [tilespmem:s12+$0xFFFFFF00]  }
0x239: {  	v3 =	vld [tilespmem:s12+$0xFFFFFF80]  }
0x23a: {  	v4 =	vld [tilespmem:s12+$0x0]  }
0x23b: {  	v0 =	vld [tilespmem:s12+$0x80]  }
0x23c: {  	v6 =	vld [tilespmem:s13+$0xFFFFFFD0]  }
0x23d: {  	v7 =	vld [tilespmem:s12+$0xFFFFFF10]  }
0x23e: {  	v8 =	vld [tilespmem:s12+$0xFFFFFF90]  }
0x23f: {  	v9 =	vld [tilespmem:s12+$0x10]  }
0x240: {  	v10 =	vld [tilespmem:s12+$0x90]  }
0x241: {  	v11 =	vld [tilespmem:s13+$0xFFFFFFE0]  }
0x242: {  	v12 =	vld [tilespmem:s12+$0xFFFFFF20]  }
0x243: {  	v13 =	vld [tilespmem:s12+$0xFFFFFFA0]  }
0x244: {  	v14 =	vld [tilespmem:s12+$0x20]  }
0x245: {  	v15 =	vld [tilespmem:s12+$0xA0]  }
0x246: {  	v16 =	vld [tilespmem:s13+$0xFFFFFFF0];
	v5 =	vadd.f32 v5, v1  }
0x247: {  	v17 =	vld [tilespmem:s12+$0xFFFFFF30];
	v7 =	vadd.f32 v7, v6  }
0x248: {  	[tilespmem:s12+$0xF0] =	vst v5;
	v5 =	vadd.f32 v8, v6;
	v8 =	vld [tilespmem:s12+$0xFFFFFFB0]  }
0x249: {  	[tilespmem:s12+$0xFFFFFF10] =	vst v7;
	v7 =	vadd.f32 v9, v6;
	v9 =	vld [tilespmem:s12+$0x30]  }
0x24a: {  	[tilespmem:s12+$0xFFFFFF90] =	vst v5;
	v5 =	vadd.f32 v10, v6;
	v6 =	vld [tilespmem:s12+$0xB0]  }
0x24b: {  	[tilespmem:s12+$0x10] =	vst v7;
	v7 =	vadd.f32 v12, v11;
	v10 =	vld [tilespmem:s13+$0x0]  }
0x24c: {  	v12 =	vld [tilespmem:s12+$0xFFFFFF40];
	[tilespmem:s12+$0x90] =	vst v5;
	v5 =	vadd.f32 v13, v11  }
0x24d: {  	[tilespmem:s12+$0xFFFFFF20] =	vst v7;
	v7 =	vadd.f32 v14, v11;
	v13 =	vld [tilespmem:s12+$0xFFFFFFC0]  }
0x24e: {  	v14 =	vld [tilespmem:s12+$0xC0];
	[tilespmem:s12+$0xFFFFFFA0] =	vst v5;
	v5 =	vadd.f32 v15, v11  }
0x24f: {  	v11 =	vld [tilespmem:s12+$0x40];
	[tilespmem:s12+$0x20] =	vst v7;
	v7 =	vadd.f32 v17, v16  }
0x250: {  	v15 =	vld [tilespmem:s12+$0xD0];
	[tilespmem:s12+$0xA0] =	vst v5;
	v5 =	vadd.f32 v8, v16  }
0x251: {  	v8 =	vld [tilespmem:s13+$0x10];
	[tilespmem:s12+$0xFFFFFF30] =	vst v7;
	v7 =	vadd.f32 v9, v16  }
0x252: {  	v9 =	vld [tilespmem:s12+$0xFFFFFF50];
	[tilespmem:s12+$0xFFFFFFB0] =	vst v5;
	v5 =	vadd.f32 v6, v16  }
0x253: {  	v6 =	vld [tilespmem:s12+$0xFFFFFFD0];
	[tilespmem:s12+$0x30] =	vst v7;
	v7 =	vadd.f32 v12, v10  }
0x254: {  	v13 =	vadd.f32 v13, v10;
	v12 =	vld [tilespmem:s12+$0x50];
	[tilespmem:s12+$0xB0] =	vst v5  }
0x255: {  	[tilespmem:s12+$0xFFFFFF40] =	vst v7;
	v7 =	vadd.f32 v11, v10;
	v5 =	vld [tilespmem:s13+$0x20]  }
0x256: {  	[tilespmem:s12+$0xFFFFFFC0] =	vst v13;
	v10 =	vadd.f32 v14, v10;
	v11 =	vld [tilespmem:s12+$0xFFFFFF60]  }
0x257: {  	v13 =	vld [tilespmem:s12+$0xFFFFFFE0];
	[tilespmem:s12+$0x40] =	vst v7;
	v7 =	vadd.f32 v9, v8  }
0x258: {  	v14 =	vld [tilespmem:s12+$0x60];
	[tilespmem:s12+$0xC0] =	vst v10;
	v6 =	vadd.f32 v6, v8  }
0x259: {  	v10 =	vld [tilespmem:s12+$0xE0];
	[tilespmem:s12+$0xFFFFFF50] =	vst v7;
	v7 =	vadd.f32 v12, v8  }
0x25a: {  	[tilespmem:s12+$0xFFFFFFD0] =	vst v6;
	v6 =	vadd.f32 v15, v8;
	v8 =	vld [tilespmem:s12+$0xFFFFFF70]  }
0x25b: {  	v9 =	vld [tilespmem:s12+$0xFFFFFFF0];
	v12 =	vadd.f32 v11, v5;
	[tilespmem:s12+$0x50] =	vst v7  }
0x25c: {  	s15 =	simm.s32 $0x0;
	v11 =	vadd.f32 v13, v5;
	v7 =	vld [tilespmem:s12+$0x70];
	[tilespmem:s12+$0xD0] =	vst v6  }
0x25d: {  	s16 =	sadd.s32 $0x400, s13;
	s14 =	smov.u32 s12;
	s17 =	smov.u32 s12;
	v6 =	vld [tilespmem:s13+$0xFFFFFFC0];
	[tilespmem:s12+$0xFFFFFF60] =	vst v12;
	v12 =	vadd.f32 v14, v5  }
.LBB2_23:
0x25e: {  	v13 =	vld [tilespmem:s16+$0x30];
	[tilespmem:s14+$0xFFFFFFE0] =	vst v11;
	v5 =	vadd.f32 v10, v5;
	s17 =	sadd.s32 $0x200, s17  }
0x25f: {  	s15 =	sadd.s32 $0x8, s15;
	v10 =	vld [tilespmem:s17+$0xF0];
	[tilespmem:s14+$0x60] =	vst v12;
	v8 =	vadd.f32 v8, v1  }
0x260: {  	p0 =	slt.u32 s15, $0x38;
	v11 =	vld [tilespmem:s17+$0xFFFFFF00];
	[tilespmem:s14+$0xE0] =	vst v5;
	v5 =	vadd.f32 v9, v1  }
0x261: {  	v9 =	vld [tilespmem:s17+$0xFFFFFF80];
	[tilespmem:s14+$0xFFFFFF70] =	vst v8;
	v8 =	vadd.f32 v7, v1  }
0x262: {  	v7 =	vld [tilespmem:s17+$0x0];
	v12 =	vadd.f32 v2, v6;
	v3 =	vadd.f32 v3, v6;
	[tilespmem:s14+$0xFFFFFFF0] =	vst v5  }
0x263: {  	v4 =	vadd.f32 v4, v6;
	v5 =	vadd.f32 v0, v6;
	v0 =	vld [tilespmem:s17+$0x80];
	[tilespmem:s14+$0x70] =	vst v8;
	v1 =	vmov v13  }
0x264: {  	v6 =	vld [tilespmem:s16+$0xFFFFFFD0];
	v8 =	vadd.f32 v10, v1;
	[tilespmem:s14+$0xFFFFFF00] =	vst v12  }
0x265: {  	v10 =	vld [tilespmem:s17+$0xFFFFFF10];
	[tilespmem:s14+$0xFFFFFF80] =	vst v3;
	v2 =	vmov v11  }
0x266: {  	v11 =	vld [tilespmem:s17+$0xFFFFFF90];
	[tilespmem:s17+$0xF0] =	vst v8;
	v3 =	vmov v9  }
0x267: {  	v8 =	vld [tilespmem:s17+$0x10];
	[tilespmem:s14+$0x0] =	vst v4;
	v4 =	vmov v7  }
0x268: {  	v7 =	vld [tilespmem:s17+$0x90];
	[tilespmem:s14+$0x80] =	vst v5;
	s14 =	smov.u32 s17  }
0x269: {  	v5 =	vld [tilespmem:s16+$0xFFFFFFE0]  }
0x26a: {  	v9 =	vadd.f32 v10, v6;
	v10 =	vld [tilespmem:s17+$0xFFFFFF20]  }
0x26b: {  	v11 =	vadd.f32 v11, v6;
	v12 =	vld [tilespmem:s17+$0xFFFFFFA0]  }
0x26c: {  	[tilespmem:s17+$0xFFFFFF10] =	vst v9;
	v8 =	vadd.f32 v8, v6;
	v9 =	vld [tilespmem:s17+$0x20]  }
0x26d: {  	[tilespmem:s17+$0xFFFFFF90] =	vst v11;
	v6 =	vadd.f32 v7, v6;
	v7 =	vld [tilespmem:s17+$0xA0]  }
0x26e: {  	[tilespmem:s17+$0x10] =	vst v8;
	v8 =	vld [tilespmem:s16+$0xFFFFFFF0]  }
0x26f: {  	[tilespmem:s17+$0x90] =	vst v6;
	v6 =	vadd.f32 v10, v5;
	v10 =	vld [tilespmem:s17+$0xFFFFFF30]  }
0x270: {  	v11 =	vadd.f32 v12, v5;
	v12 =	vld [tilespmem:s17+$0xFFFFFFB0]  }
0x271: {  	[tilespmem:s17+$0xFFFFFF20] =	vst v6;
	v6 =	vadd.f32 v9, v5;
	v9 =	vld [tilespmem:s17+$0x30]  }
0x272: {  	[tilespmem:s17+$0xFFFFFFA0] =	vst v11;
	v5 =	vadd.f32 v7, v5;
	v7 =	vld [tilespmem:s17+$0xB0]  }
0x273: {  	[tilespmem:s17+$0x20] =	vst v6;
	v6 =	vld [tilespmem:s16+$0x0]  }
0x274: {  	[tilespmem:s17+$0xA0] =	vst v5;
	v5 =	vadd.f32 v10, v8;
	v10 =	vld [tilespmem:s17+$0xFFFFFF40]  }
0x275: {  	v11 =	vadd.f32 v12, v8;
	v12 =	vld [tilespmem:s17+$0xFFFFFFC0]  }
0x276: {  	[tilespmem:s17+$0xFFFFFF30] =	vst v5;
	v5 =	vadd.f32 v9, v8;
	v9 =	vld [tilespmem:s17+$0x40]  }
0x277: {  	[tilespmem:s17+$0xFFFFFFB0] =	vst v11;
	v7 =	vadd.f32 v7, v8;
	v8 =	vld [tilespmem:s17+$0xC0]  }
0x278: {  	[tilespmem:s17+$0x30] =	vst v5;
	v11 =	vld [tilespmem:s16+$0x10]  }
0x279: {  	[tilespmem:s17+$0xB0] =	vst v7;
	v5 =	vadd.f32 v10, v6;
	v7 =	vld [tilespmem:s17+$0xFFFFFF50]  }
0x27a: {  	v10 =	vadd.f32 v12, v6;
	v12 =	vld [tilespmem:s17+$0xFFFFFFD0]  }
0x27b: {  	[tilespmem:s17+$0xFFFFFF40] =	vst v5;
	v5 =	vadd.f32 v9, v6;
	v9 =	vld [tilespmem:s17+$0x50]  }
0x27c: {  	[tilespmem:s17+$0xFFFFFFC0] =	vst v10;
	v6 =	vadd.f32 v8, v6;
	v8 =	vld [tilespmem:s17+$0xD0]  }
0x27d: {  	[tilespmem:s17+$0x40] =	vst v5;
	v5 =	vld [tilespmem:s16+$0x20]  }
0x27e: {  	[tilespmem:s17+$0xC0] =	vst v6;
	v6 =	vadd.f32 v7, v11;
	v7 =	vld [tilespmem:s17+$0xFFFFFF60]  }
0x27f: {  	v10 =	vadd.f32 v12, v11;
	v12 =	vld [tilespmem:s17+$0xFFFFFFE0]  }
0x280: {  	[tilespmem:s17+$0xFFFFFF50] =	vst v6;
	v6 =	vadd.f32 v9, v11;
	v13 =	vld [tilespmem:s17+$0x60]  }
.Ltmp10:
0x281: {  	[tilespmem:s17+$0xFFFFFFD0] =	vst v10;
	v9 =	vadd.f32 v8, v11;
	v10 =	vld [tilespmem:s17+$0xE0];
	(pc) =	sbr.rel @p0 .LBB2_23-.Ltmp10, $4  }
0x282: {  	[tilespmem:s17+$0x50] =	vst v6;
	v8 =	vld [tilespmem:s17+$0xFFFFFF70]  }
0x283: {  	[tilespmem:s17+$0xD0] =	vst v9;
	v14 =	vadd.f32 v7, v5;
	v9 =	vld [tilespmem:s17+$0xFFFFFFF0]  }
0x284: {  	v11 =	vadd.f32 v12, v5;
	v7 =	vld [tilespmem:s17+$0x70]  }
0x285: {  	v6 =	vld [tilespmem:s16+$0xFFFFFFC0];
	[tilespmem:s17+$0xFFFFFF60] =	vst v14;
	v12 =	vadd.f32 v13, v5;
	s16 =	sadd.s32 $0x400, s16  }
0x286: {  	[tilespmem:s14+$0xFFFFFFE0] =	vst v11;
	v5 =	vadd.f32 v10, v5  }
0x287: {  	[tilespmem:s14+$0x60] =	vst v12;
	v8 =	vadd.f32 v8, v1  }
0x288: {  	[tilespmem:s14+$0xE0] =	vst v5;
	v61 =	vadd.f32 v9, v1  }
0x289: {  	s11 =	sadd.s32 $0x1, s11;
	[tilespmem:s14+$0xFFFFFF70] =	vst v8;
	v62 =	vadd.f32 v7, v1  }
0x28a: {  	p0 =	sne.s32 s11, $0x8;
	v2 =	vadd.f32 v2, v6;
	[tilespmem:s14+$0xFFFFFFF0] =	vst v61  }
.Ltmp11:
0x28b: {  	v3 =	vadd.f32 v3, v6;
	[tilespmem:s14+$0x70] =	vst v62;
	(pc) =	sbr.rel @p0 .LBB2_22-.Ltmp11, $4  }
0x28c: {  	v63 =	vadd.f32 v4, v6;
	[tilespmem:s14+$0xFFFFFF00] =	vst v2  }
0x28d: {  	v0 =	vadd.f32 v0, v6;
	[tilespmem:s14+$0xFFFFFF80] =	vst v3  }
0x28e: {  	[tilespmem:s14+$0x0] =	vst v63  }
0x28f: {  	s12 =	sadd.s32 $0x1000, s12;
	s13 =	sadd.s32 $0x80, s13;
	[tilespmem:s14+$0x80] =	vst v0  }
0x290: {  	s11 =	simm.s32 $0x0  }
0x291: {  	[hbm4b:s22+s11] =	stream.linear.scatter [tilespmem:s2], [sflag:$0x9], $0x8000, $0x38;
	[tilespmem:$0x1E000] =	vst v63  }
0x292: {  	_ =	swait.ge [sflag:s9], $0x8000  }
0x293: {  	[sflag:s9] =	ssyncset.done $0x0  }
0x294: {  	[sflag:s9] =	ssyncadd.s32 $0xFFFF8000  }
0x295: {  	[tilespmem:s30], [sflag:$0x2] =	stream.linear.gather [hbm4b:s24+s11], $0x8000, $0x38;
	[tilespmem:$0x1E000] =	vst v63  }
0x296: {  	s12 =	rddreg [dreg:$0x12]  }
0x297: {  	[tilespmem:s31], [sflag:$0x5] =	stream.linear.gather [hbm4b:s12+s11], $0x2000, $0x38;
	[tilespmem:$0x1E000] =	vst v63  }
0x298: {  	_ =	swait.ge [sflag:s20], $0x8000  }
0x299: {  	[sflag:s20] =	ssyncset.done $0x0  }
0x29a: {  	[sflag:s20] =	ssyncadd.s32 $0xFFFF8000  }
0x29b: {  	_ =	swait.ge [sflag:s0], $0x2000  }
0x29c: {  	[sflag:s0] =	ssyncset.done $0x0  }
0x29d: {  	s13 =	simm.s32 $0x18040;
	s12 =	simm.s32 $0x100;
	[sflag:s0] =	ssyncadd.s32 $0xFFFFE000  }
.LBB2_26:
0x29e: {  	v1 =	vld [tilespmem:s13+$0x30]  }
0x29f: {  	v5 =	vld [tilespmem:s12+$0xF0]  }
0x2a0: {  	v2 =	vld [tilespmem:s12+$0xFFFFFF00]  }
0x2a1: {  	v3 =	vld [tilespmem:s12+$0xFFFFFF80]  }
0x2a2: {  	v4 =	vld [tilespmem:s12+$0x0]  }
0x2a3: {  	v0 =	vld [tilespmem:s12+$0x80]  }
0x2a4: {  	v6 =	vld [tilespmem:s13+$0xFFFFFFD0]  }
0x2a5: {  	v7 =	vld [tilespmem:s12+$0xFFFFFF10]  }
0x2a6: {  	v8 =	vld [tilespmem:s12+$0xFFFFFF90]  }
0x2a7: {  	v9 =	vld [tilespmem:s12+$0x10]  }
0x2a8: {  	v10 =	vld [tilespmem:s12+$0x90]  }
0x2a9: {  	v11 =	vld [tilespmem:s13+$0xFFFFFFE0]  }
0x2aa: {  	v12 =	vld [tilespmem:s12+$0xFFFFFF20]  }
0x2ab: {  	v13 =	vld [tilespmem:s12+$0xFFFFFFA0]  }
0x2ac: {  	v14 =	vld [tilespmem:s12+$0x20]  }
0x2ad: {  	v15 =	vld [tilespmem:s12+$0xA0]  }
0x2ae: {  	v16 =	vld [tilespmem:s13+$0xFFFFFFF0];
	v5 =	vadd.f32 v5, v1  }
0x2af: {  	v17 =	vld [tilespmem:s12+$0xFFFFFF30];
	v7 =	vadd.f32 v7, v6  }
0x2b0: {  	[tilespmem:s12+$0xF0] =	vst v5;
	v5 =	vadd.f32 v8, v6;
	v8 =	vld [tilespmem:s12+$0xFFFFFFB0]  }
0x2b1: {  	[tilespmem:s12+$0xFFFFFF10] =	vst v7;
	v7 =	vadd.f32 v9, v6;
	v9 =	vld [tilespmem:s12+$0x30]  }
0x2b2: {  	[tilespmem:s12+$0xFFFFFF90] =	vst v5;
	v5 =	vadd.f32 v10, v6;
	v6 =	vld [tilespmem:s12+$0xB0]  }
0x2b3: {  	[tilespmem:s12+$0x10] =	vst v7;
	v7 =	vadd.f32 v12, v11;
	v10 =	vld [tilespmem:s13+$0x0]  }
0x2b4: {  	v12 =	vld [tilespmem:s12+$0xFFFFFF40];
	[tilespmem:s12+$0x90] =	vst v5;
	v5 =	vadd.f32 v13, v11  }
0x2b5: {  	[tilespmem:s12+$0xFFFFFF20] =	vst v7;
	v7 =	vadd.f32 v14, v11;
	v13 =	vld [tilespmem:s12+$0xFFFFFFC0]  }
0x2b6: {  	v14 =	vld [tilespmem:s12+$0xC0];
	[tilespmem:s12+$0xFFFFFFA0] =	vst v5;
	v5 =	vadd.f32 v15, v11  }
0x2b7: {  	v11 =	vld [tilespmem:s12+$0x40];
	[tilespmem:s12+$0x20] =	vst v7;
	v7 =	vadd.f32 v17, v16  }
0x2b8: {  	v15 =	vld [tilespmem:s12+$0xD0];
	[tilespmem:s12+$0xA0] =	vst v5;
	v5 =	vadd.f32 v8, v16  }
0x2b9: {  	v8 =	vld [tilespmem:s13+$0x10];
	[tilespmem:s12+$0xFFFFFF30] =	vst v7;
	v7 =	vadd.f32 v9, v16  }
0x2ba: {  	v9 =	vld [tilespmem:s12+$0xFFFFFF50];
	[tilespmem:s12+$0xFFFFFFB0] =	vst v5;
	v5 =	vadd.f32 v6, v16  }
0x2bb: {  	v6 =	vld [tilespmem:s12+$0xFFFFFFD0];
	[tilespmem:s12+$0x30] =	vst v7;
	v7 =	vadd.f32 v12, v10  }
0x2bc: {  	v13 =	vadd.f32 v13, v10;
	v12 =	vld [tilespmem:s12+$0x50];
	[tilespmem:s12+$0xB0] =	vst v5  }
0x2bd: {  	[tilespmem:s12+$0xFFFFFF40] =	vst v7;
	v7 =	vadd.f32 v11, v10;
	v5 =	vld [tilespmem:s13+$0x20]  }
0x2be: {  	[tilespmem:s12+$0xFFFFFFC0] =	vst v13;
	v10 =	vadd.f32 v14, v10;
	v11 =	vld [tilespmem:s12+$0xFFFFFF60]  }
0x2bf: {  	v13 =	vld [tilespmem:s12+$0xFFFFFFE0];
	[tilespmem:s12+$0x40] =	vst v7;
	v7 =	vadd.f32 v9, v8  }
0x2c0: {  	v14 =	vld [tilespmem:s12+$0x60];
	[tilespmem:s12+$0xC0] =	vst v10;
	v6 =	vadd.f32 v6, v8  }
0x2c1: {  	v10 =	vld [tilespmem:s12+$0xE0];
	[tilespmem:s12+$0xFFFFFF50] =	vst v7;
	v7 =	vadd.f32 v12, v8  }
0x2c2: {  	[tilespmem:s12+$0xFFFFFFD0] =	vst v6;
	v6 =	vadd.f32 v15, v8;
	v8 =	vld [tilespmem:s12+$0xFFFFFF70]  }
0x2c3: {  	v9 =	vld [tilespmem:s12+$0xFFFFFFF0];
	v12 =	vadd.f32 v11, v5;
	[tilespmem:s12+$0x50] =	vst v7  }
0x2c4: {  	s15 =	simm.s32 $0x0;
	v11 =	vadd.f32 v13, v5;
	v7 =	vld [tilespmem:s12+$0x70];
	[tilespmem:s12+$0xD0] =	vst v6  }
0x2c5: {  	s16 =	sadd.s32 $0x400, s13;
	s14 =	smov.u32 s12;
	s17 =	smov.u32 s12;
	v6 =	vld [tilespmem:s13+$0xFFFFFFC0];
	[tilespmem:s12+$0xFFFFFF60] =	vst v12;
	v12 =	vadd.f32 v14, v5  }
.LBB2_27:
0x2c6: {  	v13 =	vld [tilespmem:s16+$0x30];
	[tilespmem:s14+$0xFFFFFFE0] =	vst v11;
	v5 =	vadd.f32 v10, v5;
	s17 =	sadd.s32 $0x200, s17  }
0x2c7: {  	s15 =	sadd.s32 $0x8, s15;
	v10 =	vld [tilespmem:s17+$0xF0];
	[tilespmem:s14+$0x60] =	vst v12;
	v8 =	vadd.f32 v8, v1  }
0x2c8: {  	p0 =	slt.u32 s15, $0x38;
	v11 =	vld [tilespmem:s17+$0xFFFFFF00];
	[tilespmem:s14+$0xE0] =	vst v5;
	v5 =	vadd.f32 v9, v1  }
0x2c9: {  	v9 =	vld [tilespmem:s17+$0xFFFFFF80];
	[tilespmem:s14+$0xFFFFFF70] =	vst v8;
	v8 =	vadd.f32 v7, v1  }
0x2ca: {  	v7 =	vld [tilespmem:s17+$0x0];
	v12 =	vadd.f32 v2, v6;
	v3 =	vadd.f32 v3, v6;
	[tilespmem:s14+$0xFFFFFFF0] =	vst v5  }
0x2cb: {  	v4 =	vadd.f32 v4, v6;
	v5 =	vadd.f32 v0, v6;
	v0 =	vld [tilespmem:s17+$0x80];
	[tilespmem:s14+$0x70] =	vst v8;
	v1 =	vmov v13  }
0x2cc: {  	v6 =	vld [tilespmem:s16+$0xFFFFFFD0];
	v8 =	vadd.f32 v10, v1;
	[tilespmem:s14+$0xFFFFFF00] =	vst v12  }
0x2cd: {  	v10 =	vld [tilespmem:s17+$0xFFFFFF10];
	[tilespmem:s14+$0xFFFFFF80] =	vst v3;
	v2 =	vmov v11  }
0x2ce: {  	v11 =	vld [tilespmem:s17+$0xFFFFFF90];
	[tilespmem:s17+$0xF0] =	vst v8;
	v3 =	vmov v9  }
0x2cf: {  	v8 =	vld [tilespmem:s17+$0x10];
	[tilespmem:s14+$0x0] =	vst v4;
	v4 =	vmov v7  }
0x2d0: {  	v7 =	vld [tilespmem:s17+$0x90];
	[tilespmem:s14+$0x80] =	vst v5;
	s14 =	smov.u32 s17  }
0x2d1: {  	v5 =	vld [tilespmem:s16+$0xFFFFFFE0]  }
0x2d2: {  	v9 =	vadd.f32 v10, v6;
	v10 =	vld [tilespmem:s17+$0xFFFFFF20]  }
0x2d3: {  	v11 =	vadd.f32 v11, v6;
	v12 =	vld [tilespmem:s17+$0xFFFFFFA0]  }
0x2d4: {  	[tilespmem:s17+$0xFFFFFF10] =	vst v9;
	v8 =	vadd.f32 v8, v6;
	v9 =	vld [tilespmem:s17+$0x20]  }
0x2d5: {  	[tilespmem:s17+$0xFFFFFF90] =	vst v11;
	v6 =	vadd.f32 v7, v6;
	v7 =	vld [tilespmem:s17+$0xA0]  }
0x2d6: {  	[tilespmem:s17+$0x10] =	vst v8;
	v8 =	vld [tilespmem:s16+$0xFFFFFFF0]  }
0x2d7: {  	[tilespmem:s17+$0x90] =	vst v6;
	v6 =	vadd.f32 v10, v5;
	v10 =	vld [tilespmem:s17+$0xFFFFFF30]  }
0x2d8: {  	v11 =	vadd.f32 v12, v5;
	v12 =	vld [tilespmem:s17+$0xFFFFFFB0]  }
0x2d9: {  	[tilespmem:s17+$0xFFFFFF20] =	vst v6;
	v6 =	vadd.f32 v9, v5;
	v9 =	vld [tilespmem:s17+$0x30]  }
0x2da: {  	[tilespmem:s17+$0xFFFFFFA0] =	vst v11;
	v5 =	vadd.f32 v7, v5;
	v7 =	vld [tilespmem:s17+$0xB0]  }
0x2db: {  	[tilespmem:s17+$0x20] =	vst v6;
	v6 =	vld [tilespmem:s16+$0x0]  }
0x2dc: {  	[tilespmem:s17+$0xA0] =	vst v5;
	v5 =	vadd.f32 v10, v8;
	v10 =	vld [tilespmem:s17+$0xFFFFFF40]  }
0x2dd: {  	v11 =	vadd.f32 v12, v8;
	v12 =	vld [tilespmem:s17+$0xFFFFFFC0]  }
0x2de: {  	[tilespmem:s17+$0xFFFFFF30] =	vst v5;
	v5 =	vadd.f32 v9, v8;
	v9 =	vld [tilespmem:s17+$0x40]  }
0x2df: {  	[tilespmem:s17+$0xFFFFFFB0] =	vst v11;
	v7 =	vadd.f32 v7, v8;
	v8 =	vld [tilespmem:s17+$0xC0]  }
0x2e0: {  	[tilespmem:s17+$0x30] =	vst v5;
	v11 =	vld [tilespmem:s16+$0x10]  }
0x2e1: {  	[tilespmem:s17+$0xB0] =	vst v7;
	v5 =	vadd.f32 v10, v6;
	v7 =	vld [tilespmem:s17+$0xFFFFFF50]  }
0x2e2: {  	v10 =	vadd.f32 v12, v6;
	v12 =	vld [tilespmem:s17+$0xFFFFFFD0]  }
0x2e3: {  	[tilespmem:s17+$0xFFFFFF40] =	vst v5;
	v5 =	vadd.f32 v9, v6;
	v9 =	vld [tilespmem:s17+$0x50]  }
0x2e4: {  	[tilespmem:s17+$0xFFFFFFC0] =	vst v10;
	v6 =	vadd.f32 v8, v6;
	v8 =	vld [tilespmem:s17+$0xD0]  }
0x2e5: {  	[tilespmem:s17+$0x40] =	vst v5;
	v5 =	vld [tilespmem:s16+$0x20]  }
0x2e6: {  	[tilespmem:s17+$0xC0] =	vst v6;
	v6 =	vadd.f32 v7, v11;
	v7 =	vld [tilespmem:s17+$0xFFFFFF60]  }
0x2e7: {  	v10 =	vadd.f32 v12, v11;
	v12 =	vld [tilespmem:s17+$0xFFFFFFE0]  }
0x2e8: {  	[tilespmem:s17+$0xFFFFFF50] =	vst v6;
	v6 =	vadd.f32 v9, v11;
	v13 =	vld [tilespmem:s17+$0x60]  }
.Ltmp12:
0x2e9: {  	[tilespmem:s17+$0xFFFFFFD0] =	vst v10;
	v9 =	vadd.f32 v8, v11;
	v10 =	vld [tilespmem:s17+$0xE0];
	(pc) =	sbr.rel @p0 .LBB2_27-.Ltmp12, $4  }
0x2ea: {  	[tilespmem:s17+$0x50] =	vst v6;
	v8 =	vld [tilespmem:s17+$0xFFFFFF70]  }
0x2eb: {  	[tilespmem:s17+$0xD0] =	vst v9;
	v14 =	vadd.f32 v7, v5;
	v9 =	vld [tilespmem:s17+$0xFFFFFFF0]  }
0x2ec: {  	v11 =	vadd.f32 v12, v5;
	v7 =	vld [tilespmem:s17+$0x70]  }
0x2ed: {  	v6 =	vld [tilespmem:s16+$0xFFFFFFC0];
	[tilespmem:s17+$0xFFFFFF60] =	vst v14;
	v12 =	vadd.f32 v13, v5;
	s16 =	sadd.s32 $0x400, s16  }
0x2ee: {  	[tilespmem:s14+$0xFFFFFFE0] =	vst v11;
	v5 =	vadd.f32 v10, v5  }
0x2ef: {  	[tilespmem:s14+$0x60] =	vst v12;
	v8 =	vadd.f32 v8, v1  }
0x2f0: {  	[tilespmem:s14+$0xE0] =	vst v5;
	v61 =	vadd.f32 v9, v1  }
0x2f1: {  	s11 =	sadd.s32 $0x1, s11;
	[tilespmem:s14+$0xFFFFFF70] =	vst v8;
	v62 =	vadd.f32 v7, v1  }
0x2f2: {  	p0 =	sne.s32 s11, $0x8;
	v2 =	vadd.f32 v2, v6;
	[tilespmem:s14+$0xFFFFFFF0] =	vst v61  }
.Ltmp13:
0x2f3: {  	v3 =	vadd.f32 v3, v6;
	[tilespmem:s14+$0x70] =	vst v62;
	(pc) =	sbr.rel @p0 .LBB2_26-.Ltmp13, $4  }
0x2f4: {  	v63 =	vadd.f32 v4, v6;
	[tilespmem:s14+$0xFFFFFF00] =	vst v2  }
0x2f5: {  	v0 =	vadd.f32 v0, v6;
	[tilespmem:s14+$0xFFFFFF80] =	vst v3  }
0x2f6: {  	[tilespmem:s14+$0x0] =	vst v63  }
0x2f7: {  	s12 =	sadd.s32 $0x1000, s12;
	s13 =	sadd.s32 $0x80, s13;
	[tilespmem:s14+$0x80] =	vst v0  }
0x2f8: {  	s11 =	simm.s32 $0x0  }
0x2f9: {  	[hbm4b:s25+s11] =	stream.linear.scatter [tilespmem:s11], [sflag:$0x7], $0x8000, $0x38;
	[tilespmem:$0x1E000] =	vst v63  }
0x2fa: {  	_ =	swait.ge [sflag:s4], $0x8000  }
0x2fb: {  	[sflag:s4] =	ssyncset.done $0x0  }
0x2fc: {  	[sflag:s4] =	ssyncadd.s32 $0xFFFF8000  }
0x2fd: {  	_ =	swait.ge [sflag:s5], $0x2000  }
0x2fe: {  	[sflag:s5] =	ssyncset.done $0x0  }
0x2ff: {  	s12 =	simm.s32 $0x8100;
	s13 =	simm.s32 $0x1A040;
	[sflag:s5] =	ssyncadd.s32 $0xFFFFE000  }
.LBB2_30:
0x300: {  	v1 =	vld [tilespmem:s13+$0x30]  }
0x301: {  	v5 =	vld [tilespmem:s12+$0xF0]  }
0x302: {  	v2 =	vld [tilespmem:s12+$0xFFFFFF00]  }
0x303: {  	v3 =	vld [tilespmem:s12+$0xFFFFFF80]  }
0x304: {  	v4 =	vld [tilespmem:s12+$0x0]  }
0x305: {  	v0 =	vld [tilespmem:s12+$0x80]  }
0x306: {  	v6 =	vld [tilespmem:s13+$0xFFFFFFD0]  }
0x307: {  	v7 =	vld [tilespmem:s12+$0xFFFFFF10]  }
0x308: {  	v8 =	vld [tilespmem:s12+$0xFFFFFF90]  }
0x309: {  	v9 =	vld [tilespmem:s12+$0x10]  }
0x30a: {  	v10 =	vld [tilespmem:s12+$0x90]  }
0x30b: {  	v11 =	vld [tilespmem:s13+$0xFFFFFFE0]  }
0x30c: {  	v12 =	vld [tilespmem:s12+$0xFFFFFF20]  }
0x30d: {  	v13 =	vld [tilespmem:s12+$0xFFFFFFA0]  }
0x30e: {  	v14 =	vld [tilespmem:s12+$0x20]  }
0x30f: {  	v15 =	vld [tilespmem:s12+$0xA0]  }
0x310: {  	v16 =	vld [tilespmem:s13+$0xFFFFFFF0];
	v5 =	vadd.f32 v5, v1  }
0x311: {  	v17 =	vld [tilespmem:s12+$0xFFFFFF30];
	v7 =	vadd.f32 v7, v6  }
0x312: {  	[tilespmem:s12+$0xF0] =	vst v5;
	v5 =	vadd.f32 v8, v6;
	v8 =	vld [tilespmem:s12+$0xFFFFFFB0]  }
0x313: {  	[tilespmem:s12+$0xFFFFFF10] =	vst v7;
	v7 =	vadd.f32 v9, v6;
	v9 =	vld [tilespmem:s12+$0x30]  }
0x314: {  	[tilespmem:s12+$0xFFFFFF90] =	vst v5;
	v5 =	vadd.f32 v10, v6;
	v6 =	vld [tilespmem:s12+$0xB0]  }
0x315: {  	[tilespmem:s12+$0x10] =	vst v7;
	v7 =	vadd.f32 v12, v11;
	v10 =	vld [tilespmem:s13+$0x0]  }
0x316: {  	v12 =	vld [tilespmem:s12+$0xFFFFFF40];
	[tilespmem:s12+$0x90] =	vst v5;
	v5 =	vadd.f32 v13, v11  }
0x317: {  	[tilespmem:s12+$0xFFFFFF20] =	vst v7;
	v7 =	vadd.f32 v14, v11;
	v13 =	vld [tilespmem:s12+$0xFFFFFFC0]  }
0x318: {  	v14 =	vld [tilespmem:s12+$0xC0];
	[tilespmem:s12+$0xFFFFFFA0] =	vst v5;
	v5 =	vadd.f32 v15, v11  }
0x319: {  	v11 =	vld [tilespmem:s12+$0x40];
	[tilespmem:s12+$0x20] =	vst v7;
	v7 =	vadd.f32 v17, v16  }
0x31a: {  	v15 =	vld [tilespmem:s12+$0xD0];
	[tilespmem:s12+$0xA0] =	vst v5;
	v5 =	vadd.f32 v8, v16  }
0x31b: {  	v8 =	vld [tilespmem:s13+$0x10];
	[tilespmem:s12+$0xFFFFFF30] =	vst v7;
	v7 =	vadd.f32 v9, v16  }
0x31c: {  	v9 =	vld [tilespmem:s12+$0xFFFFFF50];
	[tilespmem:s12+$0xFFFFFFB0] =	vst v5;
	v5 =	vadd.f32 v6, v16  }
0x31d: {  	v6 =	vld [tilespmem:s12+$0xFFFFFFD0];
	[tilespmem:s12+$0x30] =	vst v7;
	v7 =	vadd.f32 v12, v10  }
0x31e: {  	v13 =	vadd.f32 v13, v10;
	v12 =	vld [tilespmem:s12+$0x50];
	[tilespmem:s12+$0xB0] =	vst v5  }
0x31f: {  	[tilespmem:s12+$0xFFFFFF40] =	vst v7;
	v7 =	vadd.f32 v11, v10;
	v5 =	vld [tilespmem:s13+$0x20]  }
0x320: {  	[tilespmem:s12+$0xFFFFFFC0] =	vst v13;
	v10 =	vadd.f32 v14, v10;
	v11 =	vld [tilespmem:s12+$0xFFFFFF60]  }
0x321: {  	v13 =	vld [tilespmem:s12+$0xFFFFFFE0];
	[tilespmem:s12+$0x40] =	vst v7;
	v7 =	vadd.f32 v9, v8  }
0x322: {  	v14 =	vld [tilespmem:s12+$0x60];
	[tilespmem:s12+$0xC0] =	vst v10;
	v6 =	vadd.f32 v6, v8  }
0x323: {  	v10 =	vld [tilespmem:s12+$0xE0];
	[tilespmem:s12+$0xFFFFFF50] =	vst v7;
	v7 =	vadd.f32 v12, v8  }
0x324: {  	[tilespmem:s12+$0xFFFFFFD0] =	vst v6;
	v6 =	vadd.f32 v15, v8;
	v8 =	vld [tilespmem:s12+$0xFFFFFF70]  }
0x325: {  	v9 =	vld [tilespmem:s12+$0xFFFFFFF0];
	v12 =	vadd.f32 v11, v5;
	[tilespmem:s12+$0x50] =	vst v7  }
0x326: {  	s15 =	simm.s32 $0x0;
	v11 =	vadd.f32 v13, v5;
	v7 =	vld [tilespmem:s12+$0x70];
	[tilespmem:s12+$0xD0] =	vst v6  }
0x327: {  	s16 =	sadd.s32 $0x400, s13;
	s14 =	smov.u32 s12;
	s17 =	smov.u32 s12;
	v6 =	vld [tilespmem:s13+$0xFFFFFFC0];
	[tilespmem:s12+$0xFFFFFF60] =	vst v12;
	v12 =	vadd.f32 v14, v5  }
.LBB2_31:
0x328: {  	v13 =	vld [tilespmem:s16+$0x30];
	[tilespmem:s14+$0xFFFFFFE0] =	vst v11;
	v5 =	vadd.f32 v10, v5;
	s17 =	sadd.s32 $0x200, s17  }
0x329: {  	s15 =	sadd.s32 $0x8, s15;
	v10 =	vld [tilespmem:s17+$0xF0];
	[tilespmem:s14+$0x60] =	vst v12;
	v8 =	vadd.f32 v8, v1  }
0x32a: {  	p0 =	slt.u32 s15, $0x38;
	v11 =	vld [tilespmem:s17+$0xFFFFFF00];
	[tilespmem:s14+$0xE0] =	vst v5;
	v5 =	vadd.f32 v9, v1  }
0x32b: {  	v9 =	vld [tilespmem:s17+$0xFFFFFF80];
	[tilespmem:s14+$0xFFFFFF70] =	vst v8;
	v8 =	vadd.f32 v7, v1  }
0x32c: {  	v7 =	vld [tilespmem:s17+$0x0];
	v12 =	vadd.f32 v2, v6;
	v3 =	vadd.f32 v3, v6;
	[tilespmem:s14+$0xFFFFFFF0] =	vst v5  }
0x32d: {  	v4 =	vadd.f32 v4, v6;
	v5 =	vadd.f32 v0, v6;
	v0 =	vld [tilespmem:s17+$0x80];
	[tilespmem:s14+$0x70] =	vst v8;
	v1 =	vmov v13  }
0x32e: {  	v6 =	vld [tilespmem:s16+$0xFFFFFFD0];
	v8 =	vadd.f32 v10, v1;
	[tilespmem:s14+$0xFFFFFF00] =	vst v12  }
0x32f: {  	v10 =	vld [tilespmem:s17+$0xFFFFFF10];
	[tilespmem:s14+$0xFFFFFF80] =	vst v3;
	v2 =	vmov v11  }
0x330: {  	v11 =	vld [tilespmem:s17+$0xFFFFFF90];
	[tilespmem:s17+$0xF0] =	vst v8;
	v3 =	vmov v9  }
0x331: {  	v8 =	vld [tilespmem:s17+$0x10];
	[tilespmem:s14+$0x0] =	vst v4;
	v4 =	vmov v7  }
0x332: {  	v7 =	vld [tilespmem:s17+$0x90];
	[tilespmem:s14+$0x80] =	vst v5;
	s14 =	smov.u32 s17  }
0x333: {  	v5 =	vld [tilespmem:s16+$0xFFFFFFE0]  }
0x334: {  	v9 =	vadd.f32 v10, v6;
	v10 =	vld [tilespmem:s17+$0xFFFFFF20]  }
0x335: {  	v11 =	vadd.f32 v11, v6;
	v12 =	vld [tilespmem:s17+$0xFFFFFFA0]  }
0x336: {  	[tilespmem:s17+$0xFFFFFF10] =	vst v9;
	v8 =	vadd.f32 v8, v6;
	v9 =	vld [tilespmem:s17+$0x20]  }
0x337: {  	[tilespmem:s17+$0xFFFFFF90] =	vst v11;
	v6 =	vadd.f32 v7, v6;
	v7 =	vld [tilespmem:s17+$0xA0]  }
0x338: {  	[tilespmem:s17+$0x10] =	vst v8;
	v8 =	vld [tilespmem:s16+$0xFFFFFFF0]  }
0x339: {  	[tilespmem:s17+$0x90] =	vst v6;
	v6 =	vadd.f32 v10, v5;
	v10 =	vld [tilespmem:s17+$0xFFFFFF30]  }
0x33a: {  	v11 =	vadd.f32 v12, v5;
	v12 =	vld [tilespmem:s17+$0xFFFFFFB0]  }
0x33b: {  	[tilespmem:s17+$0xFFFFFF20] =	vst v6;
	v6 =	vadd.f32 v9, v5;
	v9 =	vld [tilespmem:s17+$0x30]  }
0x33c: {  	[tilespmem:s17+$0xFFFFFFA0] =	vst v11;
	v5 =	vadd.f32 v7, v5;
	v7 =	vld [tilespmem:s17+$0xB0]  }
0x33d: {  	[tilespmem:s17+$0x20] =	vst v6;
	v6 =	vld [tilespmem:s16+$0x0]  }
0x33e: {  	[tilespmem:s17+$0xA0] =	vst v5;
	v5 =	vadd.f32 v10, v8;
	v10 =	vld [tilespmem:s17+$0xFFFFFF40]  }
0x33f: {  	v11 =	vadd.f32 v12, v8;
	v12 =	vld [tilespmem:s17+$0xFFFFFFC0]  }
0x340: {  	[tilespmem:s17+$0xFFFFFF30] =	vst v5;
	v5 =	vadd.f32 v9, v8;
	v9 =	vld [tilespmem:s17+$0x40]  }
0x341: {  	[tilespmem:s17+$0xFFFFFFB0] =	vst v11;
	v7 =	vadd.f32 v7, v8;
	v8 =	vld [tilespmem:s17+$0xC0]  }
0x342: {  	[tilespmem:s17+$0x30] =	vst v5;
	v11 =	vld [tilespmem:s16+$0x10]  }
0x343: {  	[tilespmem:s17+$0xB0] =	vst v7;
	v5 =	vadd.f32 v10, v6;
	v7 =	vld [tilespmem:s17+$0xFFFFFF50]  }
0x344: {  	v10 =	vadd.f32 v12, v6;
	v12 =	vld [tilespmem:s17+$0xFFFFFFD0]  }
0x345: {  	[tilespmem:s17+$0xFFFFFF40] =	vst v5;
	v5 =	vadd.f32 v9, v6;
	v9 =	vld [tilespmem:s17+$0x50]  }
0x346: {  	[tilespmem:s17+$0xFFFFFFC0] =	vst v10;
	v6 =	vadd.f32 v8, v6;
	v8 =	vld [tilespmem:s17+$0xD0]  }
0x347: {  	[tilespmem:s17+$0x40] =	vst v5;
	v5 =	vld [tilespmem:s16+$0x20]  }
0x348: {  	[tilespmem:s17+$0xC0] =	vst v6;
	v6 =	vadd.f32 v7, v11;
	v7 =	vld [tilespmem:s17+$0xFFFFFF60]  }
0x349: {  	v10 =	vadd.f32 v12, v11;
	v12 =	vld [tilespmem:s17+$0xFFFFFFE0]  }
0x34a: {  	[tilespmem:s17+$0xFFFFFF50] =	vst v6;
	v6 =	vadd.f32 v9, v11;
	v13 =	vld [tilespmem:s17+$0x60]  }
.Ltmp14:
0x34b: {  	[tilespmem:s17+$0xFFFFFFD0] =	vst v10;
	v9 =	vadd.f32 v8, v11;
	v10 =	vld [tilespmem:s17+$0xE0];
	(pc) =	sbr.rel @p0 .LBB2_31-.Ltmp14, $4  }
0x34c: {  	[tilespmem:s17+$0x50] =	vst v6;
	v8 =	vld [tilespmem:s17+$0xFFFFFF70]  }
0x34d: {  	[tilespmem:s17+$0xD0] =	vst v9;
	v14 =	vadd.f32 v7, v5;
	v9 =	vld [tilespmem:s17+$0xFFFFFFF0]  }
0x34e: {  	v11 =	vadd.f32 v12, v5;
	v7 =	vld [tilespmem:s17+$0x70]  }
0x34f: {  	v6 =	vld [tilespmem:s16+$0xFFFFFFC0];
	[tilespmem:s17+$0xFFFFFF60] =	vst v14;
	v12 =	vadd.f32 v13, v5;
	s16 =	sadd.s32 $0x400, s16  }
0x350: {  	[tilespmem:s14+$0xFFFFFFE0] =	vst v11;
	v5 =	vadd.f32 v10, v5  }
0x351: {  	[tilespmem:s14+$0x60] =	vst v12;
	v8 =	vadd.f32 v8, v1  }
0x352: {  	[tilespmem:s14+$0xE0] =	vst v5;
	v61 =	vadd.f32 v9, v1  }
0x353: {  	s11 =	sadd.s32 $0x1, s11;
	[tilespmem:s14+$0xFFFFFF70] =	vst v8;
	v62 =	vadd.f32 v7, v1  }
0x354: {  	p0 =	sne.s32 s11, $0x8;
	v2 =	vadd.f32 v2, v6;
	[tilespmem:s14+$0xFFFFFFF0] =	vst v61  }
.Ltmp15:
0x355: {  	v3 =	vadd.f32 v3, v6;
	[tilespmem:s14+$0x70] =	vst v62;
	(pc) =	sbr.rel @p0 .LBB2_30-.Ltmp15, $4  }
0x356: {  	v63 =	vadd.f32 v4, v6;
	[tilespmem:s14+$0xFFFFFF00] =	vst v2  }
0x357: {  	v0 =	vadd.f32 v0, v6;
	[tilespmem:s14+$0xFFFFFF80] =	vst v3  }
0x358: {  	[tilespmem:s14+$0x0] =	vst v63  }
0x359: {  	s12 =	sadd.s32 $0x1000, s12;
	s13 =	sadd.s32 $0x80, s13;
	[tilespmem:s14+$0x80] =	vst v0  }
0x35a: {  	[hbm4b:s26+s1] =	stream.linear.scatter [tilespmem:s30], [sflag:$0x8], $0x8000, $0x38;
	[tilespmem:$0x1E000] =	vst v63  }
0x35b: {  	_ =	swait.ge [sflag:s3], $0x8000  }
0x35c: {  	[sflag:s3] =	ssyncset.done $0x0  }
0x35d: {  	s10 =	sadd.s32 $0x1, s10;
	[sflag:s3] =	ssyncadd.s32 $0xFFFF8000  }
0x35e: {  	p0 =	sne.s32 s10, s28;
	_ =	swait.ge [sflag:s6], $0x8000  }
.Ltmp16:
0x35f: {  	[sflag:s6] =	ssyncset.done $0x0;
	(pc) =	sbr.rel @p0 .LBB2_1-.Ltmp16, $4  }
0x360: {  	[sflag:s6] =	ssyncadd.s32 $0xFFFF8000  }
0x361: {  	_ =	swait.ge [sflag:s9], $0x8000  }
0x362: {  	[sflag:s9] =	ssyncset.done $0x0  }
0x363: {  	[sflag:s9] =	ssyncadd.s32 $0xFFFF8000  }
0x364: {  	_ =	sfence.sel $0x180000  }
0x365: {  	[bflag:$0x0] =	sbarrier.arrive $0xFFFF  }
0x366: {  	_ =	strace $0x90000047  }
0x367: {  	s0 =	stileid.u32;
	[bflag:$0x2] =	sbarrier.arrive $0xFFFF  }
0x368: {  	p0 =	sne.s32 s0, $0x0;
	s0 =	rddreg [dreg:$0x3]  }
0x369: {  	s0 =	sadd.s32 @!p0 $0x100000, s0  }
0x36a: {  	[sflag:s0] =	ssyncadd.tile.s32 @!p0 $0x1;
	_ =	shalt  }
.Lfunc_end2:
_tile_overlayer_lowered:
.L_overlay_start_2:
0x36b: {  	(tag) =	ssettag $0x2  }
0x36c: {  	s0 =	rddreg [dreg:$0x0];
	s2 =	stileid.u32  }
0x36d: {  	s1 =	rddreg [dreg:$0x1];
	p0 =	sne.s32 s2, $0x0  }
0x36e: {  	s3 =	rddreg [dreg:$0x2];
	[bflag:$0x3] =	sbarrier.arrive $0xFFFF;
	s2 =	simm.s32 @!p0 $0x1C0A  }
0x36f: {  	[timem:s3], [sflag:s2] =	dma.local @!p0 [hbm:s0], s1  }
0x370: {  	s0 =	simm.s32 @!p0 $0xA  }
0x371: {  	_ =	swait.ge @!p0 [sflag:s0], s1  }
0x372: {  	s1 =	ssub.s32 @!p0 $0x0, s1;
	[sflag:s0] =	ssyncset.done @!p0 $0x0  }
0x373: {  	[sflag:s0] =	ssyncadd.s32 @!p0 s1  }
0x374: {  	[bflag:$0x3] =	sbarrier.arrive $0xFFFF  }
0x375: {  	_ =	shalt  }

</sc_bundles>
